<compile_context>
chip_gen: v7x
topology: tpu7x:2x2x1
jax: 0.10.2.dev20260603
libtpu: 0.0.44.dev20260713+nightly
codegen_flags: <defaults>
</compile_context>

<pallas_src>
import jax
import jax.numpy as jnp
from jax import lax
from jax.experimental import pallas as pl
from jax.experimental.pallas import tpu as pltpu
from jax.experimental.pallas import tpu_sc as plsc

U = 50000
I = 50000
D = 128
B = 4096
DEG = 32

NC = 2
NS = 16
NW = NC * NS
BW = B // NW


def _transpose_adj(adj, adjT):
    lanes = lax.iota(jnp.int32, 16)

    def jbody(j, c):
        jv = jnp.full((16,), j, jnp.int32)
        for g in range(BW // 16):
            rows = lanes + (g * 16)
            vals = plsc.load_gather(adj, [rows, jv])
            adjT[j, pl.ds(g * 16, 16)] = vals
        return c

    lax.fori_loop(0, DEG, jbody, 0)


def _fire_mean_gather(table, adjT, acc, sem):
    pltpu.async_copy(table.at[adjT.at[0]], acc, sem).wait()

    def jbody(j, c):
        pltpu.async_copy(table.at[adjT.at[j]], acc, sem, add=True)
        return c

    lax.fori_loop(1, DEG, jbody, 0)


def _drain(table, acc, sem, count):
    def dbody(j, c):
        pltpu.make_async_copy(table.at[pl.ds(0, BW)], acc, sem).wait()
        return c

    lax.fori_loop(0, count, dbody, 0)


def _scale(accA, c0):
    def ibody(i, c):
        for g in range(D // 16):
            s = pl.ds(g * 16, 16)
            accA[i, s] = accA[i, s] * c0
        return c

    lax.fori_loop(0, BW, ibody, 0)


def _sc_a_body(v2e, nodes_u, nodes_v, u_v, coef,
               hist_o, self_v_o,
               nodes_b, nodes_b2, adj, adjT, accA, accB, coef_v, sem, sem2):
    wid = lax.axis_index("s") * NC + lax.axis_index("c")
    base = wid * BW

    pltpu.sync_copy(coef, coef_v)
    c_inv = coef_v[pl.ds(0, 16)]

    pltpu.sync_copy(nodes_u.at[pl.ds(base, BW)], nodes_b)
    adj_cp = pltpu.async_copy(u_v.at[nodes_b], adj, sem2)
    pltpu.sync_copy(nodes_v.at[pl.ds(base, BW)], nodes_b2)
    sv = pltpu.async_copy(v2e.at[nodes_b2], accB, sem)

    adj_cp.wait()
    _transpose_adj(adj, adjT)
    sv.wait()
    pltpu.sync_copy(accB, self_v_o.at[pl.ds(base, BW)])

    _fire_mean_gather(v2e, adjT, accA, sem)
    _drain(v2e, accA, sem, DEG - 1)
    _scale(accA, c_inv)
    pltpu.sync_copy(accA, hist_o.at[pl.ds(base, BW)])


def _sc_b_body(mixed, nodes_u, nodes_v, u_u, v_u, coef,
               self_u_o, soc_o, vagg_o,
               nodes_b, nodes_b2, adj, adj2, adjT, adjT2, accA, accB,
               coef_v, sem, sem2, sem3):
    wid = lax.axis_index("s") * NC + lax.axis_index("c")
    base = wid * BW

    pltpu.sync_copy(coef, coef_v)
    c_inv = coef_v[pl.ds(0, 16)]

    pltpu.sync_copy(nodes_u.at[pl.ds(base, BW)], nodes_b)
    adj_cp = pltpu.async_copy(u_u.at[nodes_b], adj, sem2)
    su = pltpu.async_copy(mixed.at[nodes_b], accB, sem)
    pltpu.sync_copy(nodes_v.at[pl.ds(base, BW)], nodes_b2)
    adj_cp2 = pltpu.async_copy(v_u.at[nodes_b2], adj2, sem2)

    adj_cp.wait()
    _transpose_adj(adj, adjT)
    su.wait()
    pltpu.sync_copy(accB, self_u_o.at[pl.ds(base, BW)])

    _fire_mean_gather(mixed, adjT, accA, sem)
    adj_cp2.wait()
    _transpose_adj(adj2, adjT2)
    _fire_mean_gather(mixed, adjT2, accB, sem3)
    _drain(mixed, accA, sem, DEG - 1)
    _scale(accA, c_inv)
    pltpu.sync_copy(accA, soc_o.at[pl.ds(base, BW)])
    _drain(mixed, accB, sem3, DEG - 1)
    _scale(accB, c_inv)
    pltpu.sync_copy(accB, vagg_o.at[pl.ds(base, BW)])


def _sc_mesh():
    return plsc.VectorSubcoreMesh(
        core_axis_name="c", subcore_axis_name="s",
        num_cores=NC, num_subcores=NS)


def _sc_a(v2e, nodes_u, nodes_v, u_vp, coef):
    f32 = jnp.float32
    i32 = jnp.int32
    run = pl.kernel(
        _sc_a_body,
        out_type=tuple(jax.ShapeDtypeStruct((B, D), f32) for _ in range(2)),
        mesh=_sc_mesh(),
        compiler_params=pltpu.CompilerParams(needs_layout_passes=False),
        scratch_types=[
            pltpu.VMEM((BW,), i32),
            pltpu.VMEM((BW,), i32),
            pltpu.VMEM((BW, 128), i32),
            pltpu.VMEM((DEG, BW), i32),
            pltpu.VMEM((BW, D), f32),
            pltpu.VMEM((BW, D), f32),
            pltpu.VMEM((128,), f32),
            pltpu.SemaphoreType.DMA,
            pltpu.SemaphoreType.DMA,
        ],
    )
    return run(v2e, nodes_u, nodes_v, u_vp, coef)


def _sc_b(mixed, nodes_u, nodes_v, u_up, v_up, coef):
    f32 = jnp.float32
    i32 = jnp.int32
    run = pl.kernel(
        _sc_b_body,
        out_type=tuple(jax.ShapeDtypeStruct((B, D), f32) for _ in range(3)),
        mesh=_sc_mesh(),
        compiler_params=pltpu.CompilerParams(needs_layout_passes=False),
        scratch_types=[
            pltpu.VMEM((BW,), i32),
            pltpu.VMEM((BW,), i32),
            pltpu.VMEM((BW, 128), i32),
            pltpu.VMEM((BW, 128), i32),
            pltpu.VMEM((DEG, BW), i32),
            pltpu.VMEM((DEG, BW), i32),
            pltpu.VMEM((BW, D), f32),
            pltpu.VMEM((BW, D), f32),
            pltpu.VMEM((128,), f32),
            pltpu.SemaphoreType.DMA,
            pltpu.SemaphoreType.DMA,
            pltpu.SemaphoreType.DMA,
        ],
    )
    return run(mixed, nodes_u, nodes_v, u_up, v_up, coef)


_MIXR = 4096
_PADR = 4096


def _mix_body(r_ref, t_ref, c_ref, o_ref):
    bf16 = jnp.bfloat16
    f32 = jnp.float32
    r = r_ref[...].astype(bf16).astype(f32)
    t = t_ref[...].astype(bf16).astype(f32)
    o_ref[...] = c_ref[0, 0] * r + c_ref[0, 1] * t


def _mix_table(u2e_r, u2e_t, csc):
    f32 = jnp.float32
    n = u2e_r.shape[0]
    grid = (n + _MIXR - 1) // _MIXR
    return pl.pallas_call(
        _mix_body,
        grid=(grid,),
        in_specs=[
            pl.BlockSpec((_MIXR, D), lambda i: (i, 0)),
            pl.BlockSpec((_MIXR, D), lambda i: (i, 0)),
            pl.BlockSpec(memory_space=pltpu.SMEM),
        ],
        out_specs=pl.BlockSpec((_MIXR, D), lambda i: (i, 0)),
        out_shape=jax.ShapeDtypeStruct((n, D), f32),
    )(u2e_r, u2e_t, csc)


def _padT_body1(a_ref, ao_ref):
    z = jnp.zeros((_PADR, 128 - DEG), jnp.int32)
    ao_ref[...] = jnp.concatenate([jnp.swapaxes(a_ref[...], 0, 1), z], axis=1)


def _padT_body2(a_ref, b_ref, ao_ref, bo_ref):
    z = jnp.zeros((_PADR, 128 - DEG), jnp.int32)
    ao_ref[...] = jnp.concatenate([jnp.swapaxes(a_ref[...], 0, 1), z], axis=1)
    bo_ref[...] = jnp.concatenate([jnp.swapaxes(b_ref[...], 0, 1), z], axis=1)


def _pad_adj(*adjTs):
    i32 = jnp.int32
    n = adjTs[0].shape[1]
    grid = (n + _PADR - 1) // _PADR
    spec_in = pl.BlockSpec((DEG, _PADR), lambda i: (0, i))
    spec_out = pl.BlockSpec((_PADR, 128), lambda i: (i, 0))
    out = pl.pallas_call(
        _padT_body1 if len(adjTs) == 1 else _padT_body2,
        grid=(grid,),
        in_specs=[spec_in] * len(adjTs),
        out_specs=[spec_out] * len(adjTs),
        out_shape=[jax.ShapeDtypeStruct((n, 128), i32)] * len(adjTs),
    )(*adjTs)
    return out


def _bn(x, g, b):
    m = jnp.mean(x, axis=0, keepdims=True)
    v = jnp.mean((x - m) * (x - m), axis=0, keepdims=True)
    return g * (x - m) / jnp.sqrt(v + 1e-5) + b


def _tc_body(self_u, hist_agg, soc_agg, self_v, vagg,
             W_enc_u, b_enc_u, W_soc, b_soc, W_enc_v, b_enc_v,
             w_ur1, b_ur1, w_ur2, b_ur2, w_vr1, b_vr1, w_vr2, b_vr2,
             w_uv1, b_uv1, w_uv2, b_uv2, w_uv3, b_uv3,
             bn1_g, bn1_b, bn2_g, bn2_b, bn3_g, bn3_b, bn4_g, bn4_b,
             out):
    f32 = jnp.float32

    def mm(a, w):
        return lax.dot_general(a, w, (((1,), (0,)), ((), ())),
                               preferred_element_type=f32)

    hist = jnp.maximum(
        mm(jnp.concatenate([self_u[...], hist_agg[...]], axis=1),
           W_enc_u[...]) + b_enc_u[...], 0.0)
    emb_u = jnp.maximum(
        mm(jnp.concatenate([hist, soc_agg[...]], axis=1),
           W_soc[...]) + b_soc[...], 0.0)
    emb_v = jnp.maximum(
        mm(jnp.concatenate([self_v[...], vagg[...]], axis=1),
           W_enc_v[...]) + b_enc_v[...], 0.0)

    x_u = jnp.maximum(
        _bn(mm(emb_u, w_ur1[...]) + b_ur1[...], bn1_g[...], bn1_b[...]), 0.0)
    x_u = mm(x_u, w_ur2[...]) + b_ur2[...]
    x_v = jnp.maximum(
        _bn(mm(emb_v, w_vr1[...]) + b_vr1[...], bn2_g[...], bn2_b[...]), 0.0)
    x_v = mm(x_v, w_vr2[...]) + b_vr2[...]

    x = jnp.maximum(
        _bn(mm(jnp.concatenate([x_u, x_v], axis=1), w_uv1[...]) + b_uv1[...],
            bn3_g[...], bn3_b[...]), 0.0)
    x = jnp.maximum(
        _bn(mm(x, w_uv2[...]) + b_uv2[...], bn4_g[...], bn4_b[...]), 0.0)
    out[...] = (mm(x, w_uv3[...]) + b_uv3[...])[:, 0]


def kernel(params, nodes_u, nodes_v, labels_list, u_v, u_u, v_u):
    p = params
    f32 = jnp.float32
    i32 = jnp.int32
    nodes_u = nodes_u.astype(i32)
    nodes_v = nodes_v.astype(i32)

    bf16 = jnp.bfloat16
    csc = jnp.stack([p['share_p'][0, 0], p['share_p'][0, 1]]).astype(
        bf16).astype(f32).reshape(1, 2)

    coef = jnp.concatenate([
        jnp.full((16,), 1.0 / DEG, f32),
        jnp.zeros((112,), f32),
    ])

    (u_vp,) = _pad_adj(u_v.astype(i32).T)
    hist_agg, self_v = _sc_a(p['v2e_w'].astype(f32), nodes_u, nodes_v,
                             u_vp, coef)

    u2e_r, u2e_t, u_uT, v_uT, _ = lax.optimization_barrier(
        (p['u2e_r_w'].astype(f32), p['u2e_t_w'].astype(f32),
         u_u.astype(i32).T, v_u.astype(i32).T, u_vp))
    mixed = _mix_table(u2e_r, u2e_t, csc)
    u_up, v_up = _pad_adj(u_uT, v_uT)
    self_u, soc_agg, vagg = _sc_b(mixed, nodes_u, nodes_v, u_up, v_up, coef)

    def r2(v):
        return v.astype(f32).reshape(1, -1)

    scores = pl.pallas_call(
        _tc_body,
        out_shape=jax.ShapeDtypeStruct((B,), f32),
    )(self_u, hist_agg, soc_agg, self_v, vagg,
      p['W_enc_u'].astype(f32), r2(p['b_enc_u']),
      p['W_soc'].astype(f32), r2(p['b_soc']),
      p['W_enc_v'].astype(f32), r2(p['b_enc_v']),
      p['w_ur1'].astype(f32), r2(p['b_ur1']),
      p['w_ur2'].astype(f32), r2(p['b_ur2']),
      p['w_vr1'].astype(f32), r2(p['b_vr1']),
      p['w_vr2'].astype(f32), r2(p['b_vr2']),
      p['w_uv1'].astype(f32), r2(p['b_uv1']),
      p['w_uv2'].astype(f32), r2(p['b_uv2']),
      p['w_uv3'].astype(f32), r2(p['b_uv3']),
      r2(p['bn1_g']), r2(p['bn1_b']), r2(p['bn2_g']), r2(p['bn2_b']),
      r2(p['bn3_g']), r2(p['bn3_b']), r2(p['bn4_g']), r2(p['bn4_b']))
    return scores

# --- scband reference (transcript-rebuilt; emitter-appended) ---
"""Pipeline reference for scband-graph-session-74431783239699 (READ-ONLY COPY).

The authoritative reference and input builder live on the scoring server;
editing this copy changes nothing except your own understanding.
"""

import jax, jax.numpy as jnp
import numpy as np

U = 50000
I = 50000
D = 128
B = 4096
DEG = 32

def _bn(x, g, b):
    m = jnp.mean(x, axis=0)
    v = jnp.var(x, axis=0)
    return g * (x - m) / jnp.sqrt(v + 1e-5) + b

def setup_inputs(seed: int = 0):
    key = jax.random.key(seed)
    ks = jax.random.split(key, 32)
    nodes_u = jax.random.randint(ks[0], (B,), 0, U)
    nodes_v = jax.random.randint(ks[1], (B,), 0, I)
    labels_list = jax.random.uniform(ks[2], (B,))
    u_v = jax.random.randint(ks[3], (U + 1, DEG), 0, I + 1)
    u_u = jax.random.randint(ks[4], (U + 1, DEG), 0, U + 1)
    v_u = jax.random.randint(ks[5], (I + 1, DEG), 0, U + 1)
    def lin(k, fi, fo):
        k1, k2 = jax.random.split(k)
        s = 1.0 / np.sqrt(fi)
        return (jax.random.uniform(k1, (fi, fo), minval=-s, maxval=s),
                jax.random.uniform(k2, (fo,), minval=-s, maxval=s))
    params = {}
    params['u2e_r_w'] = jax.random.normal(ks[6], (U + 1, D)) * 0.02
    params['u2e_t_w'] = jax.random.normal(ks[7], (U + 1, D)) * 0.02
    params['v2e_w'] = jax.random.normal(ks[8], (I + 1, D)) * 0.02
    params['share_p'] = jnp.eye(2) + jax.random.normal(ks[9], (2, 2)) * 0.01
    params['W_enc_u'], params['b_enc_u'] = lin(ks[10], 2 * D, D)
    params['W_soc'], params['b_soc'] = lin(ks[11], 2 * D, D)
    params['W_enc_v'], params['b_enc_v'] = lin(ks[12], 2 * D, D)
    params['w_ur1'], params['b_ur1'] = lin(ks[13], D, D)
    params['w_ur2'], params['b_ur2'] = lin(ks[14], D, D)
    params['w_vr1'], params['b_vr1'] = lin(ks[15], D, D)
    params['w_vr2'], params['b_vr2'] = lin(ks[16], D, D)
    params['w_uv1'], params['b_uv1'] = lin(ks[17], 2 * D, D)
    params['w_uv2'], params['b_uv2'] = lin(ks[18], D, 16)
    params['w_uv3'], params['b_uv3'] = lin(ks[19], 16, 1)
    for nm, dim in [('1', D), ('2', D), ('3', D), ('4', 16)]:
        params['bn' + nm + '_g'] = jnp.ones((dim,))
        params['bn' + nm + '_b'] = jnp.zeros((dim,))
    return {'params': params, 'nodes_u': nodes_u, 'nodes_v': nodes_v,
            'labels_list': labels_list, 'u_v': u_v, 'u_u': u_u, 'v_u': v_u}

def reference(params, nodes_u, nodes_v, labels_list, u_v, u_u, v_u):
    p = params
    # shared-parameter mixing of the two user embedding tables (share_p @ flattened tables)
    flat = jnp.stack([p['u2e_r_w'].reshape(-1), p['u2e_t_w'].reshape(-1)], axis=0)
    mixed = p['share_p'] @ flat
    u2e_r_new = mixed[0].reshape(U + 1, D)
    # UV_Aggregator + UV_Encoder for users: gather item neighbors, mean-aggregate, combine
    self_u = jnp.take(u2e_r_new, nodes_u, axis=0)
    hist_agg = jnp.mean(jnp.take(p['v2e_w'], jnp.take(u_v, nodes_u, axis=0), axis=0), axis=1)
    hist = jax.nn.relu(jnp.concatenate([self_u, hist_agg], axis=1) @ p['W_enc_u'] + p['b_enc_u'])
    # Social_Aggregator + Social_Encoder: gather user-user neighbors
    soc_agg = jnp.mean(jnp.take(u2e_r_new, jnp.take(u_u, nodes_u, axis=0), axis=0), axis=1)
    embeds_u = jax.nn.relu(jnp.concatenate([hist, soc_agg], axis=1) @ p['W_soc'] + p['b_soc'])
    # item-side encoder: gather user neighbors of each item
    self_v = jnp.take(p['v2e_w'], nodes_v, axis=0)
    v_agg = jnp.mean(jnp.take(u2e_r_new, jnp.take(v_u, nodes_v, axis=0), axis=0), axis=1)
    embeds_v = jax.nn.relu(jnp.concatenate([self_v, v_agg], axis=1) @ p['W_enc_v'] + p['b_enc_v'])
    # rating-prediction MLP head (flag==1 path); dropout is identity in eval
    x_u = jax.nn.relu(_bn(embeds_u @ p['w_ur1'] + p['b_ur1'], p['bn1_g'], p['bn1_b']))
    x_u = x_u @ p['w_ur2'] + p['b_ur2']
    x_v = jax.nn.relu(_bn(embeds_v @ p['w_vr1'] + p['b_vr1'], p['bn2_g'], p['bn2_b']))
    x_v = x_v @ p['w_vr2'] + p['b_vr2']
    x = jax.nn.relu(_bn(jnp.concatenate([x_u, x_v], axis=1) @ p['w_uv1'] + p['b_uv1'], p['bn3_g'], p['bn3_b']))
    x = jax.nn.relu(_bn(x @ p['w_uv2'] + p['b_uv2'], p['bn4_g'], p['bn4_b']))
    scores_r = (x @ p['w_uv3'] + p['b_uv3']).squeeze(-1)
    return scores_r

if __name__ == "__main__":
    import jax
    _d = setup_inputs()
    print(jax.jit(kernel)(*tuple(_d.values())))

</pallas_src>

<mosaic_0001>
#map = affine_map<(d0, d1) -> (0, 0)>
#map1 = affine_map<(d0, d1) -> (0)>
module attributes {stable_mosaic.version = 14 : i64} {
  func.func @_sc_a_body(%arg0: i32, %arg1: i32, %arg2: memref<50001x128xf32, #tpu.memory_space<hbm>>, %arg3: memref<4096xi32, #tpu.memory_space<hbm>>, %arg4: memref<4096xi32, #tpu.memory_space<hbm>>, %arg5: memref<50001x128xi32, #tpu.memory_space<hbm>>, %arg6: memref<128xf32, #tpu.memory_space<hbm>>, %arg7: memref<4096x128xf32, #tpu.memory_space<hbm>>, %arg8: memref<4096x128xf32, #tpu.memory_space<hbm>>, %arg9: memref<128xi32, #tpu.memory_space<vmem>>, %arg10: memref<128xi32, #tpu.memory_space<vmem>>, %arg11: memref<128x128xi32, #tpu.memory_space<vmem>>, %arg12: memref<32x128xi32, #tpu.memory_space<vmem>>, %arg13: memref<128x128xf32, #tpu.memory_space<vmem>>, %arg14: memref<128x128xf32, #tpu.memory_space<vmem>>, %arg15: memref<128xf32, #tpu.memory_space<vmem>>, %arg16: memref<!tpu.dma_semaphore, #tpu.memory_space<semaphore_mem>>, %arg17: memref<!tpu.dma_semaphore, #tpu.memory_space<semaphore_mem>>) attributes {dimension_semantics = [#tpu.dimension_semantics<core_parallel>, #tpu.dimension_semantics<subcore_parallel>], iteration_bounds = array<i64: 2, 16>, scalar_prefetch = 0 : i64, scratch_operands = 9 : i64, tpu.core_type = #tpu.core_type<sc_vector_subcore>, window_params = [{transform_indices = #map}, {transform_indices = #map1}, {transform_indices = #map1}, {transform_indices = #map}, {transform_indices = #map1}, {transform_indices = #map}, {transform_indices = #map}]} {
    %mul3A = arith.constant 2 : i32
    %mul3A_0 = arith.muli %arg1, %mul3A : i32
    %add3A = arith.addi %mul3A_0, %arg0 : i32
    %mul3A_1 = arith.constant 128 : i32
    %mul3A_2 = arith.muli %add3A, %mul3A_1 : i32
    "tpu.region"() ({
      %run_scoped3A = tpu.sem_alloc : memref<!tpu.dma_semaphore, #tpu.memory_space<semaphore_mem>>
      tpu.enqueue_dma source(%arg6 : memref<128xf32, #tpu.memory_space<hbm>>) target(%arg15 : memref<128xf32, #tpu.memory_space<vmem>>) target_semaphore(%run_scoped3A : memref<!tpu.dma_semaphore, #tpu.memory_space<semaphore_mem>>)
      tpu.wait_dma2 semaphore(%run_scoped3A : memref<!tpu.dma_semaphore, #tpu.memory_space<semaphore_mem>>) src(%arg6 : memref<128xf32, #tpu.memory_space<hbm>>) dst(%arg15 : memref<128xf32, #tpu.memory_space<vmem>>)
      tpu.yield
    }) : () -> ()
    %get3A = arith.constant 0 : index
    %get3A_3 = tpu.vector_load %arg15[%get3A] {strides = array<i32>} : memref<128xf32, #tpu.memory_space<vmem>>, vector<16xf32>,
    "tpu.region"() ({
      %run_scoped3A = tpu.sem_alloc : memref<!tpu.dma_semaphore, #tpu.memory_space<semaphore_mem>>
      %dma_start3A_51 = tpu.memref_slice %arg3[%mul3A_2] : memref<4096xi32, #tpu.memory_space<hbm>> -> memref<128xi32, #tpu.memory_space<hbm>>
      %dma_start3A_52 = tpu.memref_slice %arg3[%mul3A_2] : memref<4096xi32, #tpu.memory_space<hbm>> -> memref<128xi32, #tpu.memory_space<hbm>>
      tpu.enqueue_dma source(%dma_start3A_52 : memref<128xi32, #tpu.memory_space<hbm>>) target(%arg9 : memref<128xi32, #tpu.memory_space<vmem>>) target_semaphore(%run_scoped3A : memref<!tpu.dma_semaphore, #tpu.memory_space<semaphore_mem>>)
      %dma_wait3A_53 = tpu.memref_slice %arg3[%mul3A_2] : memref<4096xi32, #tpu.memory_space<hbm>> -> memref<128xi32, #tpu.memory_space<hbm>>
      %dma_wait3A_54 = tpu.memref_slice %arg3[%mul3A_2] : memref<4096xi32, #tpu.memory_space<hbm>> -> memref<128xi32, #tpu.memory_space<hbm>>
      tpu.wait_dma2 semaphore(%run_scoped3A : memref<!tpu.dma_semaphore, #tpu.memory_space<semaphore_mem>>) src(%dma_wait3A_54 : memref<128xi32, #tpu.memory_space<hbm>>) dst(%arg9 : memref<128xi32, #tpu.memory_space<vmem>>)
      tpu.yield
    }) : () -> ()
    %dma_start3A = arith.constant 0 : i32
    %dma_start3A_4 = arith.constant 0 : i32
    %dma_start3A_5 = tpu.memref_slice %arg5[%dma_start3A, %dma_start3A_4] : memref<50001x128xi32, #tpu.memory_space<hbm>> -> memref<50001x128xi32, #tpu.memory_space<hbm>>
    tpu.enqueue_indirect_dma source(%dma_start3A_5 : memref<50001x128xi32, #tpu.memory_space<hbm>>) target(%arg11 : memref<128x128xi32, #tpu.memory_space<vmem>>) offsets(%arg9 : memref<128xi32, #tpu.memory_space<vmem>>) semaphore(%arg17 : memref<!tpu.dma_semaphore, #tpu.memory_space<semaphore_mem>>)
    "tpu.region"() ({
      %run_scoped3A = tpu.sem_alloc : memref<!tpu.dma_semaphore, #tpu.memory_space<semaphore_mem>>
      %dma_start3A_51 = tpu.memref_slice %arg4[%mul3A_2] : memref<4096xi32, #tpu.memory_space<hbm>> -> memref<128xi32, #tpu.memory_space<hbm>>
      %dma_start3A_52 = tpu.memref_slice %arg4[%mul3A_2] : memref<4096xi32, #tpu.memory_space<hbm>> -> memref<128xi32, #tpu.memory_space<hbm>>
      tpu.enqueue_dma source(%dma_start3A_52 : memref<128xi32, #tpu.memory_space<hbm>>) target(%arg10 : memref<128xi32, #tpu.memory_space<vmem>>) target_semaphore(%run_scoped3A : memref<!tpu.dma_semaphore, #tpu.memory_space<semaphore_mem>>)
      %dma_wait3A_53 = tpu.memref_slice %arg4[%mul3A_2] : memref<4096xi32, #tpu.memory_space<hbm>> -> memref<128xi32, #tpu.memory_space<hbm>>
      %dma_wait3A_54 = tpu.memref_slice %arg4[%mul3A_2] : memref<4096xi32, #tpu.memory_space<hbm>> -> memref<128xi32, #tpu.memory_space<hbm>>
      tpu.wait_dma2 semaphore(%run_scoped3A : memref<!tpu.dma_semaphore, #tpu.memory_space<semaphore_mem>>) src(%dma_wait3A_54 : memref<128xi32, #tpu.memory_space<hbm>>) dst(%arg10 : memref<128xi32, #tpu.memory_space<vmem>>)
      tpu.yield
    }) : () -> ()
    %dma_start3A_6 = arith.constant 0 : i32
    %dma_start3A_7 = arith.constant 0 : i32
    %dma_start3A_8 = tpu.memref_slice %arg2[%dma_start3A_6, %dma_start3A_7] : memref<50001x128xf32, #tpu.memory_space<hbm>> -> memref<50001x128xf32, #tpu.memory_space<hbm>>
    tpu.enqueue_indirect_dma source(%dma_start3A_8 : memref<50001x128xf32, #tpu.memory_space<hbm>>) target(%arg14 : memref<128x128xf32, #tpu.memory_space<vmem>>) offsets(%arg10 : memref<128xi32, #tpu.memory_space<vmem>>) semaphore(%arg16 : memref<!tpu.dma_semaphore, #tpu.memory_space<semaphore_mem>>)
    %dma_wait3A = arith.constant 0 : i32
    %dma_wait3A_9 = arith.constant 0 : i32
    %dma_wait3A_10 = tpu.memref_slice %arg5[%dma_wait3A, %dma_wait3A_9] : memref<50001x128xi32, #tpu.memory_space<hbm>> -> memref<50001x128xi32, #tpu.memory_space<hbm>>
    tpu.wait_indirect_dma semaphore(%arg17 : memref<!tpu.dma_semaphore, #tpu.memory_space<semaphore_mem>>) src(%dma_wait3A_10 : memref<50001x128xi32, #tpu.memory_space<hbm>>) dst(%arg11 : memref<128x128xi32, #tpu.memory_space<vmem>>)
    %iota3A = tpu.iota {dimensions = array<i32: 0>} : vector<16xi32>
    %scan3A = arith.constant 0 : i32
    %scan3A_11 = arith.constant 0 : i32
    %scan3A_12 = arith.constant 32 : i32
    %scan3A_13 = arith.addi %scan3A_11, %scan3A_12 : i32
    %scan3A_14 = arith.constant 1 : i32
    scf.for %scan3A_51 = %scan3A_11 to %scan3A_13 step %scan3A_14  : i32 {
      %broadcast_in_dim3A = vector.broadcast %scan3A_51 : i32 to vector<16xi32>
      %add3A_52 = arith.constant 0 : i32
      %add3A_53 = vector.broadcast %add3A_52 : i32 to vector<16xi32>
      %add3A_54 = arith.addi %iota3A, %add3A_53 : vector<16xi32>
      %gather3A = tpu.vector_load_idx %arg11[%add3A_54, %broadcast_in_dim3A] : memref<128x128xi32, #tpu.memory_space<vmem>>[vector<16xi32>, vector<16xi32>], vector<16xi32>,
      %swap3A = arith.index_cast %scan3A_51 : i32 to index
      %swap3A_55 = arith.constant 0 : index
      %swap3A_56 = tpu.vector_load %arg12[%swap3A, %swap3A_55] {strides = array<i32>} : memref<32x128xi32, #tpu.memory_space<vmem>>, vector<16xi32>,
      tpu.vector_store %arg12[%swap3A, %swap3A_55], %gather3A {strides = array<i32>} : memref<32x128xi32, #tpu.memory_space<vmem>>, vector<16xi32>,
      %add3A_57 = arith.constant 16 : i32
      %add3A_58 = vector.broadcast %add3A_57 : i32 to vector<16xi32>
      %add3A_59 = arith.addi %iota3A, %add3A_58 : vector<16xi32>
      %gather3A_60 = tpu.vector_load_idx %arg11[%add3A_59, %broadcast_in_dim3A] : memref<128x128xi32, #tpu.memory_space<vmem>>[vector<16xi32>, vector<16xi32>], vector<16xi32>,
      %swap3A_61 = arith.index_cast %scan3A_51 : i32 to index
      %swap3A_62 = arith.constant 16 : index
      %swap3A_63 = tpu.vector_load %arg12[%swap3A_61, %swap3A_62] {strides = array<i32>} : memref<32x128xi32, #tpu.memory_space<vmem>>, vector<16xi32>,
      tpu.vector_store %arg12[%swap3A_61, %swap3A_62], %gather3A_60 {strides = array<i32>} : memref<32x128xi32, #tpu.memory_space<vmem>>, vector<16xi32>,
      %add3A_64 = arith.constant 32 : i32
      %add3A_65 = vector.broadcast %add3A_64 : i32 to vector<16xi32>
      %add3A_66 = arith.addi %iota3A, %add3A_65 : vector<16xi32>
      %gather3A_67 = tpu.vector_load_idx %arg11[%add3A_66, %broadcast_in_dim3A] : memref<128x128xi32, #tpu.memory_space<vmem>>[vector<16xi32>, vector<16xi32>], vector<16xi32>,
      %swap3A_68 = arith.index_cast %scan3A_51 : i32 to index
      %swap3A_69 = arith.constant 32 : index
      %swap3A_70 = tpu.vector_load %arg12[%swap3A_68, %swap3A_69] {strides = array<i32>} : memref<32x128xi32, #tpu.memory_space<vmem>>, vector<16xi32>,
      tpu.vector_store %arg12[%swap3A_68, %swap3A_69], %gather3A_67 {strides = array<i32>} : memref<32x128xi32, #tpu.memory_space<vmem>>, vector<16xi32>,
      %add3A_71 = arith.constant 48 : i32
      %add3A_72 = vector.broadcast %add3A_71 : i32 to vector<16xi32>
      %add3A_73 = arith.addi %iota3A, %add3A_72 : vector<16xi32>
      %gather3A_74 = tpu.vector_load_idx %arg11[%add3A_73, %broadcast_in_dim3A] : memref<128x128xi32, #tpu.memory_space<vmem>>[vector<16xi32>, vector<16xi32>], vector<16xi32>,
      %swap3A_75 = arith.index_cast %scan3A_51 : i32 to index
      %swap3A_76 = arith.constant 48 : index
      %swap3A_77 = tpu.vector_load %arg12[%swap3A_75, %swap3A_76] {strides = array<i32>} : memref<32x128xi32, #tpu.memory_space<vmem>>, vector<16xi32>,
      tpu.vector_store %arg12[%swap3A_75, %swap3A_76], %gather3A_74 {strides = array<i32>} : memref<32x128xi32, #tpu.memory_space<vmem>>, vector<16xi32>,
      %add3A_78 = arith.constant 64 : i32
      %add3A_79 = vector.broadcast %add3A_78 : i32 to vector<16xi32>
      %add3A_80 = arith.addi %iota3A, %add3A_79 : vector<16xi32>
      %gather3A_81 = tpu.vector_load_idx %arg11[%add3A_80, %broadcast_in_dim3A] : memref<128x128xi32, #tpu.memory_space<vmem>>[vector<16xi32>, vector<16xi32>], vector<16xi32>,
      %swap3A_82 = arith.index_cast %scan3A_51 : i32 to index
      %swap3A_83 = arith.constant 64 : index
      %swap3A_84 = tpu.vector_load %arg12[%swap3A_82, %swap3A_83] {strides = array<i32>} : memref<32x128xi32, #tpu.memory_space<vmem>>, vector<16xi32>,
      tpu.vector_store %arg12[%swap3A_82, %swap3A_83], %gather3A_81 {strides = array<i32>} : memref<32x128xi32, #tpu.memory_space<vmem>>, vector<16xi32>,
      %add3A_85 = arith.constant 80 : i32
      %add3A_86 = vector.broadcast %add3A_85 : i32 to vector<16xi32>
      %add3A_87 = arith.addi %iota3A, %add3A_86 : vector<16xi32>
      %gather3A_88 = tpu.vector_load_idx %arg11[%add3A_87, %broadcast_in_dim3A] : memref<128x128xi32, #tpu.memory_space<vmem>>[vector<16xi32>, vector<16xi32>], vector<16xi32>,
      %swap3A_89 = arith.index_cast %scan3A_51 : i32 to index
      %swap3A_90 = arith.constant 80 : index
      %swap3A_91 = tpu.vector_load %arg12[%swap3A_89, %swap3A_90] {strides = array<i32>} : memref<32x128xi32, #tpu.memory_space<vmem>>, vector<16xi32>,
      tpu.vector_store %arg12[%swap3A_89, %swap3A_90], %gather3A_88 {strides = array<i32>} : memref<32x128xi32, #tpu.memory_space<vmem>>, vector<16xi32>,
      %add3A_92 = arith.constant 96 : i32
      %add3A_93 = vector.broadcast %add3A_92 : i32 to vector<16xi32>
      %add3A_94 = arith.addi %iota3A, %add3A_93 : vector<16xi32>
      %gather3A_95 = tpu.vector_load_idx %arg11[%add3A_94, %broadcast_in_dim3A] : memref<128x128xi32, #tpu.memory_space<vmem>>[vector<16xi32>, vector<16xi32>], vector<16xi32>,
      %swap3A_96 = arith.index_cast %scan3A_51 : i32 to index
      %swap3A_97 = arith.constant 96 : index
      %swap3A_98 = tpu.vector_load %arg12[%swap3A_96, %swap3A_97] {strides = array<i32>} : memref<32x128xi32, #tpu.memory_space<vmem>>, vector<16xi32>,
      tpu.vector_store %arg12[%swap3A_96, %swap3A_97], %gather3A_95 {strides = array<i32>} : memref<32x128xi32, #tpu.memory_space<vmem>>, vector<16xi32>,
      %add3A_99 = arith.constant 112 : i32
      %add3A_100 = vector.broadcast %add3A_99 : i32 to vector<16xi32>
      %add3A_101 = arith.addi %iota3A, %add3A_100 : vector<16xi32>
      %gather3A_102 = tpu.vector_load_idx %arg11[%add3A_101, %broadcast_in_dim3A] : memref<128x128xi32, #tpu.memory_space<vmem>>[vector<16xi32>, vector<16xi32>], vector<16xi32>,
      %swap3A_103 = arith.index_cast %scan3A_51 : i32 to index
      %swap3A_104 = arith.constant 112 : index
      %swap3A_105 = tpu.vector_load %arg12[%swap3A_103, %swap3A_104] {strides = array<i32>} : memref<32x128xi32, #tpu.memory_space<vmem>>, vector<16xi32>,
      tpu.vector_store %arg12[%swap3A_103, %swap3A_104], %gather3A_102 {strides = array<i32>} : memref<32x128xi32, #tpu.memory_space<vmem>>, vector<16xi32>,
    }
    %scan3A_15 = arith.constant 32 : i32
    %dma_wait3A_16 = arith.constant 0 : i32
    %dma_wait3A_17 = arith.constant 0 : i32
    %dma_wait3A_18 = tpu.memref_slice %arg2[%dma_wait3A_16, %dma_wait3A_17] : memref<50001x128xf32, #tpu.memory_space<hbm>> -> memref<50001x128xf32, #tpu.memory_space<hbm>>
    tpu.wait_indirect_dma semaphore(%arg16 : memref<!tpu.dma_semaphore, #tpu.memory_space<semaphore_mem>>) src(%dma_wait3A_18 : memref<50001x128xf32, #tpu.memory_space<hbm>>) dst(%arg14 : memref<128x128xf32, #tpu.memory_space<vmem>>)
    "tpu.region"() ({
      %run_scoped3A = tpu.sem_alloc : memref<!tpu.dma_semaphore, #tpu.memory_space<semaphore_mem>>
      %dma_start3A_51 = arith.constant 0 : i32
      %dma_start3A_52 = tpu.memref_slice %arg8[%mul3A_2, %dma_start3A_51] : memref<4096x128xf32, #tpu.memory_space<hbm>> -> memref<128x128xf32, #tpu.memory_space<hbm>>
      %dma_start3A_53 = arith.constant 0 : i32
      %dma_start3A_54 = tpu.memref_slice %arg8[%mul3A_2, %dma_start3A_53] : memref<4096x128xf32, #tpu.memory_space<hbm>> -> memref<128x128xf32, #tpu.memory_space<hbm>>
      tpu.enqueue_dma source(%arg14 : memref<128x128xf32, #tpu.memory_space<vmem>>) target(%dma_start3A_54 : memref<128x128xf32, #tpu.memory_space<hbm>>) target_semaphore(%run_scoped3A : memref<!tpu.dma_semaphore, #tpu.memory_space<semaphore_mem>>)
      %dma_wait3A_55 = arith.constant 0 : i32
      %dma_wait3A_56 = tpu.memref_slice %arg8[%mul3A_2, %dma_wait3A_55] : memref<4096x128xf32, #tpu.memory_space<hbm>> -> memref<128x128xf32, #tpu.memory_space<hbm>>
      %dma_wait3A_57 = arith.constant 0 : i32
      %dma_wait3A_58 = tpu.memref_slice %arg8[%mul3A_2, %dma_wait3A_57] : memref<4096x128xf32, #tpu.memory_space<hbm>> -> memref<128x128xf32, #tpu.memory_space<hbm>>
      tpu.wait_dma2 semaphore(%run_scoped3A : memref<!tpu.dma_semaphore, #tpu.memory_space<semaphore_mem>>) src(%arg14 : memref<128x128xf32, #tpu.memory_space<vmem>>) dst(%dma_wait3A_58 : memref<128x128xf32, #tpu.memory_space<hbm>>)
      tpu.yield
    }) : () -> ()
    %dma_start3A_19 = arith.constant 0 : i32
    %dma_start3A_20 = arith.constant 0 : i32
    %dma_start3A_21 = tpu.memref_slice %arg12[%dma_start3A_19, %dma_start3A_20] : memref<32x128xi32, #tpu.memory_space<vmem>> -> memref<1x128xi32, #tpu.memory_space<vmem>>
    %dma_start3A_22 = tpu.memref_squeeze %dma_start3A_21 : memref<1x128xi32, #tpu.memory_space<vmem>> -> memref<128xi32, #tpu.memory_space<vmem>>
    %dma_start3A_23 = arith.constant 0 : i32
    %dma_start3A_24 = arith.constant 0 : i32
    %dma_start3A_25 = tpu.memref_slice %arg2[%dma_start3A_23, %dma_start3A_24] : memref<50001x128xf32, #tpu.memory_space<hbm>> -> memref<50001x128xf32, #tpu.memory_space<hbm>>
    tpu.enqueue_indirect_dma source(%dma_start3A_25 : memref<50001x128xf32, #tpu.memory_space<hbm>>) target(%arg13 : memref<128x128xf32, #tpu.memory_space<vmem>>) offsets(%dma_start3A_22 : memref<128xi32, #tpu.memory_space<vmem>>) semaphore(%arg16 : memref<!tpu.dma_semaphore, #tpu.memory_space<semaphore_mem>>)
    %dma_wait3A_26 = arith.constant 0 : i32
    %dma_wait3A_27 = arith.constant 0 : i32
    %dma_wait3A_28 = tpu.memref_slice %arg12[%dma_wait3A_26, %dma_wait3A_27] : memref<32x128xi32, #tpu.memory_space<vmem>> -> memref<1x128xi32, #tpu.memory_space<vmem>>
    %dma_wait3A_29 = tpu.memref_squeeze %dma_wait3A_28 : memref<1x128xi32, #tpu.memory_space<vmem>> -> memref<128xi32, #tpu.memory_space<vmem>>
    %dma_wait3A_30 = arith.constant 0 : i32
    %dma_wait3A_31 = arith.constant 0 : i32
    %dma_wait3A_32 = tpu.memref_slice %arg2[%dma_wait3A_30, %dma_wait3A_31] : memref<50001x128xf32, #tpu.memory_space<hbm>> -> memref<50001x128xf32, #tpu.memory_space<hbm>>
    tpu.wait_indirect_dma semaphore(%arg16 : memref<!tpu.dma_semaphore, #tpu.memory_space<semaphore_mem>>) src(%dma_wait3A_32 : memref<50001x128xf32, #tpu.memory_space<hbm>>) dst(%arg13 : memref<128x128xf32, #tpu.memory_space<vmem>>)
    %scan3A_33 = arith.constant 0 : i32
    %scan3A_34 = arith.constant 1 : i32
    %scan3A_35 = arith.constant 31 : i32
    %scan3A_36 = arith.addi %scan3A_34, %scan3A_35 : i32
    %scan3A_37 = arith.constant 1 : i32
    scf.for %scan3A_51 = %scan3A_34 to %scan3A_36 step %scan3A_37  : i32 {
      %dma_start3A_52 = arith.constant 0 : i32
      %dma_start3A_53 = tpu.memref_slice %arg12[%scan3A_51, %dma_start3A_52] : memref<32x128xi32, #tpu.memory_space<vmem>> -> memref<1x128xi32, #tpu.memory_space<vmem>>
      %dma_start3A_54 = tpu.memref_squeeze %dma_start3A_53 : memref<1x128xi32, #tpu.memory_space<vmem>> -> memref<128xi32, #tpu.memory_space<vmem>>
      %dma_start3A_55 = arith.constant 0 : i32
      %dma_start3A_56 = arith.constant 0 : i32
      %dma_start3A_57 = tpu.memref_slice %arg2[%dma_start3A_55, %dma_start3A_56] : memref<50001x128xf32, #tpu.memory_space<hbm>> -> memref<50001x128xf32, #tpu.memory_space<hbm>>
      tpu.enqueue_indirect_dma source(%dma_start3A_57 : memref<50001x128xf32, #tpu.memory_space<hbm>>) target(%arg13 : memref<128x128xf32, #tpu.memory_space<vmem>>) offsets(%dma_start3A_54 : memref<128xi32, #tpu.memory_space<vmem>>) semaphore(%arg16 : memref<!tpu.dma_semaphore, #tpu.memory_space<semaphore_mem>>) {add = true}
    }
    %scan3A_38 = arith.constant 31 : i32
    %scan3A_39 = arith.constant 0 : i32
    %scan3A_40 = arith.constant 0 : i32
    %scan3A_41 = arith.constant 31 : i32
    %scan3A_42 = arith.addi %scan3A_40, %scan3A_41 : i32
    %scan3A_43 = arith.constant 1 : i32
    scf.for %scan3A_51 = %scan3A_40 to %scan3A_42 step %scan3A_43  : i32 {
      %dma_wait3A_52 = arith.constant 0 : i32
      %dma_wait3A_53 = arith.constant 0 : i32
      %dma_wait3A_54 = tpu.memref_slice %arg2[%dma_wait3A_52, %dma_wait3A_53] : memref<50001x128xf32, #tpu.memory_space<hbm>> -> memref<128x128xf32, #tpu.memory_space<hbm>>
      %dma_wait3A_55 = arith.constant 0 : i32
      %dma_wait3A_56 = arith.constant 0 : i32
      %dma_wait3A_57 = tpu.memref_slice %arg2[%dma_wait3A_55, %dma_wait3A_56] : memref<50001x128xf32, #tpu.memory_space<hbm>> -> memref<128x128xf32, #tpu.memory_space<hbm>>
      tpu.wait_dma2 semaphore(%arg16 : memref<!tpu.dma_semaphore, #tpu.memory_space<semaphore_mem>>) src(%dma_wait3A_57 : memref<128x128xf32, #tpu.memory_space<hbm>>) dst(%arg13 : memref<128x128xf32, #tpu.memory_space<vmem>>)
    }
    %scan3A_44 = arith.constant 31 : i32
    %scan3A_45 = arith.constant 0 : i32
    %scan3A_46 = arith.constant 0 : i32
    %scan3A_47 = arith.constant 128 : i32
    %scan3A_48 = arith.addi %scan3A_46, %scan3A_47 : i32
    %scan3A_49 = arith.constant 1 : i32
    scf.for %scan3A_51 = %scan3A_46 to %scan3A_48 step %scan3A_49  : i32 {
      %get3A_52 = arith.index_cast %scan3A_51 : i32 to index
      %get3A_53 = arith.constant 0 : index
      %get3A_54 = tpu.vector_load %arg13[%get3A_52, %get3A_53] {strides = array<i32>} : memref<128x128xf32, #tpu.memory_space<vmem>>, vector<16xf32>,
      %mul3A_55 = arith.mulf %get3A_54, %get3A_3 : vector<16xf32>
      %swap3A = arith.index_cast %scan3A_51 : i32 to index
      %swap3A_56 = arith.constant 0 : index
      %swap3A_57 = tpu.vector_load %arg13[%swap3A, %swap3A_56] {strides = array<i32>} : memref<128x128xf32, #tpu.memory_space<vmem>>, vector<16xf32>,
      tpu.vector_store %arg13[%swap3A, %swap3A_56], %mul3A_55 {strides = array<i32>} : memref<128x128xf32, #tpu.memory_space<vmem>>, vector<16xf32>,
      %get3A_58 = arith.index_cast %scan3A_51 : i32 to index
      %get3A_59 = arith.constant 16 : index
      %get3A_60 = tpu.vector_load %arg13[%get3A_58, %get3A_59] {strides = array<i32>} : memref<128x128xf32, #tpu.memory_space<vmem>>, vector<16xf32>,
      %mul3A_61 = arith.mulf %get3A_60, %get3A_3 : vector<16xf32>
      %swap3A_62 = arith.index_cast %scan3A_51 : i32 to index
      %swap3A_63 = arith.constant 16 : index
      %swap3A_64 = tpu.vector_load %arg13[%swap3A_62, %swap3A_63] {strides = array<i32>} : memref<128x128xf32, #tpu.memory_space<vmem>>, vector<16xf32>,
      tpu.vector_store %arg13[%swap3A_62, %swap3A_63], %mul3A_61 {strides = array<i32>} : memref<128x128xf32, #tpu.memory_space<vmem>>, vector<16xf32>,
      %get3A_65 = arith.index_cast %scan3A_51 : i32 to index
      %get3A_66 = arith.constant 32 : index
      %get3A_67 = tpu.vector_load %arg13[%get3A_65, %get3A_66] {strides = array<i32>} : memref<128x128xf32, #tpu.memory_space<vmem>>, vector<16xf32>,
      %mul3A_68 = arith.mulf %get3A_67, %get3A_3 : vector<16xf32>
      %swap3A_69 = arith.index_cast %scan3A_51 : i32 to index
      %swap3A_70 = arith.constant 32 : index
      %swap3A_71 = tpu.vector_load %arg13[%swap3A_69, %swap3A_70] {strides = array<i32>} : memref<128x128xf32, #tpu.memory_space<vmem>>, vector<16xf32>,
      tpu.vector_store %arg13[%swap3A_69, %swap3A_70], %mul3A_68 {strides = array<i32>} : memref<128x128xf32, #tpu.memory_space<vmem>>, vector<16xf32>,
      %get3A_72 = arith.index_cast %scan3A_51 : i32 to index
      %get3A_73 = arith.constant 48 : index
      %get3A_74 = tpu.vector_load %arg13[%get3A_72, %get3A_73] {strides = array<i32>} : memref<128x128xf32, #tpu.memory_space<vmem>>, vector<16xf32>,
      %mul3A_75 = arith.mulf %get3A_74, %get3A_3 : vector<16xf32>
      %swap3A_76 = arith.index_cast %scan3A_51 : i32 to index
      %swap3A_77 = arith.constant 48 : index
      %swap3A_78 = tpu.vector_load %arg13[%swap3A_76, %swap3A_77] {strides = array<i32>} : memref<128x128xf32, #tpu.memory_space<vmem>>, vector<16xf32>,
      tpu.vector_store %arg13[%swap3A_76, %swap3A_77], %mul3A_75 {strides = array<i32>} : memref<128x128xf32, #tpu.memory_space<vmem>>, vector<16xf32>,
      %get3A_79 = arith.index_cast %scan3A_51 : i32 to index
      %get3A_80 = arith.constant 64 : index
      %get3A_81 = tpu.vector_load %arg13[%get3A_79, %get3A_80] {strides = array<i32>} : memref<128x128xf32, #tpu.memory_space<vmem>>, vector<16xf32>,
      %mul3A_82 = arith.mulf %get3A_81, %get3A_3 : vector<16xf32>
      %swap3A_83 = arith.index_cast %scan3A_51 : i32 to index
      %swap3A_84 = arith.constant 64 : index
      %swap3A_85 = tpu.vector_load %arg13[%swap3A_83, %swap3A_84] {strides = array<i32>} : memref<128x128xf32, #tpu.memory_space<vmem>>, vector<16xf32>,
      tpu.vector_store %arg13[%swap3A_83, %swap3A_84], %mul3A_82 {strides = array<i32>} : memref<128x128xf32, #tpu.memory_space<vmem>>, vector<16xf32>,
      %get3A_86 = arith.index_cast %scan3A_51 : i32 to index
      %get3A_87 = arith.constant 80 : index
      %get3A_88 = tpu.vector_load %arg13[%get3A_86, %get3A_87] {strides = array<i32>} : memref<128x128xf32, #tpu.memory_space<vmem>>, vector<16xf32>,
      %mul3A_89 = arith.mulf %get3A_88, %get3A_3 : vector<16xf32>
      %swap3A_90 = arith.index_cast %scan3A_51 : i32 to index
      %swap3A_91 = arith.constant 80 : index
      %swap3A_92 = tpu.vector_load %arg13[%swap3A_90, %swap3A_91] {strides = array<i32>} : memref<128x128xf32, #tpu.memory_space<vmem>>, vector<16xf32>,
      tpu.vector_store %arg13[%swap3A_90, %swap3A_91], %mul3A_89 {strides = array<i32>} : memref<128x128xf32, #tpu.memory_space<vmem>>, vector<16xf32>,
      %get3A_93 = arith.index_cast %scan3A_51 : i32 to index
      %get3A_94 = arith.constant 96 : index
      %get3A_95 = tpu.vector_load %arg13[%get3A_93, %get3A_94] {strides = array<i32>} : memref<128x128xf32, #tpu.memory_space<vmem>>, vector<16xf32>,
      %mul3A_96 = arith.mulf %get3A_95, %get3A_3 : vector<16xf32>
      %swap3A_97 = arith.index_cast %scan3A_51 : i32 to index
      %swap3A_98 = arith.constant 96 : index
      %swap3A_99 = tpu.vector_load %arg13[%swap3A_97, %swap3A_98] {strides = array<i32>} : memref<128x128xf32, #tpu.memory_space<vmem>>, vector<16xf32>,
      tpu.vector_store %arg13[%swap3A_97, %swap3A_98], %mul3A_96 {strides = array<i32>} : memref<128x128xf32, #tpu.memory_space<vmem>>, vector<16xf32>,
      %get3A_100 = arith.index_cast %scan3A_51 : i32 to index
      %get3A_101 = arith.constant 112 : index
      %get3A_102 = tpu.vector_load %arg13[%get3A_100, %get3A_101] {strides = array<i32>} : memref<128x128xf32, #tpu.memory_space<vmem>>, vector<16xf32>,
      %mul3A_103 = arith.mulf %get3A_102, %get3A_3 : vector<16xf32>
      %swap3A_104 = arith.index_cast %scan3A_51 : i32 to index
      %swap3A_105 = arith.constant 112 : index
      %swap3A_106 = tpu.vector_load %arg13[%swap3A_104, %swap3A_105] {strides = array<i32>} : memref<128x128xf32, #tpu.memory_space<vmem>>, vector<16xf32>,
      tpu.vector_store %arg13[%swap3A_104, %swap3A_105], %mul3A_103 {strides = array<i32>} : memref<128x128xf32, #tpu.memory_space<vmem>>, vector<16xf32>,
    }
    %scan3A_50 = arith.constant 128 : i32
    "tpu.region"() ({
      %run_scoped3A = tpu.sem_alloc : memref<!tpu.dma_semaphore, #tpu.memory_space<semaphore_mem>>
      %dma_start3A_51 = arith.constant 0 : i32
      %dma_start3A_52 = tpu.memref_slice %arg7[%mul3A_2, %dma_start3A_51] : memref<4096x128xf32, #tpu.memory_space<hbm>> -> memref<128x128xf32, #tpu.memory_space<hbm>>
      %dma_start3A_53 = arith.constant 0 : i32
      %dma_start3A_54 = tpu.memref_slice %arg7[%mul3A_2, %dma_start3A_53] : memref<4096x128xf32, #tpu.memory_space<hbm>> -> memref<128x128xf32, #tpu.memory_space<hbm>>
      tpu.enqueue_dma source(%arg13 : memref<128x128xf32, #tpu.memory_space<vmem>>) target(%dma_start3A_54 : memref<128x128xf32, #tpu.memory_space<hbm>>) target_semaphore(%run_scoped3A : memref<!tpu.dma_semaphore, #tpu.memory_space<semaphore_mem>>)
      %dma_wait3A_55 = arith.constant 0 : i32
      %dma_wait3A_56 = tpu.memref_slice %arg7[%mul3A_2, %dma_wait3A_55] : memref<4096x128xf32, #tpu.memory_space<hbm>> -> memref<128x128xf32, #tpu.memory_space<hbm>>
      %dma_wait3A_57 = arith.constant 0 : i32
      %dma_wait3A_58 = tpu.memref_slice %arg7[%mul3A_2, %dma_wait3A_57] : memref<4096x128xf32, #tpu.memory_space<hbm>> -> memref<128x128xf32, #tpu.memory_space<hbm>>
      tpu.wait_dma2 semaphore(%run_scoped3A : memref<!tpu.dma_semaphore, #tpu.memory_space<semaphore_mem>>) src(%arg13 : memref<128x128xf32, #tpu.memory_space<vmem>>) dst(%dma_wait3A_58 : memref<128x128xf32, #tpu.memory_space<hbm>>)
      tpu.yield
    }) : () -> ()
    return
  }
}

#map = affine_map<(d0, d1) -> (0, 0)>
#map1 = affine_map<(d0, d1) -> (0)>
module attributes {stable_mosaic.version = 14 : i64} {
  func.func @_sc_b_body(%arg0: i32, %arg1: i32, %arg2: memref<50001x128xf32, #tpu.memory_space<hbm>>, %arg3: memref<4096xi32, #tpu.memory_space<hbm>>, %arg4: memref<4096xi32, #tpu.memory_space<hbm>>, %arg5: memref<50001x128xi32, #tpu.memory_space<hbm>>, %arg6: memref<50001x128xi32, #tpu.memory_space<hbm>>, %arg7: memref<128xf32, #tpu.memory_space<hbm>>, %arg8: memref<4096x128xf32, #tpu.memory_space<hbm>>, %arg9: memref<4096x128xf32, #tpu.memory_space<hbm>>, %arg10: memref<4096x128xf32, #tpu.memory_space<hbm>>, %arg11: memref<128xi32, #tpu.memory_space<vmem>>, %arg12: memref<128xi32, #tpu.memory_space<vmem>>, %arg13: memref<128x128xi32, #tpu.memory_space<vmem>>, %arg14: memref<128x128xi32, #tpu.memory_space<vmem>>, %arg15: memref<32x128xi32, #tpu.memory_space<vmem>>, %arg16: memref<32x128xi32, #tpu.memory_space<vmem>>, %arg17: memref<128x128xf32, #tpu.memory_space<vmem>>, %arg18: memref<128x128xf32, #tpu.memory_space<vmem>>, %arg19: memref<128xf32, #tpu.memory_space<vmem>>, %arg20: memref<!tpu.dma_semaphore, #tpu.memory_space<semaphore_mem>>, %arg21: memref<!tpu.dma_semaphore, #tpu.memory_space<semaphore_mem>>, %arg22: memref<!tpu.dma_semaphore, #tpu.memory_space<semaphore_mem>>) attributes {dimension_semantics = [#tpu.dimension_semantics<core_parallel>, #tpu.dimension_semantics<subcore_parallel>], iteration_bounds = array<i64: 2, 16>, scalar_prefetch = 0 : i64, scratch_operands = 12 : i64, tpu.core_type = #tpu.core_type<sc_vector_subcore>, window_params = [{transform_indices = #map}, {transform_indices = #map1}, {transform_indices = #map1}, {transform_indices = #map}, {transform_indices = #map}, {transform_indices = #map1}, {transform_indices = #map}, {transform_indices = #map}, {transform_indices = #map}]} {
    %mul3A = arith.constant 2 : i32
    %mul3A_0 = arith.muli %arg1, %mul3A : i32
    %add3A = arith.addi %mul3A_0, %arg0 : i32
    %mul3A_1 = arith.constant 128 : i32
    %mul3A_2 = arith.muli %add3A, %mul3A_1 : i32
    "tpu.region"() ({
      %run_scoped3A = tpu.sem_alloc : memref<!tpu.dma_semaphore, #tpu.memory_space<semaphore_mem>>
      tpu.enqueue_dma source(%arg7 : memref<128xf32, #tpu.memory_space<hbm>>) target(%arg19 : memref<128xf32, #tpu.memory_space<vmem>>) target_semaphore(%run_scoped3A : memref<!tpu.dma_semaphore, #tpu.memory_space<semaphore_mem>>)
      tpu.wait_dma2 semaphore(%run_scoped3A : memref<!tpu.dma_semaphore, #tpu.memory_space<semaphore_mem>>) src(%arg7 : memref<128xf32, #tpu.memory_space<hbm>>) dst(%arg19 : memref<128xf32, #tpu.memory_space<vmem>>)
      tpu.yield
    }) : () -> ()
    %get3A = arith.constant 0 : index
    %get3A_3 = tpu.vector_load %arg19[%get3A] {strides = array<i32>} : memref<128xf32, #tpu.memory_space<vmem>>, vector<16xf32>,
    "tpu.region"() ({
      %run_scoped3A = tpu.sem_alloc : memref<!tpu.dma_semaphore, #tpu.memory_space<semaphore_mem>>
      %dma_start3A_96 = tpu.memref_slice %arg3[%mul3A_2] : memref<4096xi32, #tpu.memory_space<hbm>> -> memref<128xi32, #tpu.memory_space<hbm>>
      %dma_start3A_97 = tpu.memref_slice %arg3[%mul3A_2] : memref<4096xi32, #tpu.memory_space<hbm>> -> memref<128xi32, #tpu.memory_space<hbm>>
      tpu.enqueue_dma source(%dma_start3A_97 : memref<128xi32, #tpu.memory_space<hbm>>) target(%arg11 : memref<128xi32, #tpu.memory_space<vmem>>) target_semaphore(%run_scoped3A : memref<!tpu.dma_semaphore, #tpu.memory_space<semaphore_mem>>)
      %dma_wait3A_98 = tpu.memref_slice %arg3[%mul3A_2] : memref<4096xi32, #tpu.memory_space<hbm>> -> memref<128xi32, #tpu.memory_space<hbm>>
      %dma_wait3A_99 = tpu.memref_slice %arg3[%mul3A_2] : memref<4096xi32, #tpu.memory_space<hbm>> -> memref<128xi32, #tpu.memory_space<hbm>>
      tpu.wait_dma2 semaphore(%run_scoped3A : memref<!tpu.dma_semaphore, #tpu.memory_space<semaphore_mem>>) src(%dma_wait3A_99 : memref<128xi32, #tpu.memory_space<hbm>>) dst(%arg11 : memref<128xi32, #tpu.memory_space<vmem>>)
      tpu.yield
    }) : () -> ()
    %dma_start3A = arith.constant 0 : i32
    %dma_start3A_4 = arith.constant 0 : i32
    %dma_start3A_5 = tpu.memref_slice %arg5[%dma_start3A, %dma_start3A_4] : memref<50001x128xi32, #tpu.memory_space<hbm>> -> memref<50001x128xi32, #tpu.memory_space<hbm>>
    tpu.enqueue_indirect_dma source(%dma_start3A_5 : memref<50001x128xi32, #tpu.memory_space<hbm>>) target(%arg13 : memref<128x128xi32, #tpu.memory_space<vmem>>) offsets(%arg11 : memref<128xi32, #tpu.memory_space<vmem>>) semaphore(%arg21 : memref<!tpu.dma_semaphore, #tpu.memory_space<semaphore_mem>>)
    %dma_start3A_6 = arith.constant 0 : i32
    %dma_start3A_7 = arith.constant 0 : i32
    %dma_start3A_8 = tpu.memref_slice %arg2[%dma_start3A_6, %dma_start3A_7] : memref<50001x128xf32, #tpu.memory_space<hbm>> -> memref<50001x128xf32, #tpu.memory_space<hbm>>
    tpu.enqueue_indirect_dma source(%dma_start3A_8 : memref<50001x128xf32, #tpu.memory_space<hbm>>) target(%arg18 : memref<128x128xf32, #tpu.memory_space<vmem>>) offsets(%arg11 : memref<128xi32, #tpu.memory_space<vmem>>) semaphore(%arg20 : memref<!tpu.dma_semaphore, #tpu.memory_space<semaphore_mem>>)
    "tpu.region"() ({
      %run_scoped3A = tpu.sem_alloc : memref<!tpu.dma_semaphore, #tpu.memory_space<semaphore_mem>>
      %dma_start3A_96 = tpu.memref_slice %arg4[%mul3A_2] : memref<4096xi32, #tpu.memory_space<hbm>> -> memref<128xi32, #tpu.memory_space<hbm>>
      %dma_start3A_97 = tpu.memref_slice %arg4[%mul3A_2] : memref<4096xi32, #tpu.memory_space<hbm>> -> memref<128xi32, #tpu.memory_space<hbm>>
      tpu.enqueue_dma source(%dma_start3A_97 : memref<128xi32, #tpu.memory_space<hbm>>) target(%arg12 : memref<128xi32, #tpu.memory_space<vmem>>) target_semaphore(%run_scoped3A : memref<!tpu.dma_semaphore, #tpu.memory_space<semaphore_mem>>)
      %dma_wait3A_98 = tpu.memref_slice %arg4[%mul3A_2] : memref<4096xi32, #tpu.memory_space<hbm>> -> memref<128xi32, #tpu.memory_space<hbm>>
      %dma_wait3A_99 = tpu.memref_slice %arg4[%mul3A_2] : memref<4096xi32, #tpu.memory_space<hbm>> -> memref<128xi32, #tpu.memory_space<hbm>>
      tpu.wait_dma2 semaphore(%run_scoped3A : memref<!tpu.dma_semaphore, #tpu.memory_space<semaphore_mem>>) src(%dma_wait3A_99 : memref<128xi32, #tpu.memory_space<hbm>>) dst(%arg12 : memref<128xi32, #tpu.memory_space<vmem>>)
      tpu.yield
    }) : () -> ()
    %dma_start3A_9 = arith.constant 0 : i32
    %dma_start3A_10 = arith.constant 0 : i32
    %dma_start3A_11 = tpu.memref_slice %arg6[%dma_start3A_9, %dma_start3A_10] : memref<50001x128xi32, #tpu.memory_space<hbm>> -> memref<50001x128xi32, #tpu.memory_space<hbm>>
    tpu.enqueue_indirect_dma source(%dma_start3A_11 : memref<50001x128xi32, #tpu.memory_space<hbm>>) target(%arg14 : memref<128x128xi32, #tpu.memory_space<vmem>>) offsets(%arg12 : memref<128xi32, #tpu.memory_space<vmem>>) semaphore(%arg21 : memref<!tpu.dma_semaphore, #tpu.memory_space<semaphore_mem>>)
    %dma_wait3A = arith.constant 0 : i32
    %dma_wait3A_12 = arith.constant 0 : i32
    %dma_wait3A_13 = tpu.memref_slice %arg5[%dma_wait3A, %dma_wait3A_12] : memref<50001x128xi32, #tpu.memory_space<hbm>> -> memref<50001x128xi32, #tpu.memory_space<hbm>>
    tpu.wait_indirect_dma semaphore(%arg21 : memref<!tpu.dma_semaphore, #tpu.memory_space<semaphore_mem>>) src(%dma_wait3A_13 : memref<50001x128xi32, #tpu.memory_space<hbm>>) dst(%arg13 : memref<128x128xi32, #tpu.memory_space<vmem>>)
    %iota3A = tpu.iota {dimensions = array<i32: 0>} : vector<16xi32>
    %scan3A = arith.constant 0 : i32
    %scan3A_14 = arith.constant 0 : i32
    %scan3A_15 = arith.constant 32 : i32
    %scan3A_16 = arith.addi %scan3A_14, %scan3A_15 : i32
    %scan3A_17 = arith.constant 1 : i32
    scf.for %scan3A_96 = %scan3A_14 to %scan3A_16 step %scan3A_17  : i32 {
      %broadcast_in_dim3A = vector.broadcast %scan3A_96 : i32 to vector<16xi32>
      %add3A_97 = arith.constant 0 : i32
      %add3A_98 = vector.broadcast %add3A_97 : i32 to vector<16xi32>
      %add3A_99 = arith.addi %iota3A, %add3A_98 : vector<16xi32>
      %gather3A = tpu.vector_load_idx %arg13[%add3A_99, %broadcast_in_dim3A] : memref<128x128xi32, #tpu.memory_space<vmem>>[vector<16xi32>, vector<16xi32>], vector<16xi32>,
      %swap3A = arith.index_cast %scan3A_96 : i32 to index
      %swap3A_100 = arith.constant 0 : index
      %swap3A_101 = tpu.vector_load %arg15[%swap3A, %swap3A_100] {strides = array<i32>} : memref<32x128xi32, #tpu.memory_space<vmem>>, vector<16xi32>,
      tpu.vector_store %arg15[%swap3A, %swap3A_100], %gather3A {strides = array<i32>} : memref<32x128xi32, #tpu.memory_space<vmem>>, vector<16xi32>,
      %add3A_102 = arith.constant 16 : i32
      %add3A_103 = vector.broadcast %add3A_102 : i32 to vector<16xi32>
      %add3A_104 = arith.addi %iota3A, %add3A_103 : vector<16xi32>
      %gather3A_105 = tpu.vector_load_idx %arg13[%add3A_104, %broadcast_in_dim3A] : memref<128x128xi32, #tpu.memory_space<vmem>>[vector<16xi32>, vector<16xi32>], vector<16xi32>,
      %swap3A_106 = arith.index_cast %scan3A_96 : i32 to index
      %swap3A_107 = arith.constant 16 : index
      %swap3A_108 = tpu.vector_load %arg15[%swap3A_106, %swap3A_107] {strides = array<i32>} : memref<32x128xi32, #tpu.memory_space<vmem>>, vector<16xi32>,
      tpu.vector_store %arg15[%swap3A_106, %swap3A_107], %gather3A_105 {strides = array<i32>} : memref<32x128xi32, #tpu.memory_space<vmem>>, vector<16xi32>,
      %add3A_109 = arith.constant 32 : i32
      %add3A_110 = vector.broadcast %add3A_109 : i32 to vector<16xi32>
      %add3A_111 = arith.addi %iota3A, %add3A_110 : vector<16xi32>
      %gather3A_112 = tpu.vector_load_idx %arg13[%add3A_111, %broadcast_in_dim3A] : memref<128x128xi32, #tpu.memory_space<vmem>>[vector<16xi32>, vector<16xi32>], vector<16xi32>,
      %swap3A_113 = arith.index_cast %scan3A_96 : i32 to index
      %swap3A_114 = arith.constant 32 : index
      %swap3A_115 = tpu.vector_load %arg15[%swap3A_113, %swap3A_114] {strides = array<i32>} : memref<32x128xi32, #tpu.memory_space<vmem>>, vector<16xi32>,
      tpu.vector_store %arg15[%swap3A_113, %swap3A_114], %gather3A_112 {strides = array<i32>} : memref<32x128xi32, #tpu.memory_space<vmem>>, vector<16xi32>,
      %add3A_116 = arith.constant 48 : i32
      %add3A_117 = vector.broadcast %add3A_116 : i32 to vector<16xi32>
      %add3A_118 = arith.addi %iota3A, %add3A_117 : vector<16xi32>
      %gather3A_119 = tpu.vector_load_idx %arg13[%add3A_118, %broadcast_in_dim3A] : memref<128x128xi32, #tpu.memory_space<vmem>>[vector<16xi32>, vector<16xi32>], vector<16xi32>,
      %swap3A_120 = arith.index_cast %scan3A_96 : i32 to index
      %swap3A_121 = arith.constant 48 : index
      %swap3A_122 = tpu.vector_load %arg15[%swap3A_120, %swap3A_121] {strides = array<i32>} : memref<32x128xi32, #tpu.memory_space<vmem>>, vector<16xi32>,
      tpu.vector_store %arg15[%swap3A_120, %swap3A_121], %gather3A_119 {strides = array<i32>} : memref<32x128xi32, #tpu.memory_space<vmem>>, vector<16xi32>,
      %add3A_123 = arith.constant 64 : i32
      %add3A_124 = vector.broadcast %add3A_123 : i32 to vector<16xi32>
      %add3A_125 = arith.addi %iota3A, %add3A_124 : vector<16xi32>
      %gather3A_126 = tpu.vector_load_idx %arg13[%add3A_125, %broadcast_in_dim3A] : memref<128x128xi32, #tpu.memory_space<vmem>>[vector<16xi32>, vector<16xi32>], vector<16xi32>,
      %swap3A_127 = arith.index_cast %scan3A_96 : i32 to index
      %swap3A_128 = arith.constant 64 : index
      %swap3A_129 = tpu.vector_load %arg15[%swap3A_127, %swap3A_128] {strides = array<i32>} : memref<32x128xi32, #tpu.memory_space<vmem>>, vector<16xi32>,
      tpu.vector_store %arg15[%swap3A_127, %swap3A_128], %gather3A_126 {strides = array<i32>} : memref<32x128xi32, #tpu.memory_space<vmem>>, vector<16xi32>,
      %add3A_130 = arith.constant 80 : i32
      %add3A_131 = vector.broadcast %add3A_130 : i32 to vector<16xi32>
      %add3A_132 = arith.addi %iota3A, %add3A_131 : vector<16xi32>
      %gather3A_133 = tpu.vector_load_idx %arg13[%add3A_132, %broadcast_in_dim3A] : memref<128x128xi32, #tpu.memory_space<vmem>>[vector<16xi32>, vector<16xi32>], vector<16xi32>,
      %swap3A_134 = arith.index_cast %scan3A_96 : i32 to index
      %swap3A_135 = arith.constant 80 : index
      %swap3A_136 = tpu.vector_load %arg15[%swap3A_134, %swap3A_135] {strides = array<i32>} : memref<32x128xi32, #tpu.memory_space<vmem>>, vector<16xi32>,
      tpu.vector_store %arg15[%swap3A_134, %swap3A_135], %gather3A_133 {strides = array<i32>} : memref<32x128xi32, #tpu.memory_space<vmem>>, vector<16xi32>,
      %add3A_137 = arith.constant 96 : i32
      %add3A_138 = vector.broadcast %add3A_137 : i32 to vector<16xi32>
      %add3A_139 = arith.addi %iota3A, %add3A_138 : vector<16xi32>
      %gather3A_140 = tpu.vector_load_idx %arg13[%add3A_139, %broadcast_in_dim3A] : memref<128x128xi32, #tpu.memory_space<vmem>>[vector<16xi32>, vector<16xi32>], vector<16xi32>,
      %swap3A_141 = arith.index_cast %scan3A_96 : i32 to index
      %swap3A_142 = arith.constant 96 : index
      %swap3A_143 = tpu.vector_load %arg15[%swap3A_141, %swap3A_142] {strides = array<i32>} : memref<32x128xi32, #tpu.memory_space<vmem>>, vector<16xi32>,
      tpu.vector_store %arg15[%swap3A_141, %swap3A_142], %gather3A_140 {strides = array<i32>} : memref<32x128xi32, #tpu.memory_space<vmem>>, vector<16xi32>,
      %add3A_144 = arith.constant 112 : i32
      %add3A_145 = vector.broadcast %add3A_144 : i32 to vector<16xi32>
      %add3A_146 = arith.addi %iota3A, %add3A_145 : vector<16xi32>
      %gather3A_147 = tpu.vector_load_idx %arg13[%add3A_146, %broadcast_in_dim3A] : memref<128x128xi32, #tpu.memory_space<vmem>>[vector<16xi32>, vector<16xi32>], vector<16xi32>,
      %swap3A_148 = arith.index_cast %scan3A_96 : i32 to index
      %swap3A_149 = arith.constant 112 : index
      %swap3A_150 = tpu.vector_load %arg15[%swap3A_148, %swap3A_149] {strides = array<i32>} : memref<32x128xi32, #tpu.memory_space<vmem>>, vector<16xi32>,
      tpu.vector_store %arg15[%swap3A_148, %swap3A_149], %gather3A_147 {strides = array<i32>} : memref<32x128xi32, #tpu.memory_space<vmem>>, vector<16xi32>,
    }
    %scan3A_18 = arith.constant 32 : i32
    %dma_wait3A_19 = arith.constant 0 : i32
    %dma_wait3A_20 = arith.constant 0 : i32
    %dma_wait3A_21 = tpu.memref_slice %arg2[%dma_wait3A_19, %dma_wait3A_20] : memref<50001x128xf32, #tpu.memory_space<hbm>> -> memref<50001x128xf32, #tpu.memory_space<hbm>>
    tpu.wait_indirect_dma semaphore(%arg20 : memref<!tpu.dma_semaphore, #tpu.memory_space<semaphore_mem>>) src(%dma_wait3A_21 : memref<50001x128xf32, #tpu.memory_space<hbm>>) dst(%arg18 : memref<128x128xf32, #tpu.memory_space<vmem>>)
    "tpu.region"() ({
      %run_scoped3A = tpu.sem_alloc : memref<!tpu.dma_semaphore, #tpu.memory_space<semaphore_mem>>
      %dma_start3A_96 = arith.constant 0 : i32
      %dma_start3A_97 = tpu.memref_slice %arg8[%mul3A_2, %dma_start3A_96] : memref<4096x128xf32, #tpu.memory_space<hbm>> -> memref<128x128xf32, #tpu.memory_space<hbm>>
      %dma_start3A_98 = arith.constant 0 : i32
      %dma_start3A_99 = tpu.memref_slice %arg8[%mul3A_2, %dma_start3A_98] : memref<4096x128xf32, #tpu.memory_space<hbm>> -> memref<128x128xf32, #tpu.memory_space<hbm>>
      tpu.enqueue_dma source(%arg18 : memref<128x128xf32, #tpu.memory_space<vmem>>) target(%dma_start3A_99 : memref<128x128xf32, #tpu.memory_space<hbm>>) target_semaphore(%run_scoped3A : memref<!tpu.dma_semaphore, #tpu.memory_space<semaphore_mem>>)
      %dma_wait3A_100 = arith.constant 0 : i32
      %dma_wait3A_101 = tpu.memref_slice %arg8[%mul3A_2, %dma_wait3A_100] : memref<4096x128xf32, #tpu.memory_space<hbm>> -> memref<128x128xf32, #tpu.memory_space<hbm>>
      %dma_wait3A_102 = arith.constant 0 : i32
      %dma_wait3A_103 = tpu.memref_slice %arg8[%mul3A_2, %dma_wait3A_102] : memref<4096x128xf32, #tpu.memory_space<hbm>> -> memref<128x128xf32, #tpu.memory_space<hbm>>
      tpu.wait_dma2 semaphore(%run_scoped3A : memref<!tpu.dma_semaphore, #tpu.memory_space<semaphore_mem>>) src(%arg18 : memref<128x128xf32, #tpu.memory_space<vmem>>) dst(%dma_wait3A_103 : memref<128x128xf32, #tpu.memory_space<hbm>>)
      tpu.yield
    }) : () -> ()
    %dma_start3A_22 = arith.constant 0 : i32
    %dma_start3A_23 = arith.constant 0 : i32
    %dma_start3A_24 = tpu.memref_slice %arg15[%dma_start3A_22, %dma_start3A_23] : memref<32x128xi32, #tpu.memory_space<vmem>> -> memref<1x128xi32, #tpu.memory_space<vmem>>
    %dma_start3A_25 = tpu.memref_squeeze %dma_start3A_24 : memref<1x128xi32, #tpu.memory_space<vmem>> -> memref<128xi32, #tpu.memory_space<vmem>>
    %dma_start3A_26 = arith.constant 0 : i32
    %dma_start3A_27 = arith.constant 0 : i32
    %dma_start3A_28 = tpu.memref_slice %arg2[%dma_start3A_26, %dma_start3A_27] : memref<50001x128xf32, #tpu.memory_space<hbm>> -> memref<50001x128xf32, #tpu.memory_space<hbm>>
    tpu.enqueue_indirect_dma source(%dma_start3A_28 : memref<50001x128xf32, #tpu.memory_space<hbm>>) target(%arg17 : memref<128x128xf32, #tpu.memory_space<vmem>>) offsets(%dma_start3A_25 : memref<128xi32, #tpu.memory_space<vmem>>) semaphore(%arg20 : memref<!tpu.dma_semaphore, #tpu.memory_space<semaphore_mem>>)
    %dma_wait3A_29 = arith.constant 0 : i32
    %dma_wait3A_30 = arith.constant 0 : i32
    %dma_wait3A_31 = tpu.memref_slice %arg15[%dma_wait3A_29, %dma_wait3A_30] : memref<32x128xi32, #tpu.memory_space<vmem>> -> memref<1x128xi32, #tpu.memory_space<vmem>>
    %dma_wait3A_32 = tpu.memref_squeeze %dma_wait3A_31 : memref<1x128xi32, #tpu.memory_space<vmem>> -> memref<128xi32, #tpu.memory_space<vmem>>
    %dma_wait3A_33 = arith.constant 0 : i32
    %dma_wait3A_34 = arith.constant 0 : i32
    %dma_wait3A_35 = tpu.memref_slice %arg2[%dma_wait3A_33, %dma_wait3A_34] : memref<50001x128xf32, #tpu.memory_space<hbm>> -> memref<50001x128xf32, #tpu.memory_space<hbm>>
    tpu.wait_indirect_dma semaphore(%arg20 : memref<!tpu.dma_semaphore, #tpu.memory_space<semaphore_mem>>) src(%dma_wait3A_35 : memref<50001x128xf32, #tpu.memory_space<hbm>>) dst(%arg17 : memref<128x128xf32, #tpu.memory_space<vmem>>)
    %scan3A_36 = arith.constant 0 : i32
    %scan3A_37 = arith.constant 1 : i32
    %scan3A_38 = arith.constant 31 : i32
    %scan3A_39 = arith.addi %scan3A_37, %scan3A_38 : i32
    %scan3A_40 = arith.constant 1 : i32
    scf.for %scan3A_96 = %scan3A_37 to %scan3A_39 step %scan3A_40  : i32 {
      %dma_start3A_97 = arith.constant 0 : i32
      %dma_start3A_98 = tpu.memref_slice %arg15[%scan3A_96, %dma_start3A_97] : memref<32x128xi32, #tpu.memory_space<vmem>> -> memref<1x128xi32, #tpu.memory_space<vmem>>
      %dma_start3A_99 = tpu.memref_squeeze %dma_start3A_98 : memref<1x128xi32, #tpu.memory_space<vmem>> -> memref<128xi32, #tpu.memory_space<vmem>>
      %dma_start3A_100 = arith.constant 0 : i32
      %dma_start3A_101 = arith.constant 0 : i32
      %dma_start3A_102 = tpu.memref_slice %arg2[%dma_start3A_100, %dma_start3A_101] : memref<50001x128xf32, #tpu.memory_space<hbm>> -> memref<50001x128xf32, #tpu.memory_space<hbm>>
      tpu.enqueue_indirect_dma source(%dma_start3A_102 : memref<50001x128xf32, #tpu.memory_space<hbm>>) target(%arg17 : memref<128x128xf32, #tpu.memory_space<vmem>>) offsets(%dma_start3A_99 : memref<128xi32, #tpu.memory_space<vmem>>) semaphore(%arg20 : memref<!tpu.dma_semaphore, #tpu.memory_space<semaphore_mem>>) {add = true}
    }
    %scan3A_41 = arith.constant 31 : i32
    %dma_wait3A_42 = arith.constant 0 : i32
    %dma_wait3A_43 = arith.constant 0 : i32
    %dma_wait3A_44 = tpu.memref_slice %arg6[%dma_wait3A_42, %dma_wait3A_43] : memref<50001x128xi32, #tpu.memory_space<hbm>> -> memref<50001x128xi32, #tpu.memory_space<hbm>>
    tpu.wait_indirect_dma semaphore(%arg21 : memref<!tpu.dma_semaphore, #tpu.memory_space<semaphore_mem>>) src(%dma_wait3A_44 : memref<50001x128xi32, #tpu.memory_space<hbm>>) dst(%arg14 : memref<128x128xi32, #tpu.memory_space<vmem>>)
    %iota3A_45 = tpu.iota {dimensions = array<i32: 0>} : vector<16xi32>
    %scan3A_46 = arith.constant 0 : i32
    %scan3A_47 = arith.constant 0 : i32
    %scan3A_48 = arith.constant 32 : i32
    %scan3A_49 = arith.addi %scan3A_47, %scan3A_48 : i32
    %scan3A_50 = arith.constant 1 : i32
    scf.for %scan3A_96 = %scan3A_47 to %scan3A_49 step %scan3A_50  : i32 {
      %broadcast_in_dim3A = vector.broadcast %scan3A_96 : i32 to vector<16xi32>
      %add3A_97 = arith.constant 0 : i32
      %add3A_98 = vector.broadcast %add3A_97 : i32 to vector<16xi32>
      %add3A_99 = arith.addi %iota3A_45, %add3A_98 : vector<16xi32>
      %gather3A = tpu.vector_load_idx %arg14[%add3A_99, %broadcast_in_dim3A] : memref<128x128xi32, #tpu.memory_space<vmem>>[vector<16xi32>, vector<16xi32>], vector<16xi32>,
      %swap3A = arith.index_cast %scan3A_96 : i32 to index
      %swap3A_100 = arith.constant 0 : index
      %swap3A_101 = tpu.vector_load %arg16[%swap3A, %swap3A_100] {strides = array<i32>} : memref<32x128xi32, #tpu.memory_space<vmem>>, vector<16xi32>,
      tpu.vector_store %arg16[%swap3A, %swap3A_100], %gather3A {strides = array<i32>} : memref<32x128xi32, #tpu.memory_space<vmem>>, vector<16xi32>,
      %add3A_102 = arith.constant 16 : i32
      %add3A_103 = vector.broadcast %add3A_102 : i32 to vector<16xi32>
      %add3A_104 = arith.addi %iota3A_45, %add3A_103 : vector<16xi32>
      %gather3A_105 = tpu.vector_load_idx %arg14[%add3A_104, %broadcast_in_dim3A] : memref<128x128xi32, #tpu.memory_space<vmem>>[vector<16xi32>, vector<16xi32>], vector<16xi32>,
      %swap3A_106 = arith.index_cast %scan3A_96 : i32 to index
      %swap3A_107 = arith.constant 16 : index
      %swap3A_108 = tpu.vector_load %arg16[%swap3A_106, %swap3A_107] {strides = array<i32>} : memref<32x128xi32, #tpu.memory_space<vmem>>, vector<16xi32>,
      tpu.vector_store %arg16[%swap3A_106, %swap3A_107], %gather3A_105 {strides = array<i32>} : memref<32x128xi32, #tpu.memory_space<vmem>>, vector<16xi32>,
      %add3A_109 = arith.constant 32 : i32
      %add3A_110 = vector.broadcast %add3A_109 : i32 to vector<16xi32>
      %add3A_111 = arith.addi %iota3A_45, %add3A_110 : vector<16xi32>
      %gather3A_112 = tpu.vector_load_idx %arg14[%add3A_111, %broadcast_in_dim3A] : memref<128x128xi32, #tpu.memory_space<vmem>>[vector<16xi32>, vector<16xi32>], vector<16xi32>,
      %swap3A_113 = arith.index_cast %scan3A_96 : i32 to index
      %swap3A_114 = arith.constant 32 : index
      %swap3A_115 = tpu.vector_load %arg16[%swap3A_113, %swap3A_114] {strides = array<i32>} : memref<32x128xi32, #tpu.memory_space<vmem>>, vector<16xi32>,
      tpu.vector_store %arg16[%swap3A_113, %swap3A_114], %gather3A_112 {strides = array<i32>} : memref<32x128xi32, #tpu.memory_space<vmem>>, vector<16xi32>,
      %add3A_116 = arith.constant 48 : i32
      %add3A_117 = vector.broadcast %add3A_116 : i32 to vector<16xi32>
      %add3A_118 = arith.addi %iota3A_45, %add3A_117 : vector<16xi32>
      %gather3A_119 = tpu.vector_load_idx %arg14[%add3A_118, %broadcast_in_dim3A] : memref<128x128xi32, #tpu.memory_space<vmem>>[vector<16xi32>, vector<16xi32>], vector<16xi32>,
      %swap3A_120 = arith.index_cast %scan3A_96 : i32 to index
      %swap3A_121 = arith.constant 48 : index
      %swap3A_122 = tpu.vector_load %arg16[%swap3A_120, %swap3A_121] {strides = array<i32>} : memref<32x128xi32, #tpu.memory_space<vmem>>, vector<16xi32>,
      tpu.vector_store %arg16[%swap3A_120, %swap3A_121], %gather3A_119 {strides = array<i32>} : memref<32x128xi32, #tpu.memory_space<vmem>>, vector<16xi32>,
      %add3A_123 = arith.constant 64 : i32
      %add3A_124 = vector.broadcast %add3A_123 : i32 to vector<16xi32>
      %add3A_125 = arith.addi %iota3A_45, %add3A_124 : vector<16xi32>
      %gather3A_126 = tpu.vector_load_idx %arg14[%add3A_125, %broadcast_in_dim3A] : memref<128x128xi32, #tpu.memory_space<vmem>>[vector<16xi32>, vector<16xi32>], vector<16xi32>,
      %swap3A_127 = arith.index_cast %scan3A_96 : i32 to index
      %swap3A_128 = arith.constant 64 : index
      %swap3A_129 = tpu.vector_load %arg16[%swap3A_127, %swap3A_128] {strides = array<i32>} : memref<32x128xi32, #tpu.memory_space<vmem>>, vector<16xi32>,
      tpu.vector_store %arg16[%swap3A_127, %swap3A_128], %gather3A_126 {strides = array<i32>} : memref<32x128xi32, #tpu.memory_space<vmem>>, vector<16xi32>,
      %add3A_130 = arith.constant 80 : i32
      %add3A_131 = vector.broadcast %add3A_130 : i32 to vector<16xi32>
      %add3A_132 = arith.addi %iota3A_45, %add3A_131 : vector<16xi32>
      %gather3A_133 = tpu.vector_load_idx %arg14[%add3A_132, %broadcast_in_dim3A] : memref<128x128xi32, #tpu.memory_space<vmem>>[vector<16xi32>, vector<16xi32>], vector<16xi32>,
      %swap3A_134 = arith.index_cast %scan3A_96 : i32 to index
      %swap3A_135 = arith.constant 80 : index
      %swap3A_136 = tpu.vector_load %arg16[%swap3A_134, %swap3A_135] {strides = array<i32>} : memref<32x128xi32, #tpu.memory_space<vmem>>, vector<16xi32>,
      tpu.vector_store %arg16[%swap3A_134, %swap3A_135], %gather3A_133 {strides = array<i32>} : memref<32x128xi32, #tpu.memory_space<vmem>>, vector<16xi32>,
      %add3A_137 = arith.constant 96 : i32
      %add3A_138 = vector.broadcast %add3A_137 : i32 to vector<16xi32>
      %add3A_139 = arith.addi %iota3A_45, %add3A_138 : vector<16xi32>
      %gather3A_140 = tpu.vector_load_idx %arg14[%add3A_139, %broadcast_in_dim3A] : memref<128x128xi32, #tpu.memory_space<vmem>>[vector<16xi32>, vector<16xi32>], vector<16xi32>,
      %swap3A_141 = arith.index_cast %scan3A_96 : i32 to index
      %swap3A_142 = arith.constant 96 : index
      %swap3A_143 = tpu.vector_load %arg16[%swap3A_141, %swap3A_142] {strides = array<i32>} : memref<32x128xi32, #tpu.memory_space<vmem>>, vector<16xi32>,
      tpu.vector_store %arg16[%swap3A_141, %swap3A_142], %gather3A_140 {strides = array<i32>} : memref<32x128xi32, #tpu.memory_space<vmem>>, vector<16xi32>,
      %add3A_144 = arith.constant 112 : i32
      %add3A_145 = vector.broadcast %add3A_144 : i32 to vector<16xi32>
      %add3A_146 = arith.addi %iota3A_45, %add3A_145 : vector<16xi32>
      %gather3A_147 = tpu.vector_load_idx %arg14[%add3A_146, %broadcast_in_dim3A] : memref<128x128xi32, #tpu.memory_space<vmem>>[vector<16xi32>, vector<16xi32>], vector<16xi32>,
      %swap3A_148 = arith.index_cast %scan3A_96 : i32 to index
      %swap3A_149 = arith.constant 112 : index
      %swap3A_150 = tpu.vector_load %arg16[%swap3A_148, %swap3A_149] {strides = array<i32>} : memref<32x128xi32, #tpu.memory_space<vmem>>, vector<16xi32>,
      tpu.vector_store %arg16[%swap3A_148, %swap3A_149], %gather3A_147 {strides = array<i32>} : memref<32x128xi32, #tpu.memory_space<vmem>>, vector<16xi32>,
    }
    %scan3A_51 = arith.constant 32 : i32
    %dma_start3A_52 = arith.constant 0 : i32
    %dma_start3A_53 = arith.constant 0 : i32
    %dma_start3A_54 = tpu.memref_slice %arg16[%dma_start3A_52, %dma_start3A_53] : memref<32x128xi32, #tpu.memory_space<vmem>> -> memref<1x128xi32, #tpu.memory_space<vmem>>
    %dma_start3A_55 = tpu.memref_squeeze %dma_start3A_54 : memref<1x128xi32, #tpu.memory_space<vmem>> -> memref<128xi32, #tpu.memory_space<vmem>>
    %dma_start3A_56 = arith.constant 0 : i32
    %dma_start3A_57 = arith.constant 0 : i32
    %dma_start3A_58 = tpu.memref_slice %arg2[%dma_start3A_56, %dma_start3A_57] : memref<50001x128xf32, #tpu.memory_space<hbm>> -> memref<50001x128xf32, #tpu.memory_space<hbm>>
    tpu.enqueue_indirect_dma source(%dma_start3A_58 : memref<50001x128xf32, #tpu.memory_space<hbm>>) target(%arg18 : memref<128x128xf32, #tpu.memory_space<vmem>>) offsets(%dma_start3A_55 : memref<128xi32, #tpu.memory_space<vmem>>) semaphore(%arg22 : memref<!tpu.dma_semaphore, #tpu.memory_space<semaphore_mem>>)
    %dma_wait3A_59 = arith.constant 0 : i32
    %dma_wait3A_60 = arith.constant 0 : i32
    %dma_wait3A_61 = tpu.memref_slice %arg16[%dma_wait3A_59, %dma_wait3A_60] : memref<32x128xi32, #tpu.memory_space<vmem>> -> memref<1x128xi32, #tpu.memory_space<vmem>>
    %dma_wait3A_62 = tpu.memref_squeeze %dma_wait3A_61 : memref<1x128xi32, #tpu.memory_space<vmem>> -> memref<128xi32, #tpu.memory_space<vmem>>
    %dma_wait3A_63 = arith.constant 0 : i32
    %dma_wait3A_64 = arith.constant 0 : i32
    %dma_wait3A_65 = tpu.memref_slice %arg2[%dma_wait3A_63, %dma_wait3A_64] : memref<50001x128xf32, #tpu.memory_space<hbm>> -> memref<50001x128xf32, #tpu.memory_space<hbm>>
    tpu.wait_indirect_dma semaphore(%arg22 : memref<!tpu.dma_semaphore, #tpu.memory_space<semaphore_mem>>) src(%dma_wait3A_65 : memref<50001x128xf32, #tpu.memory_space<hbm>>) dst(%arg18 : memref<128x128xf32, #tpu.memory_space<vmem>>)
    %scan3A_66 = arith.constant 0 : i32
    %scan3A_67 = arith.constant 1 : i32
    %scan3A_68 = arith.constant 31 : i32
    %scan3A_69 = arith.addi %scan3A_67, %scan3A_68 : i32
    %scan3A_70 = arith.constant 1 : i32
    scf.for %scan3A_96 = %scan3A_67 to %scan3A_69 step %scan3A_70  : i32 {
      %dma_start3A_97 = arith.constant 0 : i32
      %dma_start3A_98 = tpu.memref_slice %arg16[%scan3A_96, %dma_start3A_97] : memref<32x128xi32, #tpu.memory_space<vmem>> -> memref<1x128xi32, #tpu.memory_space<vmem>>
      %dma_start3A_99 = tpu.memref_squeeze %dma_start3A_98 : memref<1x128xi32, #tpu.memory_space<vmem>> -> memref<128xi32, #tpu.memory_space<vmem>>
      %dma_start3A_100 = arith.constant 0 : i32
      %dma_start3A_101 = arith.constant 0 : i32
      %dma_start3A_102 = tpu.memref_slice %arg2[%dma_start3A_100, %dma_start3A_101] : memref<50001x128xf32, #tpu.memory_space<hbm>> -> memref<50001x128xf32, #tpu.memory_space<hbm>>
      tpu.enqueue_indirect_dma source(%dma_start3A_102 : memref<50001x128xf32, #tpu.memory_space<hbm>>) target(%arg18 : memref<128x128xf32, #tpu.memory_space<vmem>>) offsets(%dma_start3A_99 : memref<128xi32, #tpu.memory_space<vmem>>) semaphore(%arg22 : memref<!tpu.dma_semaphore, #tpu.memory_space<semaphore_mem>>) {add = true}
    }
    %scan3A_71 = arith.constant 31 : i32
    %scan3A_72 = arith.constant 0 : i32
    %scan3A_73 = arith.constant 0 : i32
    %scan3A_74 = arith.constant 31 : i32
    %scan3A_75 = arith.addi %scan3A_73, %scan3A_74 : i32
    %scan3A_76 = arith.constant 1 : i32
    scf.for %scan3A_96 = %scan3A_73 to %scan3A_75 step %scan3A_76  : i32 {
      %dma_wait3A_97 = arith.constant 0 : i32
      %dma_wait3A_98 = arith.constant 0 : i32
      %dma_wait3A_99 = tpu.memref_slice %arg2[%dma_wait3A_97, %dma_wait3A_98] : memref<50001x128xf32, #tpu.memory_space<hbm>> -> memref<128x128xf32, #tpu.memory_space<hbm>>
      %dma_wait3A_100 = arith.constant 0 : i32
      %dma_wait3A_101 = arith.constant 0 : i32
      %dma_wait3A_102 = tpu.memref_slice %arg2[%dma_wait3A_100, %dma_wait3A_101] : memref<50001x128xf32, #tpu.memory_space<hbm>> -> memref<128x128xf32, #tpu.memory_space<hbm>>
      tpu.wait_dma2 semaphore(%arg20 : memref<!tpu.dma_semaphore, #tpu.memory_space<semaphore_mem>>) src(%dma_wait3A_102 : memref<128x128xf32, #tpu.memory_space<hbm>>) dst(%arg17 : memref<128x128xf32, #tpu.memory_space<vmem>>)
    }
    %scan3A_77 = arith.constant 31 : i32
    %scan3A_78 = arith.constant 0 : i32
    %scan3A_79 = arith.constant 0 : i32
    %scan3A_80 = arith.constant 128 : i32
    %scan3A_81 = arith.addi %scan3A_79, %scan3A_80 : i32
    %scan3A_82 = arith.constant 1 : i32
    scf.for %scan3A_96 = %scan3A_79 to %scan3A_81 step %scan3A_82  : i32 {
      %get3A_97 = arith.index_cast %scan3A_96 : i32 to index
      %get3A_98 = arith.constant 0 : index
      %get3A_99 = tpu.vector_load %arg17[%get3A_97, %get3A_98] {strides = array<i32>} : memref<128x128xf32, #tpu.memory_space<vmem>>, vector<16xf32>,
      %mul3A_100 = arith.mulf %get3A_99, %get3A_3 : vector<16xf32>
      %swap3A = arith.index_cast %scan3A_96 : i32 to index
      %swap3A_101 = arith.constant 0 : index
      %swap3A_102 = tpu.vector_load %arg17[%swap3A, %swap3A_101] {strides = array<i32>} : memref<128x128xf32, #tpu.memory_space<vmem>>, vector<16xf32>,
      tpu.vector_store %arg17[%swap3A, %swap3A_101], %mul3A_100 {strides = array<i32>} : memref<128x128xf32, #tpu.memory_space<vmem>>, vector<16xf32>,
      %get3A_103 = arith.index_cast %scan3A_96 : i32 to index
      %get3A_104 = arith.constant 16 : index
      %get3A_105 = tpu.vector_load %arg17[%get3A_103, %get3A_104] {strides = array<i32>} : memref<128x128xf32, #tpu.memory_space<vmem>>, vector<16xf32>,
      %mul3A_106 = arith.mulf %get3A_105, %get3A_3 : vector<16xf32>
      %swap3A_107 = arith.index_cast %scan3A_96 : i32 to index
      %swap3A_108 = arith.constant 16 : index
      %swap3A_109 = tpu.vector_load %arg17[%swap3A_107, %swap3A_108] {strides = array<i32>} : memref<128x128xf32, #tpu.memory_space<vmem>>, vector<16xf32>,
      tpu.vector_store %arg17[%swap3A_107, %swap3A_108], %mul3A_106 {strides = array<i32>} : memref<128x128xf32, #tpu.memory_space<vmem>>, vector<16xf32>,
      %get3A_110 = arith.index_cast %scan3A_96 : i32 to index
      %get3A_111 = arith.constant 32 : index
      %get3A_112 = tpu.vector_load %arg17[%get3A_110, %get3A_111] {strides = array<i32>} : memref<128x128xf32, #tpu.memory_space<vmem>>, vector<16xf32>,
      %mul3A_113 = arith.mulf %get3A_112, %get3A_3 : vector<16xf32>
      %swap3A_114 = arith.index_cast %scan3A_96 : i32 to index
      %swap3A_115 = arith.constant 32 : index
      %swap3A_116 = tpu.vector_load %arg17[%swap3A_114, %swap3A_115] {strides = array<i32>} : memref<128x128xf32, #tpu.memory_space<vmem>>, vector<16xf32>,
      tpu.vector_store %arg17[%swap3A_114, %swap3A_115], %mul3A_113 {strides = array<i32>} : memref<128x128xf32, #tpu.memory_space<vmem>>, vector<16xf32>,
      %get3A_117 = arith.index_cast %scan3A_96 : i32 to index
      %get3A_118 = arith.constant 48 : index
      %get3A_119 = tpu.vector_load %arg17[%get3A_117, %get3A_118] {strides = array<i32>} : memref<128x128xf32, #tpu.memory_space<vmem>>, vector<16xf32>,
      %mul3A_120 = arith.mulf %get3A_119, %get3A_3 : vector<16xf32>
      %swap3A_121 = arith.index_cast %scan3A_96 : i32 to index
      %swap3A_122 = arith.constant 48 : index
      %swap3A_123 = tpu.vector_load %arg17[%swap3A_121, %swap3A_122] {strides = array<i32>} : memref<128x128xf32, #tpu.memory_space<vmem>>, vector<16xf32>,
      tpu.vector_store %arg17[%swap3A_121, %swap3A_122], %mul3A_120 {strides = array<i32>} : memref<128x128xf32, #tpu.memory_space<vmem>>, vector<16xf32>,
      %get3A_124 = arith.index_cast %scan3A_96 : i32 to index
      %get3A_125 = arith.constant 64 : index
      %get3A_126 = tpu.vector_load %arg17[%get3A_124, %get3A_125] {strides = array<i32>} : memref<128x128xf32, #tpu.memory_space<vmem>>, vector<16xf32>,
      %mul3A_127 = arith.mulf %get3A_126, %get3A_3 : vector<16xf32>
      %swap3A_128 = arith.index_cast %scan3A_96 : i32 to index
      %swap3A_129 = arith.constant 64 : index
      %swap3A_130 = tpu.vector_load %arg17[%swap3A_128, %swap3A_129] {strides = array<i32>} : memref<128x128xf32, #tpu.memory_space<vmem>>, vector<16xf32>,
      tpu.vector_store %arg17[%swap3A_128, %swap3A_129], %mul3A_127 {strides = array<i32>} : memref<128x128xf32, #tpu.memory_space<vmem>>, vector<16xf32>,
      %get3A_131 = arith.index_cast %scan3A_96 : i32 to index
      %get3A_132 = arith.constant 80 : index
      %get3A_133 = tpu.vector_load %arg17[%get3A_131, %get3A_132] {strides = array<i32>} : memref<128x128xf32, #tpu.memory_space<vmem>>, vector<16xf32>,
      %mul3A_134 = arith.mulf %get3A_133, %get3A_3 : vector<16xf32>
      %swap3A_135 = arith.index_cast %scan3A_96 : i32 to index
      %swap3A_136 = arith.constant 80 : index
      %swap3A_137 = tpu.vector_load %arg17[%swap3A_135, %swap3A_136] {strides = array<i32>} : memref<128x128xf32, #tpu.memory_space<vmem>>, vector<16xf32>,
      tpu.vector_store %arg17[%swap3A_135, %swap3A_136], %mul3A_134 {strides = array<i32>} : memref<128x128xf32, #tpu.memory_space<vmem>>, vector<16xf32>,
      %get3A_138 = arith.index_cast %scan3A_96 : i32 to index
      %get3A_139 = arith.constant 96 : index
      %get3A_140 = tpu.vector_load %arg17[%get3A_138, %get3A_139] {strides = array<i32>} : memref<128x128xf32, #tpu.memory_space<vmem>>, vector<16xf32>,
      %mul3A_141 = arith.mulf %get3A_140, %get3A_3 : vector<16xf32>
      %swap3A_142 = arith.index_cast %scan3A_96 : i32 to index
      %swap3A_143 = arith.constant 96 : index
      %swap3A_144 = tpu.vector_load %arg17[%swap3A_142, %swap3A_143] {strides = array<i32>} : memref<128x128xf32, #tpu.memory_space<vmem>>, vector<16xf32>,
      tpu.vector_store %arg17[%swap3A_142, %swap3A_143], %mul3A_141 {strides = array<i32>} : memref<128x128xf32, #tpu.memory_space<vmem>>, vector<16xf32>,
      %get3A_145 = arith.index_cast %scan3A_96 : i32 to index
      %get3A_146 = arith.constant 112 : index
      %get3A_147 = tpu.vector_load %arg17[%get3A_145, %get3A_146] {strides = array<i32>} : memref<128x128xf32, #tpu.memory_space<vmem>>, vector<16xf32>,
      %mul3A_148 = arith.mulf %get3A_147, %get3A_3 : vector<16xf32>
      %swap3A_149 = arith.index_cast %scan3A_96 : i32 to index
      %swap3A_150 = arith.constant 112 : index
      %swap3A_151 = tpu.vector_load %arg17[%swap3A_149, %swap3A_150] {strides = array<i32>} : memref<128x128xf32, #tpu.memory_space<vmem>>, vector<16xf32>,
      tpu.vector_store %arg17[%swap3A_149, %swap3A_150], %mul3A_148 {strides = array<i32>} : memref<128x128xf32, #tpu.memory_space<vmem>>, vector<16xf32>,
    }
    %scan3A_83 = arith.constant 128 : i32
    "tpu.region"() ({
      %run_scoped3A = tpu.sem_alloc : memref<!tpu.dma_semaphore, #tpu.memory_space<semaphore_mem>>
      %dma_start3A_96 = arith.constant 0 : i32
      %dma_start3A_97 = tpu.memref_slice %arg9[%mul3A_2, %dma_start3A_96] : memref<4096x128xf32, #tpu.memory_space<hbm>> -> memref<128x128xf32, #tpu.memory_space<hbm>>
      %dma_start3A_98 = arith.constant 0 : i32
      %dma_start3A_99 = tpu.memref_slice %arg9[%mul3A_2, %dma_start3A_98] : memref<4096x128xf32, #tpu.memory_space<hbm>> -> memref<128x128xf32, #tpu.memory_space<hbm>>
      tpu.enqueue_dma source(%arg17 : memref<128x128xf32, #tpu.memory_space<vmem>>) target(%dma_start3A_99 : memref<128x128xf32, #tpu.memory_space<hbm>>) target_semaphore(%run_scoped3A : memref<!tpu.dma_semaphore, #tpu.memory_space<semaphore_mem>>)
      %dma_wait3A_100 = arith.constant 0 : i32
      %dma_wait3A_101 = tpu.memref_slice %arg9[%mul3A_2, %dma_wait3A_100] : memref<4096x128xf32, #tpu.memory_space<hbm>> -> memref<128x128xf32, #tpu.memory_space<hbm>>
      %dma_wait3A_102 = arith.constant 0 : i32
      %dma_wait3A_103 = tpu.memref_slice %arg9[%mul3A_2, %dma_wait3A_102] : memref<4096x128xf32, #tpu.memory_space<hbm>> -> memref<128x128xf32, #tpu.memory_space<hbm>>
      tpu.wait_dma2 semaphore(%run_scoped3A : memref<!tpu.dma_semaphore, #tpu.memory_space<semaphore_mem>>) src(%arg17 : memref<128x128xf32, #tpu.memory_space<vmem>>) dst(%dma_wait3A_103 : memref<128x128xf32, #tpu.memory_space<hbm>>)
      tpu.yield
    }) : () -> ()
    %scan3A_84 = arith.constant 0 : i32
    %scan3A_85 = arith.constant 0 : i32
    %scan3A_86 = arith.constant 31 : i32
    %scan3A_87 = arith.addi %scan3A_85, %scan3A_86 : i32
    %scan3A_88 = arith.constant 1 : i32
    scf.for %scan3A_96 = %scan3A_85 to %scan3A_87 step %scan3A_88  : i32 {
      %dma_wait3A_97 = arith.constant 0 : i32
      %dma_wait3A_98 = arith.constant 0 : i32
      %dma_wait3A_99 = tpu.memref_slice %arg2[%dma_wait3A_97, %dma_wait3A_98] : memref<50001x128xf32, #tpu.memory_space<hbm>> -> memref<128x128xf32, #tpu.memory_space<hbm>>
      %dma_wait3A_100 = arith.constant 0 : i32
      %dma_wait3A_101 = arith.constant 0 : i32
      %dma_wait3A_102 = tpu.memref_slice %arg2[%dma_wait3A_100, %dma_wait3A_101] : memref<50001x128xf32, #tpu.memory_space<hbm>> -> memref<128x128xf32, #tpu.memory_space<hbm>>
      tpu.wait_dma2 semaphore(%arg22 : memref<!tpu.dma_semaphore, #tpu.memory_space<semaphore_mem>>) src(%dma_wait3A_102 : memref<128x128xf32, #tpu.memory_space<hbm>>) dst(%arg18 : memref<128x128xf32, #tpu.memory_space<vmem>>)
    }
    %scan3A_89 = arith.constant 31 : i32
    %scan3A_90 = arith.constant 0 : i32
    %scan3A_91 = arith.constant 0 : i32
    %scan3A_92 = arith.constant 128 : i32
    %scan3A_93 = arith.addi %scan3A_91, %scan3A_92 : i32
    %scan3A_94 = arith.constant 1 : i32
    scf.for %scan3A_96 = %scan3A_91 to %scan3A_93 step %scan3A_94  : i32 {
      %get3A_97 = arith.index_cast %scan3A_96 : i32 to index
      %get3A_98 = arith.constant 0 : index
      %get3A_99 = tpu.vector_load %arg18[%get3A_97, %get3A_98] {strides = array<i32>} : memref<128x128xf32, #tpu.memory_space<vmem>>, vector<16xf32>,
      %mul3A_100 = arith.mulf %get3A_99, %get3A_3 : vector<16xf32>
      %swap3A = arith.index_cast %scan3A_96 : i32 to index
      %swap3A_101 = arith.constant 0 : index
      %swap3A_102 = tpu.vector_load %arg18[%swap3A, %swap3A_101] {strides = array<i32>} : memref<128x128xf32, #tpu.memory_space<vmem>>, vector<16xf32>,
      tpu.vector_store %arg18[%swap3A, %swap3A_101], %mul3A_100 {strides = array<i32>} : memref<128x128xf32, #tpu.memory_space<vmem>>, vector<16xf32>,
      %get3A_103 = arith.index_cast %scan3A_96 : i32 to index
      %get3A_104 = arith.constant 16 : index
      %get3A_105 = tpu.vector_load %arg18[%get3A_103, %get3A_104] {strides = array<i32>} : memref<128x128xf32, #tpu.memory_space<vmem>>, vector<16xf32>,
      %mul3A_106 = arith.mulf %get3A_105, %get3A_3 : vector<16xf32>
      %swap3A_107 = arith.index_cast %scan3A_96 : i32 to index
      %swap3A_108 = arith.constant 16 : index
      %swap3A_109 = tpu.vector_load %arg18[%swap3A_107, %swap3A_108] {strides = array<i32>} : memref<128x128xf32, #tpu.memory_space<vmem>>, vector<16xf32>,
      tpu.vector_store %arg18[%swap3A_107, %swap3A_108], %mul3A_106 {strides = array<i32>} : memref<128x128xf32, #tpu.memory_space<vmem>>, vector<16xf32>,
      %get3A_110 = arith.index_cast %scan3A_96 : i32 to index
      %get3A_111 = arith.constant 32 : index
      %get3A_112 = tpu.vector_load %arg18[%get3A_110, %get3A_111] {strides = array<i32>} : memref<128x128xf32, #tpu.memory_space<vmem>>, vector<16xf32>,
      %mul3A_113 = arith.mulf %get3A_112, %get3A_3 : vector<16xf32>
      %swap3A_114 = arith.index_cast %scan3A_96 : i32 to index
      %swap3A_115 = arith.constant 32 : index
      %swap3A_116 = tpu.vector_load %arg18[%swap3A_114, %swap3A_115] {strides = array<i32>} : memref<128x128xf32, #tpu.memory_space<vmem>>, vector<16xf32>,
      tpu.vector_store %arg18[%swap3A_114, %swap3A_115], %mul3A_113 {strides = array<i32>} : memref<128x128xf32, #tpu.memory_space<vmem>>, vector<16xf32>,
      %get3A_117 = arith.index_cast %scan3A_96 : i32 to index
      %get3A_118 = arith.constant 48 : index
      %get3A_119 = tpu.vector_load %arg18[%get3A_117, %get3A_118] {strides = array<i32>} : memref<128x128xf32, #tpu.memory_space<vmem>>, vector<16xf32>,
      %mul3A_120 = arith.mulf %get3A_119, %get3A_3 : vector<16xf32>
      %swap3A_121 = arith.index_cast %scan3A_96 : i32 to index
      %swap3A_122 = arith.constant 48 : index
      %swap3A_123 = tpu.vector_load %arg18[%swap3A_121, %swap3A_122] {strides = array<i32>} : memref<128x128xf32, #tpu.memory_space<vmem>>, vector<16xf32>,
      tpu.vector_store %arg18[%swap3A_121, %swap3A_122], %mul3A_120 {strides = array<i32>} : memref<128x128xf32, #tpu.memory_space<vmem>>, vector<16xf32>,
      %get3A_124 = arith.index_cast %scan3A_96 : i32 to index
      %get3A_125 = arith.constant 64 : index
      %get3A_126 = tpu.vector_load %arg18[%get3A_124, %get3A_125] {strides = array<i32>} : memref<128x128xf32, #tpu.memory_space<vmem>>, vector<16xf32>,
      %mul3A_127 = arith.mulf %get3A_126, %get3A_3 : vector<16xf32>
      %swap3A_128 = arith.index_cast %scan3A_96 : i32 to index
      %swap3A_129 = arith.constant 64 : index
      %swap3A_130 = tpu.vector_load %arg18[%swap3A_128, %swap3A_129] {strides = array<i32>} : memref<128x128xf32, #tpu.memory_space<vmem>>, vector<16xf32>,
      tpu.vector_store %arg18[%swap3A_128, %swap3A_129], %mul3A_127 {strides = array<i32>} : memref<128x128xf32, #tpu.memory_space<vmem>>, vector<16xf32>,
      %get3A_131 = arith.index_cast %scan3A_96 : i32 to index
      %get3A_132 = arith.constant 80 : index
      %get3A_133 = tpu.vector_load %arg18[%get3A_131, %get3A_132] {strides = array<i32>} : memref<128x128xf32, #tpu.memory_space<vmem>>, vector<16xf32>,
      %mul3A_134 = arith.mulf %get3A_133, %get3A_3 : vector<16xf32>
      %swap3A_135 = arith.index_cast %scan3A_96 : i32 to index
      %swap3A_136 = arith.constant 80 : index
      %swap3A_137 = tpu.vector_load %arg18[%swap3A_135, %swap3A_136] {strides = array<i32>} : memref<128x128xf32, #tpu.memory_space<vmem>>, vector<16xf32>,
      tpu.vector_store %arg18[%swap3A_135, %swap3A_136], %mul3A_134 {strides = array<i32>} : memref<128x128xf32, #tpu.memory_space<vmem>>, vector<16xf32>,
      %get3A_138 = arith.index_cast %scan3A_96 : i32 to index
      %get3A_139 = arith.constant 96 : index
      %get3A_140 = tpu.vector_load %arg18[%get3A_138, %get3A_139] {strides = array<i32>} : memref<128x128xf32, #tpu.memory_space<vmem>>, vector<16xf32>,
      %mul3A_141 = arith.mulf %get3A_140, %get3A_3 : vector<16xf32>
      %swap3A_142 = arith.index_cast %scan3A_96 : i32 to index
      %swap3A_143 = arith.constant 96 : index
      %swap3A_144 = tpu.vector_load %arg18[%swap3A_142, %swap3A_143] {strides = array<i32>} : memref<128x128xf32, #tpu.memory_space<vmem>>, vector<16xf32>,
      tpu.vector_store %arg18[%swap3A_142, %swap3A_143], %mul3A_141 {strides = array<i32>} : memref<128x128xf32, #tpu.memory_space<vmem>>, vector<16xf32>,
      %get3A_145 = arith.index_cast %scan3A_96 : i32 to index
      %get3A_146 = arith.constant 112 : index
      %get3A_147 = tpu.vector_load %arg18[%get3A_145, %get3A_146] {strides = array<i32>} : memref<128x128xf32, #tpu.memory_space<vmem>>, vector<16xf32>,
      %mul3A_148 = arith.mulf %get3A_147, %get3A_3 : vector<16xf32>
      %swap3A_149 = arith.index_cast %scan3A_96 : i32 to index
      %swap3A_150 = arith.constant 112 : index
      %swap3A_151 = tpu.vector_load %arg18[%swap3A_149, %swap3A_150] {strides = array<i32>} : memref<128x128xf32, #tpu.memory_space<vmem>>, vector<16xf32>,
      tpu.vector_store %arg18[%swap3A_149, %swap3A_150], %mul3A_148 {strides = array<i32>} : memref<128x128xf32, #tpu.memory_space<vmem>>, vector<16xf32>,
    }
    %scan3A_95 = arith.constant 128 : i32
    "tpu.region"() ({
      %run_scoped3A = tpu.sem_alloc : memref<!tpu.dma_semaphore, #tpu.memory_space<semaphore_mem>>
      %dma_start3A_96 = arith.constant 0 : i32
      %dma_start3A_97 = tpu.memref_slice %arg10[%mul3A_2, %dma_start3A_96] : memref<4096x128xf32, #tpu.memory_space<hbm>> -> memref<128x128xf32, #tpu.memory_space<hbm>>
      %dma_start3A_98 = arith.constant 0 : i32
      %dma_start3A_99 = tpu.memref_slice %arg10[%mul3A_2, %dma_start3A_98] : memref<4096x128xf32, #tpu.memory_space<hbm>> -> memref<128x128xf32, #tpu.memory_space<hbm>>
      tpu.enqueue_dma source(%arg18 : memref<128x128xf32, #tpu.memory_space<vmem>>) target(%dma_start3A_99 : memref<128x128xf32, #tpu.memory_space<hbm>>) target_semaphore(%run_scoped3A : memref<!tpu.dma_semaphore, #tpu.memory_space<semaphore_mem>>)
      %dma_wait3A_100 = arith.constant 0 : i32
      %dma_wait3A_101 = tpu.memref_slice %arg10[%mul3A_2, %dma_wait3A_100] : memref<4096x128xf32, #tpu.memory_space<hbm>> -> memref<128x128xf32, #tpu.memory_space<hbm>>
      %dma_wait3A_102 = arith.constant 0 : i32
      %dma_wait3A_103 = tpu.memref_slice %arg10[%mul3A_2, %dma_wait3A_102] : memref<4096x128xf32, #tpu.memory_space<hbm>> -> memref<128x128xf32, #tpu.memory_space<hbm>>
      tpu.wait_dma2 semaphore(%run_scoped3A : memref<!tpu.dma_semaphore, #tpu.memory_space<semaphore_mem>>) src(%arg18 : memref<128x128xf32, #tpu.memory_space<vmem>>) dst(%dma_wait3A_103 : memref<128x128xf32, #tpu.memory_space<hbm>>)
      tpu.yield
    }) : () -> ()
    return
  }
}

module attributes {stable_mosaic.version = 14 : i64} {
  func.func @_padT_body2(%arg0: i32, %arg1: memref<32x4096xi32, #tpu.memory_space<vmem>>, %arg2: memref<32x4096xi32, #tpu.memory_space<vmem>>, %arg3: memref<4096x128xi32, #tpu.memory_space<vmem>>, %arg4: memref<4096x128xi32, #tpu.memory_space<vmem>>) attributes {dimension_semantics = [#tpu.dimension_semantics<arbitrary>], iteration_bounds = array<i64: 13>, scalar_prefetch = 0 : i64, scratch_operands = 0 : i64, tpu.core_type = #tpu.core_type<tc>, window_params = [{transform_indices = @transform_0, window_bounds = array<i64: 32, 4096>}, {transform_indices = @transform_1, window_bounds = array<i64: 32, 4096>}, {transform_indices = @transform_2, window_bounds = array<i64: 4096, 128>}, {transform_indices = @transform_3, window_bounds = array<i64: 4096, 128>}]} {
    %broadcast_in_dim3A = arith.constant 0 : i32
    %broadcast_in_dim3A_0 = vector.broadcast %broadcast_in_dim3A : i32 to vector<4096x96xi32>
    %get3A = arith.constant 0 : index
    %get3A_1 = arith.constant 0 : index
    %get3A_2 = vector.load %arg1[%get3A, %get3A_1] : memref<32x4096xi32, #tpu.memory_space<vmem>>, vector<32x4096xi32>
    %transpose3A = tpu.transpose %get3A_2, [1, 0] : vector<32x4096xi32> -> vector<4096x32xi32>
    %concatenate3A = tpu.concatenate %transpose3A, %broadcast_in_dim3A_0 in 1 : vector<4096x32xi32>, vector<4096x96xi32> -> vector<4096x128xi32>
    %swap3A = arith.constant 0 : index
    %swap3A_3 = arith.constant 0 : index
    %swap3A_4 = vector.load %arg3[%swap3A, %swap3A_3] : memref<4096x128xi32, #tpu.memory_space<vmem>>, vector<4096x128xi32>
    tpu.vector_store %arg3[%swap3A, %swap3A_3], %concatenate3A {strides = array<i32>} : memref<4096x128xi32, #tpu.memory_space<vmem>>, vector<4096x128xi32>,
    %get3A_5 = arith.constant 0 : index
    %get3A_6 = arith.constant 0 : index
    %get3A_7 = vector.load %arg2[%get3A_5, %get3A_6] : memref<32x4096xi32, #tpu.memory_space<vmem>>, vector<32x4096xi32>
    %transpose3A_8 = tpu.transpose %get3A_7, [1, 0] : vector<32x4096xi32> -> vector<4096x32xi32>
    %concatenate3A_9 = tpu.concatenate %transpose3A_8, %broadcast_in_dim3A_0 in 1 : vector<4096x32xi32>, vector<4096x96xi32> -> vector<4096x128xi32>
    %swap3A_10 = arith.constant 0 : index
    %swap3A_11 = arith.constant 0 : index
    %swap3A_12 = vector.load %arg4[%swap3A_10, %swap3A_11] : memref<4096x128xi32, #tpu.memory_space<vmem>>, vector<4096x128xi32>
    tpu.vector_store %arg4[%swap3A_10, %swap3A_11], %concatenate3A_9 {strides = array<i32>} : memref<4096x128xi32, #tpu.memory_space<vmem>>, vector<4096x128xi32>,
    return
  }
  func.func @transform_0(%arg0: i32) -> (i32, i32) {
    %c0_i32 = arith.constant 0 : i32
    %c0_i32_0 = arith.constant 0 : i32
    return %c0_i32, %arg0 : i32, i32
  }
  func.func @transform_1(%arg0: i32) -> (i32, i32) {
    %c0_i32 = arith.constant 0 : i32
    %c0_i32_0 = arith.constant 0 : i32
    return %c0_i32, %arg0 : i32, i32
  }
  func.func @transform_2(%arg0: i32) -> (i32, i32) {
    %c0_i32 = arith.constant 0 : i32
    %c0_i32_0 = arith.constant 0 : i32
    return %arg0, %c0_i32 : i32, i32
  }
  func.func @transform_3(%arg0: i32) -> (i32, i32) {
    %c0_i32 = arith.constant 0 : i32
    %c0_i32_0 = arith.constant 0 : i32
    return %arg0, %c0_i32 : i32, i32
  }
}

module attributes {stable_mosaic.version = 14 : i64} {
  func.func @_padT_body1(%arg0: i32, %arg1: memref<32x4096xi32, #tpu.memory_space<vmem>>, %arg2: memref<4096x128xi32, #tpu.memory_space<vmem>>) attributes {dimension_semantics = [#tpu.dimension_semantics<arbitrary>], iteration_bounds = array<i64: 13>, scalar_prefetch = 0 : i64, scratch_operands = 0 : i64, tpu.core_type = #tpu.core_type<tc>, window_params = [{transform_indices = @transform_0, window_bounds = array<i64: 32, 4096>}, {transform_indices = @transform_1, window_bounds = array<i64: 4096, 128>}]} {
    %broadcast_in_dim3A = arith.constant 0 : i32
    %broadcast_in_dim3A_0 = vector.broadcast %broadcast_in_dim3A : i32 to vector<4096x96xi32>
    %get3A = arith.constant 0 : index
    %get3A_1 = arith.constant 0 : index
    %get3A_2 = vector.load %arg1[%get3A, %get3A_1] : memref<32x4096xi32, #tpu.memory_space<vmem>>, vector<32x4096xi32>
    %transpose3A = tpu.transpose %get3A_2, [1, 0] : vector<32x4096xi32> -> vector<4096x32xi32>
    %concatenate3A = tpu.concatenate %transpose3A, %broadcast_in_dim3A_0 in 1 : vector<4096x32xi32>, vector<4096x96xi32> -> vector<4096x128xi32>
    %swap3A = arith.constant 0 : index
    %swap3A_3 = arith.constant 0 : index
    %swap3A_4 = vector.load %arg2[%swap3A, %swap3A_3] : memref<4096x128xi32, #tpu.memory_space<vmem>>, vector<4096x128xi32>
    tpu.vector_store %arg2[%swap3A, %swap3A_3], %concatenate3A {strides = array<i32>} : memref<4096x128xi32, #tpu.memory_space<vmem>>, vector<4096x128xi32>,
    return
  }
  func.func @transform_0(%arg0: i32) -> (i32, i32) {
    %c0_i32 = arith.constant 0 : i32
    %c0_i32_0 = arith.constant 0 : i32
    return %c0_i32, %arg0 : i32, i32
  }
  func.func @transform_1(%arg0: i32) -> (i32, i32) {
    %c0_i32 = arith.constant 0 : i32
    %c0_i32_0 = arith.constant 0 : i32
    return %arg0, %c0_i32 : i32, i32
  }
}

module attributes {stable_mosaic.version = 14 : i64} {
  func.func @_mix_body(%arg0: i32, %arg1: memref<4096x128xf32, #tpu.memory_space<vmem>>, %arg2: memref<4096x128xf32, #tpu.memory_space<vmem>>, %arg3: memref<1x2xf32, #tpu.memory_space<smem>>, %arg4: memref<4096x128xf32, #tpu.memory_space<vmem>>) attributes {dimension_semantics = [#tpu.dimension_semantics<arbitrary>], iteration_bounds = array<i64: 13>, scalar_prefetch = 0 : i64, scratch_operands = 0 : i64, tpu.core_type = #tpu.core_type<tc>, window_params = [{transform_indices = @transform_0, window_bounds = array<i64: 4096, 128>}, {transform_indices = @transform_1, window_bounds = array<i64: 4096, 128>}, {transform_indices = @transform_2, window_bounds = array<i64: 1, 2>}, {transform_indices = @transform_3, window_bounds = array<i64: 4096, 128>}]} {
    %get3A = arith.constant 0 : index
    %get3A_0 = arith.constant 0 : index
    %get3A_1 = vector.load %arg1[%get3A, %get3A_0] : memref<4096x128xf32, #tpu.memory_space<vmem>>, vector<4096x128xf32>
    %convert_element_type3A = arith.truncf %get3A_1 : vector<4096x128xf32> to vector<4096x128xbf16>
    %convert_element_type3A_2 = arith.extf %convert_element_type3A : vector<4096x128xbf16> to vector<4096x128xf32>
    %get3A_3 = arith.constant 0 : index
    %get3A_4 = arith.constant 0 : index
    %get3A_5 = vector.load %arg2[%get3A_3, %get3A_4] : memref<4096x128xf32, #tpu.memory_space<vmem>>, vector<4096x128xf32>
    %convert_element_type3A_6 = arith.truncf %get3A_5 : vector<4096x128xf32> to vector<4096x128xbf16>
    %convert_element_type3A_7 = arith.extf %convert_element_type3A_6 : vector<4096x128xbf16> to vector<4096x128xf32>
    %get3A_8 = arith.constant 0 : index
    %get3A_9 = arith.constant 0 : index
    %get3A_10 = memref.load %arg3[%get3A_8, %get3A_9] : memref<1x2xf32, #tpu.memory_space<smem>>
    %mul3A = vector.broadcast %get3A_10 : f32 to vector<4096x128xf32>
    %mul3A_11 = arith.mulf %mul3A, %convert_element_type3A_2 : vector<4096x128xf32>
    %get3A_12 = arith.constant 0 : index
    %get3A_13 = arith.constant 1 : index
    %get3A_14 = memref.load %arg3[%get3A_12, %get3A_13] : memref<1x2xf32, #tpu.memory_space<smem>>
    %mul3A_15 = vector.broadcast %get3A_14 : f32 to vector<4096x128xf32>
    %mul3A_16 = arith.mulf %mul3A_15, %convert_element_type3A_7 : vector<4096x128xf32>
    %add3A = arith.addf %mul3A_11, %mul3A_16 : vector<4096x128xf32>
    %swap3A = arith.constant 0 : index
    %swap3A_17 = arith.constant 0 : index
    %swap3A_18 = vector.load %arg4[%swap3A, %swap3A_17] : memref<4096x128xf32, #tpu.memory_space<vmem>>, vector<4096x128xf32>
    tpu.vector_store %arg4[%swap3A, %swap3A_17], %add3A {strides = array<i32>} : memref<4096x128xf32, #tpu.memory_space<vmem>>, vector<4096x128xf32>,
    return
  }
  func.func @transform_0(%arg0: i32) -> (i32, i32) {
    %c0_i32 = arith.constant 0 : i32
    %c0_i32_0 = arith.constant 0 : i32
    return %arg0, %c0_i32 : i32, i32
  }
  func.func @transform_1(%arg0: i32) -> (i32, i32) {
    %c0_i32 = arith.constant 0 : i32
    %c0_i32_0 = arith.constant 0 : i32
    return %arg0, %c0_i32 : i32, i32
  }
  func.func @transform_2(%arg0: i32) -> (i32, i32) {
    %c0_i32 = arith.constant 0 : i32
    %c0_i32_0 = arith.constant 0 : i32
    %c0_i32_1 = arith.constant 0 : i32
    return %c0_i32, %c0_i32_0 : i32, i32
  }
  func.func @transform_3(%arg0: i32) -> (i32, i32) {
    %c0_i32 = arith.constant 0 : i32
    %c0_i32_0 = arith.constant 0 : i32
    return %arg0, %c0_i32 : i32, i32
  }
}

module attributes {stable_mosaic.version = 14 : i64} {
  func.func @_tc_body(%arg0: memref<4096x128xf32, #tpu.memory_space<vmem>>, %arg1: memref<4096x128xf32, #tpu.memory_space<vmem>>, %arg2: memref<4096x128xf32, #tpu.memory_space<vmem>>, %arg3: memref<4096x128xf32, #tpu.memory_space<vmem>>, %arg4: memref<4096x128xf32, #tpu.memory_space<vmem>>, %arg5: memref<256x128xf32, #tpu.memory_space<vmem>>, %arg6: memref<1x128xf32, #tpu.memory_space<vmem>>, %arg7: memref<256x128xf32, #tpu.memory_space<vmem>>, %arg8: memref<1x128xf32, #tpu.memory_space<vmem>>, %arg9: memref<256x128xf32, #tpu.memory_space<vmem>>, %arg10: memref<1x128xf32, #tpu.memory_space<vmem>>, %arg11: memref<128x128xf32, #tpu.memory_space<vmem>>, %arg12: memref<1x128xf32, #tpu.memory_space<vmem>>, %arg13: memref<128x128xf32, #tpu.memory_space<vmem>>, %arg14: memref<1x128xf32, #tpu.memory_space<vmem>>, %arg15: memref<128x128xf32, #tpu.memory_space<vmem>>, %arg16: memref<1x128xf32, #tpu.memory_space<vmem>>, %arg17: memref<128x128xf32, #tpu.memory_space<vmem>>, %arg18: memref<1x128xf32, #tpu.memory_space<vmem>>, %arg19: memref<256x128xf32, #tpu.memory_space<vmem>>, %arg20: memref<1x128xf32, #tpu.memory_space<vmem>>, %arg21: memref<128x16xf32, #tpu.memory_space<vmem>>, %arg22: memref<1x16xf32, #tpu.memory_space<vmem>>, %arg23: memref<16x1xf32, #tpu.memory_space<vmem>>, %arg24: memref<1x1xf32, #tpu.memory_space<vmem>>, %arg25: memref<1x128xf32, #tpu.memory_space<vmem>>, %arg26: memref<1x128xf32, #tpu.memory_space<vmem>>, %arg27: memref<1x128xf32, #tpu.memory_space<vmem>>, %arg28: memref<1x128xf32, #tpu.memory_space<vmem>>, %arg29: memref<1x128xf32, #tpu.memory_space<vmem>>, %arg30: memref<1x128xf32, #tpu.memory_space<vmem>>, %arg31: memref<1x16xf32, #tpu.memory_space<vmem>>, %arg32: memref<1x16xf32, #tpu.memory_space<vmem>>, %arg33: memref<4096xf32, #tpu.memory_space<vmem>>) attributes {dimension_semantics = [], scalar_prefetch = 0 : i64, scratch_operands = 0 : i64, tpu.core_type = #tpu.core_type<tc>} {
    %get3A = arith.constant 0 : index
    %get3A_0 = arith.constant 0 : index
    %get3A_1 = vector.load %arg0[%get3A, %get3A_0] : memref<4096x128xf32, #tpu.memory_space<vmem>>, vector<4096x128xf32>
    %get3A_2 = arith.constant 0 : index
    %get3A_3 = arith.constant 0 : index
    %get3A_4 = vector.load %arg1[%get3A_2, %get3A_3] : memref<4096x128xf32, #tpu.memory_space<vmem>>, vector<4096x128xf32>
    %concatenate3A = tpu.concatenate %get3A_1, %get3A_4 in 1 : vector<4096x128xf32>, vector<4096x128xf32> -> vector<4096x256xf32>
    %get3A_5 = arith.constant 0 : index
    %get3A_6 = arith.constant 0 : index
    %get3A_7 = vector.load %arg5[%get3A_5, %get3A_6] : memref<256x128xf32, #tpu.memory_space<vmem>>, vector<256x128xf32>
    %dot_general3A = arith.constant dense<0.000000e+00> : vector<4096x128xf32>
    %dot_general3A_8 = tpu.matmul %concatenate3A, %get3A_7, %dot_general3A {dimension_numbers = #tpu.dot_dimension_numbers<[1], [0], [0], [1], [0, 0, 1, 1], [], []>, transpose_lhs_hint = false} : vector<4096x256xf32>, vector<256x128xf32>, vector<4096x128xf32> -> vector<4096x128xf32>
    %get3A_9 = arith.constant 0 : index
    %get3A_10 = arith.constant 0 : index
    %get3A_11 = vector.load %arg6[%get3A_9, %get3A_10] : memref<1x128xf32, #tpu.memory_space<vmem>>, vector<1x128xf32>
    %add3A = vector.broadcast %get3A_11 : vector<1x128xf32> to vector<4096x128xf32>
    %add3A_12 = arith.addf %dot_general3A_8, %add3A : vector<4096x128xf32>
    %max3A = arith.constant 0.000000e+00 : f32
    %max3A_13 = vector.broadcast %max3A : f32 to vector<4096x128xf32>
    %max3A_14 = arith.maximumf %add3A_12, %max3A_13 : vector<4096x128xf32>
    %get3A_15 = arith.constant 0 : index
    %get3A_16 = arith.constant 0 : index
    %get3A_17 = vector.load %arg2[%get3A_15, %get3A_16] : memref<4096x128xf32, #tpu.memory_space<vmem>>, vector<4096x128xf32>
    %concatenate3A_18 = tpu.concatenate %max3A_14, %get3A_17 in 1 : vector<4096x128xf32>, vector<4096x128xf32> -> vector<4096x256xf32>
    %get3A_19 = arith.constant 0 : index
    %get3A_20 = arith.constant 0 : index
    %get3A_21 = vector.load %arg7[%get3A_19, %get3A_20] : memref<256x128xf32, #tpu.memory_space<vmem>>, vector<256x128xf32>
    %dot_general3A_22 = arith.constant dense<0.000000e+00> : vector<4096x128xf32>
    %dot_general3A_23 = tpu.matmul %concatenate3A_18, %get3A_21, %dot_general3A_22 {dimension_numbers = #tpu.dot_dimension_numbers<[1], [0], [0], [1], [0, 0, 1, 1], [], []>, transpose_lhs_hint = false} : vector<4096x256xf32>, vector<256x128xf32>, vector<4096x128xf32> -> vector<4096x128xf32>
    %get3A_24 = arith.constant 0 : index
    %get3A_25 = arith.constant 0 : index
    %get3A_26 = vector.load %arg8[%get3A_24, %get3A_25] : memref<1x128xf32, #tpu.memory_space<vmem>>, vector<1x128xf32>
    %add3A_27 = vector.broadcast %get3A_26 : vector<1x128xf32> to vector<4096x128xf32>
    %add3A_28 = arith.addf %dot_general3A_23, %add3A_27 : vector<4096x128xf32>
    %max3A_29 = arith.constant 0.000000e+00 : f32
    %max3A_30 = vector.broadcast %max3A_29 : f32 to vector<4096x128xf32>
    %max3A_31 = arith.maximumf %add3A_28, %max3A_30 : vector<4096x128xf32>
    %get3A_32 = arith.constant 0 : index
    %get3A_33 = arith.constant 0 : index
    %get3A_34 = vector.load %arg3[%get3A_32, %get3A_33] : memref<4096x128xf32, #tpu.memory_space<vmem>>, vector<4096x128xf32>
    %get3A_35 = arith.constant 0 : index
    %get3A_36 = arith.constant 0 : index
    %get3A_37 = vector.load %arg4[%get3A_35, %get3A_36] : memref<4096x128xf32, #tpu.memory_space<vmem>>, vector<4096x128xf32>
    %concatenate3A_38 = tpu.concatenate %get3A_34, %get3A_37 in 1 : vector<4096x128xf32>, vector<4096x128xf32> -> vector<4096x256xf32>
    %get3A_39 = arith.constant 0 : index
    %get3A_40 = arith.constant 0 : index
    %get3A_41 = vector.load %arg9[%get3A_39, %get3A_40] : memref<256x128xf32, #tpu.memory_space<vmem>>, vector<256x128xf32>
    %dot_general3A_42 = arith.constant dense<0.000000e+00> : vector<4096x128xf32>
    %dot_general3A_43 = tpu.matmul %concatenate3A_38, %get3A_41, %dot_general3A_42 {dimension_numbers = #tpu.dot_dimension_numbers<[1], [0], [0], [1], [0, 0, 1, 1], [], []>, transpose_lhs_hint = false} : vector<4096x256xf32>, vector<256x128xf32>, vector<4096x128xf32> -> vector<4096x128xf32>
    %get3A_44 = arith.constant 0 : index
    %get3A_45 = arith.constant 0 : index
    %get3A_46 = vector.load %arg10[%get3A_44, %get3A_45] : memref<1x128xf32, #tpu.memory_space<vmem>>, vector<1x128xf32>
    %add3A_47 = vector.broadcast %get3A_46 : vector<1x128xf32> to vector<4096x128xf32>
    %add3A_48 = arith.addf %dot_general3A_43, %add3A_47 : vector<4096x128xf32>
    %max3A_49 = arith.constant 0.000000e+00 : f32
    %max3A_50 = vector.broadcast %max3A_49 : f32 to vector<4096x128xf32>
    %max3A_51 = arith.maximumf %add3A_48, %max3A_50 : vector<4096x128xf32>
    %get3A_52 = arith.constant 0 : index
    %get3A_53 = arith.constant 0 : index
    %get3A_54 = vector.load %arg11[%get3A_52, %get3A_53] : memref<128x128xf32, #tpu.memory_space<vmem>>, vector<128x128xf32>
    %dot_general3A_55 = arith.constant dense<0.000000e+00> : vector<4096x128xf32>
    %dot_general3A_56 = tpu.matmul %max3A_31, %get3A_54, %dot_general3A_55 {dimension_numbers = #tpu.dot_dimension_numbers<[1], [0], [0], [1], [0, 0, 1, 1], [], []>, transpose_lhs_hint = false} : vector<4096x128xf32>, vector<128x128xf32>, vector<4096x128xf32> -> vector<4096x128xf32>
    %get3A_57 = arith.constant 0 : index
    %get3A_58 = arith.constant 0 : index
    %get3A_59 = vector.load %arg12[%get3A_57, %get3A_58] : memref<1x128xf32, #tpu.memory_space<vmem>>, vector<1x128xf32>
    %add3A_60 = vector.broadcast %get3A_59 : vector<1x128xf32> to vector<4096x128xf32>
    %add3A_61 = arith.addf %dot_general3A_56, %add3A_60 : vector<4096x128xf32>
    %get3A_62 = arith.constant 0 : index
    %get3A_63 = arith.constant 0 : index
    %get3A_64 = vector.load %arg25[%get3A_62, %get3A_63] : memref<1x128xf32, #tpu.memory_space<vmem>>, vector<1x128xf32>
    %get3A_65 = arith.constant 0 : index
    %get3A_66 = arith.constant 0 : index
    %get3A_67 = vector.load %arg26[%get3A_65, %get3A_66] : memref<1x128xf32, #tpu.memory_space<vmem>>, vector<1x128xf32>
    %reduce_sum3A = arith.constant dense<0.000000e+00> : vector<128xf32>
    %reduce_sum3A_68 = vector.multi_reduction <add>, %add3A_61, %reduce_sum3A [0] : vector<4096x128xf32> to vector<128xf32>
    %div3A = arith.constant 4.096000e+03 : f32
    %div3A_69 = vector.broadcast %div3A : f32 to vector<128xf32>
    %div3A_70 = arith.divf %reduce_sum3A_68, %div3A_69 : vector<128xf32>
    %jit3A = arith.constant 0 : i32
    %reduce_sum3A_71 = arith.constant dense<0.000000e+00> : vector<128xf32>
    %reduce_sum3A_72 = vector.multi_reduction <add>, %add3A_61, %reduce_sum3A_71 [0] : vector<4096x128xf32> to vector<128xf32>
    %broadcast_in_dim3A = vector.shape_cast %reduce_sum3A_72 : vector<128xf32> to vector<1x128xf32>
    %div3A_73 = arith.constant 4.096000e+03 : f32
    %div3A_74 = vector.broadcast %div3A_73 : f32 to vector<1x128xf32>
    %div3A_75 = arith.divf %broadcast_in_dim3A, %div3A_74 : vector<1x128xf32>
    %sub3A = vector.broadcast %div3A_75 : vector<1x128xf32> to vector<4096x128xf32>
    %sub3A_76 = arith.subf %add3A_61, %sub3A : vector<4096x128xf32>
    %square3A = arith.mulf %sub3A_76, %sub3A_76 : vector<4096x128xf32>
    %convert_element_type3A = arith.sitofp %jit3A : i32 to f32
    %sub3A_77 = arith.constant 4.096000e+03 : f32
    %sub3A_78 = arith.subf %sub3A_77, %convert_element_type3A : f32
    %reduce_sum3A_79 = arith.constant dense<0.000000e+00> : vector<128xf32>
    %reduce_sum3A_80 = vector.multi_reduction <add>, %square3A, %reduce_sum3A_79 [0] : vector<4096x128xf32> to vector<128xf32>
    %div3A_81 = vector.broadcast %sub3A_78 : f32 to vector<128xf32>
    %div3A_82 = arith.divf %reduce_sum3A_80, %div3A_81 : vector<128xf32>
    %gt3A = arith.constant 0.000000e+00 : f32
    %gt3A_83 = arith.cmpf ogt, %sub3A_78, %gt3A : f32
    %jit3A_84 = arith.constant 0x7FC00000 : f32
    %broadcast_in_dim3A_85 = vector.broadcast %jit3A_84 : f32 to vector<128xf32>
    %select_n3A = arith.select %gt3A_83, %div3A_82, %broadcast_in_dim3A_85 : vector<128xf32>
    %broadcast_in_dim3A_86 = vector.shape_cast %div3A_70 : vector<128xf32> to vector<1x128xf32>
    %sub3A_87 = vector.broadcast %broadcast_in_dim3A_86 : vector<1x128xf32> to vector<4096x128xf32>
    %sub3A_88 = arith.subf %add3A_61, %sub3A_87 : vector<4096x128xf32>
    %mul3A = vector.broadcast %get3A_64 : vector<1x128xf32> to vector<4096x128xf32>
    %mul3A_89 = arith.mulf %mul3A, %sub3A_88 : vector<4096x128xf32>
    %add3A_90 = arith.constant 9.99999974E-6 : f32
    %add3A_91 = vector.broadcast %add3A_90 : f32 to vector<128xf32>
    %add3A_92 = arith.addf %select_n3A, %add3A_91 : vector<128xf32>
    %sqrt3A = math.sqrt %add3A_92 : vector<128xf32>
    %broadcast_in_dim3A_93 = vector.shape_cast %sqrt3A : vector<128xf32> to vector<1x128xf32>
    %div3A_94 = vector.broadcast %broadcast_in_dim3A_93 : vector<1x128xf32> to vector<4096x128xf32>
    %div3A_95 = arith.divf %mul3A_89, %div3A_94 : vector<4096x128xf32>
    %add3A_96 = vector.broadcast %get3A_67 : vector<1x128xf32> to vector<4096x128xf32>
    %add3A_97 = arith.addf %div3A_95, %add3A_96 : vector<4096x128xf32>
    %max3A_98 = arith.constant 0.000000e+00 : f32
    %max3A_99 = vector.broadcast %max3A_98 : f32 to vector<4096x128xf32>
    %max3A_100 = arith.maximumf %add3A_97, %max3A_99 : vector<4096x128xf32>
    %get3A_101 = arith.constant 0 : index
    %get3A_102 = arith.constant 0 : index
    %get3A_103 = vector.load %arg13[%get3A_101, %get3A_102] : memref<128x128xf32, #tpu.memory_space<vmem>>, vector<128x128xf32>
    %dot_general3A_104 = arith.constant dense<0.000000e+00> : vector<4096x128xf32>
    %dot_general3A_105 = tpu.matmul %max3A_100, %get3A_103, %dot_general3A_104 {dimension_numbers = #tpu.dot_dimension_numbers<[1], [0], [0], [1], [0, 0, 1, 1], [], []>, transpose_lhs_hint = false} : vector<4096x128xf32>, vector<128x128xf32>, vector<4096x128xf32> -> vector<4096x128xf32>
    %get3A_106 = arith.constant 0 : index
    %get3A_107 = arith.constant 0 : index
    %get3A_108 = vector.load %arg14[%get3A_106, %get3A_107] : memref<1x128xf32, #tpu.memory_space<vmem>>, vector<1x128xf32>
    %add3A_109 = vector.broadcast %get3A_108 : vector<1x128xf32> to vector<4096x128xf32>
    %add3A_110 = arith.addf %dot_general3A_105, %add3A_109 : vector<4096x128xf32>
    %get3A_111 = arith.constant 0 : index
    %get3A_112 = arith.constant 0 : index
    %get3A_113 = vector.load %arg15[%get3A_111, %get3A_112] : memref<128x128xf32, #tpu.memory_space<vmem>>, vector<128x128xf32>
    %dot_general3A_114 = arith.constant dense<0.000000e+00> : vector<4096x128xf32>
    %dot_general3A_115 = tpu.matmul %max3A_51, %get3A_113, %dot_general3A_114 {dimension_numbers = #tpu.dot_dimension_numbers<[1], [0], [0], [1], [0, 0, 1, 1], [], []>, transpose_lhs_hint = false} : vector<4096x128xf32>, vector<128x128xf32>, vector<4096x128xf32> -> vector<4096x128xf32>
    %get3A_116 = arith.constant 0 : index
    %get3A_117 = arith.constant 0 : index
    %get3A_118 = vector.load %arg16[%get3A_116, %get3A_117] : memref<1x128xf32, #tpu.memory_space<vmem>>, vector<1x128xf32>
    %add3A_119 = vector.broadcast %get3A_118 : vector<1x128xf32> to vector<4096x128xf32>
    %add3A_120 = arith.addf %dot_general3A_115, %add3A_119 : vector<4096x128xf32>
    %get3A_121 = arith.constant 0 : index
    %get3A_122 = arith.constant 0 : index
    %get3A_123 = vector.load %arg27[%get3A_121, %get3A_122] : memref<1x128xf32, #tpu.memory_space<vmem>>, vector<1x128xf32>
    %get3A_124 = arith.constant 0 : index
    %get3A_125 = arith.constant 0 : index
    %get3A_126 = vector.load %arg28[%get3A_124, %get3A_125] : memref<1x128xf32, #tpu.memory_space<vmem>>, vector<1x128xf32>
    %reduce_sum3A_127 = arith.constant dense<0.000000e+00> : vector<128xf32>
    %reduce_sum3A_128 = vector.multi_reduction <add>, %add3A_120, %reduce_sum3A_127 [0] : vector<4096x128xf32> to vector<128xf32>
    %div3A_129 = arith.constant 4.096000e+03 : f32
    %div3A_130 = vector.broadcast %div3A_129 : f32 to vector<128xf32>
    %div3A_131 = arith.divf %reduce_sum3A_128, %div3A_130 : vector<128xf32>
    %jit3A_132 = arith.constant 0 : i32
    %reduce_sum3A_133 = arith.constant dense<0.000000e+00> : vector<128xf32>
    %reduce_sum3A_134 = vector.multi_reduction <add>, %add3A_120, %reduce_sum3A_133 [0] : vector<4096x128xf32> to vector<128xf32>
    %broadcast_in_dim3A_135 = vector.shape_cast %reduce_sum3A_134 : vector<128xf32> to vector<1x128xf32>
    %div3A_136 = arith.constant 4.096000e+03 : f32
    %div3A_137 = vector.broadcast %div3A_136 : f32 to vector<1x128xf32>
    %div3A_138 = arith.divf %broadcast_in_dim3A_135, %div3A_137 : vector<1x128xf32>
    %sub3A_139 = vector.broadcast %div3A_138 : vector<1x128xf32> to vector<4096x128xf32>
    %sub3A_140 = arith.subf %add3A_120, %sub3A_139 : vector<4096x128xf32>
    %square3A_141 = arith.mulf %sub3A_140, %sub3A_140 : vector<4096x128xf32>
    %convert_element_type3A_142 = arith.sitofp %jit3A_132 : i32 to f32
    %sub3A_143 = arith.constant 4.096000e+03 : f32
    %sub3A_144 = arith.subf %sub3A_143, %convert_element_type3A_142 : f32
    %reduce_sum3A_145 = arith.constant dense<0.000000e+00> : vector<128xf32>
    %reduce_sum3A_146 = vector.multi_reduction <add>, %square3A_141, %reduce_sum3A_145 [0] : vector<4096x128xf32> to vector<128xf32>
    %div3A_147 = vector.broadcast %sub3A_144 : f32 to vector<128xf32>
    %div3A_148 = arith.divf %reduce_sum3A_146, %div3A_147 : vector<128xf32>
    %gt3A_149 = arith.constant 0.000000e+00 : f32
    %gt3A_150 = arith.cmpf ogt, %sub3A_144, %gt3A_149 : f32
    %jit3A_151 = arith.constant 0x7FC00000 : f32
    %broadcast_in_dim3A_152 = vector.broadcast %jit3A_151 : f32 to vector<128xf32>
    %select_n3A_153 = arith.select %gt3A_150, %div3A_148, %broadcast_in_dim3A_152 : vector<128xf32>
    %broadcast_in_dim3A_154 = vector.shape_cast %div3A_131 : vector<128xf32> to vector<1x128xf32>
    %sub3A_155 = vector.broadcast %broadcast_in_dim3A_154 : vector<1x128xf32> to vector<4096x128xf32>
    %sub3A_156 = arith.subf %add3A_120, %sub3A_155 : vector<4096x128xf32>
    %mul3A_157 = vector.broadcast %get3A_123 : vector<1x128xf32> to vector<4096x128xf32>
    %mul3A_158 = arith.mulf %mul3A_157, %sub3A_156 : vector<4096x128xf32>
    %add3A_159 = arith.constant 9.99999974E-6 : f32
    %add3A_160 = vector.broadcast %add3A_159 : f32 to vector<128xf32>
    %add3A_161 = arith.addf %select_n3A_153, %add3A_160 : vector<128xf32>
    %sqrt3A_162 = math.sqrt %add3A_161 : vector<128xf32>
    %broadcast_in_dim3A_163 = vector.shape_cast %sqrt3A_162 : vector<128xf32> to vector<1x128xf32>
    %div3A_164 = vector.broadcast %broadcast_in_dim3A_163 : vector<1x128xf32> to vector<4096x128xf32>
    %div3A_165 = arith.divf %mul3A_158, %div3A_164 : vector<4096x128xf32>
    %add3A_166 = vector.broadcast %get3A_126 : vector<1x128xf32> to vector<4096x128xf32>
    %add3A_167 = arith.addf %div3A_165, %add3A_166 : vector<4096x128xf32>
    %max3A_168 = arith.constant 0.000000e+00 : f32
    %max3A_169 = vector.broadcast %max3A_168 : f32 to vector<4096x128xf32>
    %max3A_170 = arith.maximumf %add3A_167, %max3A_169 : vector<4096x128xf32>
    %get3A_171 = arith.constant 0 : index
    %get3A_172 = arith.constant 0 : index
    %get3A_173 = vector.load %arg17[%get3A_171, %get3A_172] : memref<128x128xf32, #tpu.memory_space<vmem>>, vector<128x128xf32>
    %dot_general3A_174 = arith.constant dense<0.000000e+00> : vector<4096x128xf32>
    %dot_general3A_175 = tpu.matmul %max3A_170, %get3A_173, %dot_general3A_174 {dimension_numbers = #tpu.dot_dimension_numbers<[1], [0], [0], [1], [0, 0, 1, 1], [], []>, transpose_lhs_hint = false} : vector<4096x128xf32>, vector<128x128xf32>, vector<4096x128xf32> -> vector<4096x128xf32>
    %get3A_176 = arith.constant 0 : index
    %get3A_177 = arith.constant 0 : index
    %get3A_178 = vector.load %arg18[%get3A_176, %get3A_177] : memref<1x128xf32, #tpu.memory_space<vmem>>, vector<1x128xf32>
    %add3A_179 = vector.broadcast %get3A_178 : vector<1x128xf32> to vector<4096x128xf32>
    %add3A_180 = arith.addf %dot_general3A_175, %add3A_179 : vector<4096x128xf32>
    %concatenate3A_181 = tpu.concatenate %add3A_110, %add3A_180 in 1 : vector<4096x128xf32>, vector<4096x128xf32> -> vector<4096x256xf32>
    %get3A_182 = arith.constant 0 : index
    %get3A_183 = arith.constant 0 : index
    %get3A_184 = vector.load %arg19[%get3A_182, %get3A_183] : memref<256x128xf32, #tpu.memory_space<vmem>>, vector<256x128xf32>
    %dot_general3A_185 = arith.constant dense<0.000000e+00> : vector<4096x128xf32>
    %dot_general3A_186 = tpu.matmul %concatenate3A_181, %get3A_184, %dot_general3A_185 {dimension_numbers = #tpu.dot_dimension_numbers<[1], [0], [0], [1], [0, 0, 1, 1], [], []>, transpose_lhs_hint = false} : vector<4096x256xf32>, vector<256x128xf32>, vector<4096x128xf32> -> vector<4096x128xf32>
    %get3A_187 = arith.constant 0 : index
    %get3A_188 = arith.constant 0 : index
    %get3A_189 = vector.load %arg20[%get3A_187, %get3A_188] : memref<1x128xf32, #tpu.memory_space<vmem>>, vector<1x128xf32>
    %add3A_190 = vector.broadcast %get3A_189 : vector<1x128xf32> to vector<4096x128xf32>
    %add3A_191 = arith.addf %dot_general3A_186, %add3A_190 : vector<4096x128xf32>
    %get3A_192 = arith.constant 0 : index
    %get3A_193 = arith.constant 0 : index
    %get3A_194 = vector.load %arg29[%get3A_192, %get3A_193] : memref<1x128xf32, #tpu.memory_space<vmem>>, vector<1x128xf32>
    %get3A_195 = arith.constant 0 : index
    %get3A_196 = arith.constant 0 : index
    %get3A_197 = vector.load %arg30[%get3A_195, %get3A_196] : memref<1x128xf32, #tpu.memory_space<vmem>>, vector<1x128xf32>
    %reduce_sum3A_198 = arith.constant dense<0.000000e+00> : vector<128xf32>
    %reduce_sum3A_199 = vector.multi_reduction <add>, %add3A_191, %reduce_sum3A_198 [0] : vector<4096x128xf32> to vector<128xf32>
    %div3A_200 = arith.constant 4.096000e+03 : f32
    %div3A_201 = vector.broadcast %div3A_200 : f32 to vector<128xf32>
    %div3A_202 = arith.divf %reduce_sum3A_199, %div3A_201 : vector<128xf32>
    %jit3A_203 = arith.constant 0 : i32
    %reduce_sum3A_204 = arith.constant dense<0.000000e+00> : vector<128xf32>
    %reduce_sum3A_205 = vector.multi_reduction <add>, %add3A_191, %reduce_sum3A_204 [0] : vector<4096x128xf32> to vector<128xf32>
    %broadcast_in_dim3A_206 = vector.shape_cast %reduce_sum3A_205 : vector<128xf32> to vector<1x128xf32>
    %div3A_207 = arith.constant 4.096000e+03 : f32
    %div3A_208 = vector.broadcast %div3A_207 : f32 to vector<1x128xf32>
    %div3A_209 = arith.divf %broadcast_in_dim3A_206, %div3A_208 : vector<1x128xf32>
    %sub3A_210 = vector.broadcast %div3A_209 : vector<1x128xf32> to vector<4096x128xf32>
    %sub3A_211 = arith.subf %add3A_191, %sub3A_210 : vector<4096x128xf32>
    %square3A_212 = arith.mulf %sub3A_211, %sub3A_211 : vector<4096x128xf32>
    %convert_element_type3A_213 = arith.sitofp %jit3A_203 : i32 to f32
    %sub3A_214 = arith.constant 4.096000e+03 : f32
    %sub3A_215 = arith.subf %sub3A_214, %convert_element_type3A_213 : f32
    %reduce_sum3A_216 = arith.constant dense<0.000000e+00> : vector<128xf32>
    %reduce_sum3A_217 = vector.multi_reduction <add>, %square3A_212, %reduce_sum3A_216 [0] : vector<4096x128xf32> to vector<128xf32>
    %div3A_218 = vector.broadcast %sub3A_215 : f32 to vector<128xf32>
    %div3A_219 = arith.divf %reduce_sum3A_217, %div3A_218 : vector<128xf32>
    %gt3A_220 = arith.constant 0.000000e+00 : f32
    %gt3A_221 = arith.cmpf ogt, %sub3A_215, %gt3A_220 : f32
    %jit3A_222 = arith.constant 0x7FC00000 : f32
    %broadcast_in_dim3A_223 = vector.broadcast %jit3A_222 : f32 to vector<128xf32>
    %select_n3A_224 = arith.select %gt3A_221, %div3A_219, %broadcast_in_dim3A_223 : vector<128xf32>
    %broadcast_in_dim3A_225 = vector.shape_cast %div3A_202 : vector<128xf32> to vector<1x128xf32>
    %sub3A_226 = vector.broadcast %broadcast_in_dim3A_225 : vector<1x128xf32> to vector<4096x128xf32>
    %sub3A_227 = arith.subf %add3A_191, %sub3A_226 : vector<4096x128xf32>
    %mul3A_228 = vector.broadcast %get3A_194 : vector<1x128xf32> to vector<4096x128xf32>
    %mul3A_229 = arith.mulf %mul3A_228, %sub3A_227 : vector<4096x128xf32>
    %add3A_230 = arith.constant 9.99999974E-6 : f32
    %add3A_231 = vector.broadcast %add3A_230 : f32 to vector<128xf32>
    %add3A_232 = arith.addf %select_n3A_224, %add3A_231 : vector<128xf32>
    %sqrt3A_233 = math.sqrt %add3A_232 : vector<128xf32>
    %broadcast_in_dim3A_234 = vector.shape_cast %sqrt3A_233 : vector<128xf32> to vector<1x128xf32>
    %div3A_235 = vector.broadcast %broadcast_in_dim3A_234 : vector<1x128xf32> to vector<4096x128xf32>
    %div3A_236 = arith.divf %mul3A_229, %div3A_235 : vector<4096x128xf32>
    %add3A_237 = vector.broadcast %get3A_197 : vector<1x128xf32> to vector<4096x128xf32>
    %add3A_238 = arith.addf %div3A_236, %add3A_237 : vector<4096x128xf32>
    %max3A_239 = arith.constant 0.000000e+00 : f32
    %max3A_240 = vector.broadcast %max3A_239 : f32 to vector<4096x128xf32>
    %max3A_241 = arith.maximumf %add3A_238, %max3A_240 : vector<4096x128xf32>
    %get3A_242 = arith.constant 0 : index
    %get3A_243 = arith.constant 0 : index
    %get3A_244 = vector.load %arg21[%get3A_242, %get3A_243] : memref<128x16xf32, #tpu.memory_space<vmem>>, vector<128x16xf32>
    %dot_general3A_245 = arith.constant dense<0.000000e+00> : vector<4096x16xf32>
    %dot_general3A_246 = tpu.matmul %max3A_241, %get3A_244, %dot_general3A_245 {dimension_numbers = #tpu.dot_dimension_numbers<[1], [0], [0], [1], [0, 0, 1, 1], [], []>, transpose_lhs_hint = false} : vector<4096x128xf32>, vector<128x16xf32>, vector<4096x16xf32> -> vector<4096x16xf32>
    %get3A_247 = arith.constant 0 : index
    %get3A_248 = arith.constant 0 : index
    %get3A_249 = vector.load %arg22[%get3A_247, %get3A_248] : memref<1x16xf32, #tpu.memory_space<vmem>>, vector<1x16xf32>
    %add3A_250 = vector.broadcast %get3A_249 : vector<1x16xf32> to vector<4096x16xf32>
    %add3A_251 = arith.addf %dot_general3A_246, %add3A_250 : vector<4096x16xf32>
    %get3A_252 = arith.constant 0 : index
    %get3A_253 = arith.constant 0 : index
    %get3A_254 = vector.load %arg31[%get3A_252, %get3A_253] : memref<1x16xf32, #tpu.memory_space<vmem>>, vector<1x16xf32>
    %get3A_255 = arith.constant 0 : index
    %get3A_256 = arith.constant 0 : index
    %get3A_257 = vector.load %arg32[%get3A_255, %get3A_256] : memref<1x16xf32, #tpu.memory_space<vmem>>, vector<1x16xf32>
    %reduce_sum3A_258 = arith.constant dense<0.000000e+00> : vector<16xf32>
    %reduce_sum3A_259 = vector.multi_reduction <add>, %add3A_251, %reduce_sum3A_258 [0] : vector<4096x16xf32> to vector<16xf32>
    %div3A_260 = arith.constant 4.096000e+03 : f32
    %div3A_261 = vector.broadcast %div3A_260 : f32 to vector<16xf32>
    %div3A_262 = arith.divf %reduce_sum3A_259, %div3A_261 : vector<16xf32>
    %jit3A_263 = arith.constant 0 : i32
    %reduce_sum3A_264 = arith.constant dense<0.000000e+00> : vector<16xf32>
    %reduce_sum3A_265 = vector.multi_reduction <add>, %add3A_251, %reduce_sum3A_264 [0] : vector<4096x16xf32> to vector<16xf32>
    %broadcast_in_dim3A_266 = vector.shape_cast %reduce_sum3A_265 : vector<16xf32> to vector<1x16xf32>
    %div3A_267 = arith.constant 4.096000e+03 : f32
    %div3A_268 = vector.broadcast %div3A_267 : f32 to vector<1x16xf32>
    %div3A_269 = arith.divf %broadcast_in_dim3A_266, %div3A_268 : vector<1x16xf32>
    %sub3A_270 = vector.broadcast %div3A_269 : vector<1x16xf32> to vector<4096x16xf32>
    %sub3A_271 = arith.subf %add3A_251, %sub3A_270 : vector<4096x16xf32>
    %square3A_272 = arith.mulf %sub3A_271, %sub3A_271 : vector<4096x16xf32>
    %convert_element_type3A_273 = arith.sitofp %jit3A_263 : i32 to f32
    %sub3A_274 = arith.constant 4.096000e+03 : f32
    %sub3A_275 = arith.subf %sub3A_274, %convert_element_type3A_273 : f32
    %reduce_sum3A_276 = arith.constant dense<0.000000e+00> : vector<16xf32>
    %reduce_sum3A_277 = vector.multi_reduction <add>, %square3A_272, %reduce_sum3A_276 [0] : vector<4096x16xf32> to vector<16xf32>
    %div3A_278 = vector.broadcast %sub3A_275 : f32 to vector<16xf32>
    %div3A_279 = arith.divf %reduce_sum3A_277, %div3A_278 : vector<16xf32>
    %gt3A_280 = arith.constant 0.000000e+00 : f32
    %gt3A_281 = arith.cmpf ogt, %sub3A_275, %gt3A_280 : f32
    %jit3A_282 = arith.constant 0x7FC00000 : f32
    %broadcast_in_dim3A_283 = vector.broadcast %jit3A_282 : f32 to vector<16xf32>
    %select_n3A_284 = arith.select %gt3A_281, %div3A_279, %broadcast_in_dim3A_283 : vector<16xf32>
    %broadcast_in_dim3A_285 = vector.shape_cast %div3A_262 : vector<16xf32> to vector<1x16xf32>
    %sub3A_286 = vector.broadcast %broadcast_in_dim3A_285 : vector<1x16xf32> to vector<4096x16xf32>
    %sub3A_287 = arith.subf %add3A_251, %sub3A_286 : vector<4096x16xf32>
    %mul3A_288 = vector.broadcast %get3A_254 : vector<1x16xf32> to vector<4096x16xf32>
    %mul3A_289 = arith.mulf %mul3A_288, %sub3A_287 : vector<4096x16xf32>
    %add3A_290 = arith.constant 9.99999974E-6 : f32
    %add3A_291 = vector.broadcast %add3A_290 : f32 to vector<16xf32>
    %add3A_292 = arith.addf %select_n3A_284, %add3A_291 : vector<16xf32>
    %sqrt3A_293 = math.sqrt %add3A_292 : vector<16xf32>
    %broadcast_in_dim3A_294 = vector.shape_cast %sqrt3A_293 : vector<16xf32> to vector<1x16xf32>
    %div3A_295 = vector.broadcast %broadcast_in_dim3A_294 : vector<1x16xf32> to vector<4096x16xf32>
    %div3A_296 = arith.divf %mul3A_289, %div3A_295 : vector<4096x16xf32>
    %add3A_297 = vector.broadcast %get3A_257 : vector<1x16xf32> to vector<4096x16xf32>
    %add3A_298 = arith.addf %div3A_296, %add3A_297 : vector<4096x16xf32>
    %max3A_299 = arith.constant 0.000000e+00 : f32
    %max3A_300 = vector.broadcast %max3A_299 : f32 to vector<4096x16xf32>
    %max3A_301 = arith.maximumf %add3A_298, %max3A_300 : vector<4096x16xf32>
    %get3A_302 = arith.constant 0 : index
    %get3A_303 = arith.constant 0 : index
    %get3A_304 = vector.load %arg23[%get3A_302, %get3A_303] : memref<16x1xf32, #tpu.memory_space<vmem>>, vector<16x1xf32>
    %dot_general3A_305 = arith.constant dense<0.000000e+00> : vector<4096x1xf32>
    %dot_general3A_306 = tpu.matmul %max3A_301, %get3A_304, %dot_general3A_305 {dimension_numbers = #tpu.dot_dimension_numbers<[1], [0], [0], [1], [0, 0, 1, 1], [], []>, transpose_lhs_hint = false} : vector<4096x16xf32>, vector<16x1xf32>, vector<4096x1xf32> -> vector<4096x1xf32>
    %get3A_307 = arith.constant 0 : index
    %get3A_308 = arith.constant 0 : index
    %get3A_309 = vector.load %arg24[%get3A_307, %get3A_308] : memref<1x1xf32, #tpu.memory_space<vmem>>, vector<1x1xf32>
    %add3A_310 = vector.broadcast %get3A_309 : vector<1x1xf32> to vector<4096x1xf32>
    %add3A_311 = arith.addf %dot_general3A_306, %add3A_310 : vector<4096x1xf32>
    %squeeze3A = vector.shape_cast %add3A_311 : vector<4096x1xf32> to vector<4096xf32>
    %swap3A = arith.constant 0 : index
    %swap3A_312 = vector.load %arg33[%swap3A] : memref<4096xf32, #tpu.memory_space<vmem>>, vector<4096xf32>
    tpu.vector_store %arg33[%swap3A], %squeeze3A {strides = array<i32>} : memref<4096xf32, #tpu.memory_space<vmem>>, vector<4096xf32>,
    return
  }
}

</mosaic_0001>

<sc_bundles>
// kernel: kernel.11.cloned.1.call-start
scs
__scs_entry_jumppad:
0x0: {  	(pc) =	sbr.rel $0x88, $3  }
0x1: {  	(tag) =	ssettag $0x0;
	lr =	simm.s32 $0x1  }
0x2: {  	[smem:$0x3F7C] =	sst lr;
	_ =	strace $0xD0000000  }
0x3: {  	_ = 	snop  }
0x4: {  	_ = 	snop  }
0x5: {  	_ = 	snop  }
0x6: {  	_ = 	snop  }
0x7: {  	_ = 	snop  }
__scs_overlays_trampoline_lowered:
0x8: {  	[smem:$0x3F8B] =	sst s0  }
0x9: {  	[smem:$0x3F8C] =	sst s1  }
0xa: {  	[smem:$0x3F8D] =	sst s2  }
0xb: {  	[smem:$0x3F8E] =	sst s3  }
0xc: {  	[smem:$0x3F8F] =	sst s4  }
0xd: {  	[smem:$0x3F90] =	sst s5  }
0xe: {  	[smem:$0x3F91] =	sst s6  }
0xf: {  	[smem:$0x3F92] =	sst s7  }
0x10: {  	[smem:$0x3F93] =	sst s8  }
0x11: {  	[smem:$0x3F94] =	sst s9;
	s0 =	simm.s32 @!p0 $0x0  }
0x12: {  	s1 =	sld [smem:$0x3F7A];
	s0 =	simm.s32 @p0 $0x1  }
0x13: {  	[smem:$0x3F95] =	sst s0;
	s0 =	simm.s32 @!p1 $0x0  }
0x14: {  	s2 =	sld [smem:$0x3F79];
	s0 =	simm.s32 @p1 $0x1  }
0x15: {  	[smem:$0x3F96] =	sst s0;
	s0 =	simm.s32 @!p2 $0x0  }
0x16: {  	s3 =	sld [smem:$0x3FDB];
	s0 =	simm.s32 @p2 $0x1  }
0x17: {  	s4 =	simm.s32 $0x1BF5;
	[smem:$0x3F98] =	sst s0  }
0x18: {  	s0 =	sld [smem:$0x3F7B];
	_ =	swait.ge [sflag:s4], $0x0  }
0x19: {  	s7 =	sld [smem:$0x3F7C]  }
0x1a: {  	s8 =	sadd.s32 $0xFFFFE003, lr  }
0x1b: {  	s9 =	sadd.s32 $0xFFFFFEF7, lr;
	s5 =	simm.s32 $0xFFFFFFFF;
	p2 =	slt.u32 s8, $0xFFFFF086  }
0x1c: {  	p1 =	slt.u32 s9, $0xF7A;
	s5 =	simm.s32 @!p2 $0x0  }
0x1d: {  	s5 =	simm.s32 @p1 $0x1;
	p0 =	seq.s32 s7, s2  }
0x1e: {  	s7 =	smul.u32 @!p0 $0xF7A, s2;
	p2 =	seq.s32 @!p0 s5, $0x0  }
0x1f: {  	s9 =	smul.u32 $0xF7A, s1;
	s8 =	simm.s32 @!p0 $0x1BF5;
	p2 =	por !p2, p0  }
0x20: {  	[sflag:s8] =	ssyncset.s32 @!p0 $0xFFFFF086;
	s6 =	sadd.s32 @!p0 s3, s7;
	s7 =	simm.s32 @!p0 $0x108  }
0x21: {  	s3 =	sadd.s32 s3, s9;
	s6 =	sadd.s32 @!p0 $0x88, s6;
	s7 =	simm.s32 @p2 $0x1082  }
0x22: {  	[simem:s7], [sflag:s8] =	dma.local @!p0 [hbm:s6], $0xF7A  }
0x23: {  	s9 =	sor.u32 $0xD0000000, s2;
	s6 =	simm.s32 $0x108;
	_ =	swait.ge @!p0 [sflag:s8], $0x0  }
0x24: {  	s3 =	sadd.s32 $0x88, s3;
	s6 =	simm.s32 @!p1 $0x1082;
	[sflag:s4] =	ssyncset.s32 $0xFFFFF086  }
0x25: {  	[simem:s6], [sflag:s4] =	dma.local [hbm:s3], $0xF7A  }
0x26: {  	[smem:$0x3F7C] =	sst s1;
	(tag) =	ssettag s2;
	_ =	strace s9  }
0x27: {  	s1 =	sld [smem:$0x3F8C]  }
0x28: {  	s2 =	sld [smem:$0x3F8D]  }
0x29: {  	s4 =	sld [smem:$0x3F8F]  }
0x2a: {  	p0 =	seq.s32 s5, $0x0;
	s5 =	sld [smem:$0x3F90]  }
0x2b: {  	s6 =	sld [smem:$0x3F91]  }
0x2c: {  	s7 =	sld [smem:$0x3F92]  }
0x2d: {  	s3 =	simm.s32 $0x108;
	s8 =	sld [smem:$0x3F93]  }
0x2e: {  	s3 =	simm.s32 @!p0 $0x1082;
	s9 =	sld [smem:$0x3F94]  }
0x2f: {  	lr =	sadd.s32 s0, s3;
	s0 =	sld [smem:$0x3F8B]  }
0x30: {  	s3 =	sld [smem:$0x3F8E]  }
0x31: {  	[smem:$0x3F97] =	sst s10  }
0x32: {  	s10 =	sld [smem:$0x3F95];
	_ =	sdelay $0x3  }
0x33: {  	p0 =	seq.s32 s10, $0x1;
	s10 =	sld [smem:$0x3F97];
	_ =	sdelay $0x3  }
0x34: {  	[smem:$0x3F97] =	sst s10  }
0x35: {  	s10 =	sld [smem:$0x3F96];
	_ =	sdelay $0x3  }
0x36: {  	p1 =	seq.s32 s10, $0x1;
	s10 =	sld [smem:$0x3F97];
	_ =	sdelay $0x3  }
0x37: {  	[smem:$0x3F97] =	sst s10  }
0x38: {  	s10 =	sld [smem:$0x3F98]  }
0x39: {  	_ = 	snop;
	(pc) =	sbr.ind lr, $3  }
0x3a: {  	_ = 	snop  }
0x3b: {  	_ = 	snop  }
0x3c: {  	p2 =	seq.s32 s10, $0x1;
	s10 =	sld [smem:$0x3F97]  }
0x3d: {  	_ =	shalt  }
0x3e: {  	_ =	shalt  }
0x3f: {  	_ =	shalt  }
0x40: {  	_ =	shalt  }
0x41: {  	_ =	shalt  }
0x42: {  	_ =	shalt  }
0x43: {  	_ =	shalt  }
0x44: {  	_ =	shalt  }
0x45: {  	_ =	shalt  }
0x46: {  	_ =	shalt  }
0x47: {  	_ =	shalt  }
0x48: {  	_ =	shalt  }
0x49: {  	_ =	shalt  }
0x4a: {  	_ =	shalt  }
0x4b: {  	_ =	shalt  }
0x4c: {  	_ =	shalt  }
0x4d: {  	_ =	shalt  }
0x4e: {  	_ =	shalt  }
0x4f: {  	_ =	shalt  }
0x50: {  	_ =	shalt  }
0x51: {  	_ =	shalt  }
0x52: {  	_ =	shalt  }
0x53: {  	_ =	shalt  }
0x54: {  	_ =	shalt  }
0x55: {  	_ =	shalt  }
0x56: {  	_ =	shalt  }
0x57: {  	_ =	shalt  }
0x58: {  	_ =	shalt  }
0x59: {  	_ =	shalt  }
0x5a: {  	_ =	shalt  }
0x5b: {  	_ =	shalt  }
0x5c: {  	_ =	shalt  }
0x5d: {  	_ =	shalt  }
0x5e: {  	_ =	shalt  }
0x5f: {  	_ =	shalt  }
0x60: {  	_ =	shalt  }
0x61: {  	_ =	shalt  }
0x62: {  	_ =	shalt  }
0x63: {  	_ =	shalt  }
0x64: {  	_ =	shalt  }
0x65: {  	_ =	shalt  }
0x66: {  	_ =	shalt  }
0x67: {  	_ =	shalt  }
0x68: {  	_ =	shalt  }
0x69: {  	_ =	shalt  }
0x6a: {  	_ =	shalt  }
0x6b: {  	_ =	shalt  }
0x6c: {  	_ =	shalt  }
0x6d: {  	_ =	shalt  }
0x6e: {  	_ =	shalt  }
0x6f: {  	_ =	shalt  }
0x70: {  	_ =	shalt  }
0x71: {  	_ =	shalt  }
0x72: {  	_ =	shalt  }
0x73: {  	_ =	shalt  }
0x74: {  	_ =	shalt  }
0x75: {  	_ =	shalt  }
0x76: {  	_ =	shalt  }
0x77: {  	_ =	shalt  }
0x78: {  	_ =	shalt  }
0x79: {  	_ =	shalt  }
0x7a: {  	_ =	shalt  }
0x7b: {  	_ =	shalt  }
0x7c: {  	_ =	shalt  }
0x7d: {  	_ =	shalt  }
0x7e: {  	_ =	shalt  }
0x7f: {  	_ =	shalt  }
0x80: {  	_ =	shalt  }
0x81: {  	_ =	shalt  }
0x82: {  	_ =	shalt  }
0x83: {  	_ =	shalt  }
0x84: {  	_ =	shalt  }
0x85: {  	_ =	shalt  }
0x86: {  	_ =	shalt  }
0x87: {  	_ =	shalt  }
.Lfunc_end0:
.L_simem_size_0:
called_computation.1_lowered:
.L_overlay_start_0:
0x88: {  	s2 =	sld [smem:$0x3FD9]  }
0x89: {  	s3 =	sld [smem:$0x3FFE];
	_ =	sdelay $0x1  }
0x8a: {  	s1 =	srdreg.scid  }
0x8b: {  	s0 =	sand.u32 $0x1, s1  }
0x8c: {  	s17 =	sshll.u32 s0, $0xA;
	s2 =	sadd.s32 s3, s2  }
0x8d: {  	s2 =	sadd.s32 s2, s17  }
0x8e: {  	[smem:$0x3FA3] =	sst s2  }
0x8f: {  	_ = 	snop  }
0x90: {  	s18 =	sld [smem:$0x3FA9]  }
0x91: {  	s4 =	sld [smem:$0x3FA8]  }
0x92: {  	s5 =	sld [smem:$0x3FD0];
	(tm) =	ssettm $0x1  }
0x93: {  	s19 =	sld [smem:$0x3FFB];
	_ =	sdelay $0x3  }
0x94: {  	_ =	strace s19  }
0x95: {  	s2 =	sld [smem:$0x3FFC];
	_ =	sdelay $0x3  }
0x96: {  	_ =	strace s2  }
0x97: {  	s2 =	sld [smem:$0x3FFD];
	_ =	sdelay $0x3  }
0x98: {  	_ =	strace s2  }
0x99: {  	_ =	strace $0x8FFFFFFF  }
0x9a: {  	s20 =	sld [smem:$0x3FDB];
	_ =	sdelay $0x1  }
0x9b: {  	s6 =	simm.s32 $_scs_section_size  }
0x9c: {  	s7 =	simm.s32 $_size__tile_overlayer_lowered;
	s8 =	simm.s32 $_tile_overlayer_lowered  }
0x9d: {  	s9 =	simm.s32 $0x1BFF;
	s21 =	sshll.u32 s8, $0x1;
	s6 =	sadd.s32 s6, s20  }
0x9e: {  	s22 =	simm.s32 $0x0;
	s7 =	sshll.u32 s7, $0x1;
	s8 =	sadd.s32 s21, s6  }
0x9f: {  	[timem:s22], [sflag:s9] =	dma.local [hbm:s8], s7  }
0xa0: {  	_ =	swait.ge [sflag:s9], s7  }
0xa1: {  	s7 =	ssub.s32 $0x0, s7;
	[sflag:s9] =	ssyncset.done $0x0  }
0xa2: {  	[sflag:s9] =	ssyncadd.s32 s7;
	_ =	sdelay $0x1  }
0xa3: {  	s23 =	simm.s32 $0x1B8B  }
0xa4: {  	_ =	swait.ge [sflag:s23], $0x1  }
0xa5: {  	[sflag:s23] =	ssyncset.done $0x0  }
0xa6: {  	[sflag:s23] =	ssyncadd.s32 $0xFFFFFFFF  }
0xa7: {  	s7 =	sld [smem:$0x0]  }
0xa8: {  	s8 =	sand.u32 $0xFFFFFFFE, s1  }
0xa9: {  	p0 =	sne.s32 s1, s8  }
0xaa: {  	s8 =	sshll.u32 @p0 s8, $0xE  }
0xab: {  	s8 =	sadd.s32 @p0 $0x11B8D, s8;
	s9 =	sshll.u32 @p0 s7, $0x11  }
0xac: {  	s8 =	sor.u32 @p0 s9, s8  }
0xad: {  	[sflag:s8] =	ssyncadd.remote.s32 @p0 $0x1;
	_ =	sdelay $0x1  }
0xae: {  	s8 =	simm.s32 @p0 $0x1B8D  }
0xaf: {  	_ =	swait.eq @p0 [sflag:s8], $0x1  }
0xb0: {  	[sflag:s8] =	ssyncadd.s32 @p0 $0xFFFFFFFF  }
0xb1: {  	s9 =	sshll.u32 @!p0 s1, $0xE  }
0xb2: {  	s9 =	sor.u32 @!p0 $0x4000, s9;
	s8 =	simm.s32 @!p0 $0x1B8D  }
0xb3: {  	s7 =	sshll.u32 @!p0 s7, $0x11;
	s9 =	sadd.s32 @!p0 $0x11B8D, s9;
	_ =	swait.eq @!p0 [sflag:s8], $0x1  }
0xb4: {  	s7 =	sor.u32 @!p0 s7, s9;
	[sflag:s8] =	ssyncadd.s32 @!p0 $0xFFFFFFFF  }
0xb5: {  	s25 =	simm.s32 $0x1B8E;
	s24 =	sld [smem:$0x3FFE];
	[sflag:s7] =	ssyncadd.remote.s32 @!p0 $0x1  }
0xb6: {  	s26 =	simm.s32 $execute0_lowered;
	[smem:$0x3FD2] =	sst s25  }
0xb7: {  	s8 =	sshll.u32 s26, $0x1;
	_ =	strace $0x80000049;
	[dreg:$0x1] =	wrdreg $0xFFFFFFFF  }
0xb8: {  	s28 =	simm.s32 $_size_execute0_lowered;
	s6 =	sadd.s32 s6, s8;
	[dreg:$0x0] =	wrdreg $0x0  }
0xb9: {  	s8 =	sshll.u32 s28, $0x1;
	[dreg:$0x2] =	wrdreg s6  }
0xba: {  	[dreg:$0x3] =	wrdreg s8  }
0xbb: {  	[dreg:$0x4] =	wrdreg $0xC0  }
0xbc: {  	_ =	task [dreg:s22], $0x5FFFF  }
0xbd: {  	[dreg:$0x1] =	wrdreg $0xFFFFFFFF  }
0xbe: {  	[dreg:$0x0] =	wrdreg $0x60  }
0xbf: {  	[dreg:$0x2] =	wrdreg s24  }
0xc0: {  	[dreg:$0x3] =	wrdreg s18  }
0xc1: {  	[dreg:$0x4] =	wrdreg s4  }
0xc2: {  	[dreg:$0x5] =	wrdreg s5  }
0xc3: {  	[dreg:$0x6] =	wrdreg $0xA  }
0xc4: {  	_ =	task.clear_ibuf [dreg:s22], $0x7FFFF;
	_ =	strace $0x90000049  }
0xc5: {  	s29 =	simm.s32 $0xA;
	_ =	strace $0x8000004B  }
0xc6: {  	_ =	swait.ge [sflag:s29], $0x1  }
0xc7: {  	[sflag:s29] =	ssyncadd.s32 $0xFFFFFFFF  }
0xc8: {  	_ =	strace $0x9000004B  }
0xc9: {  	_ =	sfence  }
0xca: {  	s30 =	sld [smem:$0x0];
	_ =	sdelay $0x2  }
0xcb: {  	s31 =	sshll.u32 s1, $0xD;
	s1 =	sshrl.u32 s1, $0x2  }
0xcc: {  	s4 =	sand.u32 $0x4000, s31;
	s1 =	sadd.s32 s1, s30  }
0xcd: {  	s0 =	sor.u32 s4, s0;
	s1 =	sshll.u32 s1, $0x11  }
0xce: {  	s0 =	sor.u32 s1, s0  }
0xcf: {  	s0 =	sadd.s32 $0x8F2B, s0  }
0xd0: {  	[sflag:s0] =	ssyncadd.remote.s32 $0x1  }
0xd1: {  	_ =	sfence.sel $0xFFFF  }
0xd2: {  	[dreg:$0x0] =	wrdreg $0xFFFFFFFF;
	(pc) =	sbr.abs _section_cstart, $3  }
0xd3: {  	[dreg:$0x1] =	wrdreg $0xFFFFFFFF  }
0xd4: {  	_ =	task.clear_ibuf [dreg:s22], $0x2FFFF;
	_ =	strace $0x9FFFFFFF  }
0xd5: {  	(tm) =	ssettm $0x7FFFFFFF  }
tec
execute0_lowered:
.L_overlay_start_1:
0x0: {  	(tag) =	ssettag $0x1  }
0x1: {  	s0 =	rddreg [dreg:$0x0]  }
0x2: {  	s1 =	rddreg [dreg:$0x1]  }
0x3: {  	s2 =	rddreg [dreg:$0x2]  }
0x4: {  	s3 =	simm.s32 $0x0;
	s4 =	srdreg.scid;
	s5 =	stileid.u32  }
0x5: {  	s14 =	simm.s32 $0x4;
	s15 =	simm.s32 $0x80;
	s16 =	simm.s32 $0x100  }
0x6: {  	s17 =	simm.s32 $0xE100;
	s18 =	simm.s32 $0x4100;
	s19 =	simm.s32 $0x2  }
0x7: {  	s20 =	simm.s32 $0x1;
	s22 =	simm.s32 $0xA100;
	s30 =	simm.s32 $0x3  }
0x8: {  	s29 =	simm.s32 $0x9D00;
	s31 =	simm.s32 $0x9D80;
	s13 =	simm.s32 $0x9F80  }
0x9: {  	s21 =	simm.s32 $0xA000;
	s23 =	simm.s32 $0xA080;
	s24 =	simm.s32 $0x0  }
0xa: {  	[smem:$0x7FF] =	sst s3;
	s6 =	sand.u32 $0x1, s4;
	s4 =	sadd.s32 $0x270C00, s0  }
0xb: {  	s7 =	sshll.u32 s5, $0x8;
	s5 =	sadd.s32 $0xEA000, s0;
	s8 =	sshll.u32 s6, $0x7  }
0xc: {  	v0 =	vlaneseq.u32;
	_ =	strace $0x8000004A;
	s26 =	ssub.s32 $0x2, s6;
	s7 =	sor.u32 s8, s7  }
0xd: {  	v0 =	vmul.u32 $0x80, v0;
	s6 =	sadd.s32 $0x1AD600, s0;
	s10 =	sshrl.u32 s26, $0x1;
	s9 =	sshll.u32 s7, $0x4  }
0xe: {  	s12 =	ssub.s32 s26, s10;
	s28 =	sshrl.u32 s7, $0x3;
	s0 =	sadd.s32 s9, s0  }
0xf: {  	v1 =	vor.u32 $0x800, v0;
	v2 =	vor.u32 $0x1000, v0;
	v3 =	vor.u32 $0x1800, v0;
	s7 =	sadd.s32 s1, s28;
	s8 =	sadd.s32 s2, s28;
	s2 =	simm.s32 $0x9E80  }
0x10: {  	v4 =	vor.u32 $0x2000, v0;
	v5 =	vor.u32 $0x2800, v0;
	s12 =	smax.u32 s12, $0x1;
	s9 =	sadd.s32 $0x334200, s0;
	s10 =	sadd.s32 $0x344200, s0  }
0x11: {  	v6 =	vor.u32 $0x3000, v0;
	v7 =	vor.u32 $0x3800, v0;
	s1 =	simm.s32 $0x9F00;
	s11 =	sadd.s32 $0x354200, s0;
	s0 =	simm.s32 $0x9E00  }
.LBB2_1:
0x12: {  	s25 =	rddreg [dreg:$0x3];
	s26 =	simm.s32 $0x12100  }
0x13: {  	[tilespmem:s26], [sflag:$0x4] =	stream.linear.gather [hbm4b:s25+s3], $0x80, $0x38;
	[tilespmem:$0x12180] =	vst v63  }
0x14: {  	_ =	swait.ge [sflag:s14], $0x80  }
0x15: {  	[sflag:s14] =	ssyncset.done $0x0  }
0x16: {  	[sflag:s14] =	ssyncadd.s32 $0xFFFFFF80  }
0x17: {  	v8 =	vld [tilespmem:$0x12100];
	[tilespmem:s3], [sflag:$0x4] =	stream.linear.gather [hbm4b:s7+s3], $0x80, $0x38  }
0x18: {  	_ =	swait.ge [sflag:s14], $0x80  }
0x19: {  	[sflag:s14] =	ssyncset.done $0x0  }
0x1a: {  	[sflag:s14] =	ssyncadd.s32 $0xFFFFFF80  }
0x1b: {  	[tilespmem:s16], [sflag:$0x2] =	stream.indirect.gather [hbm4b:s5+s15], $0x80, s3, s15, $0xb8;
	[tilespmem:$0x12180] =	vst v63  }
0x1c: {  	_ = 	snop  }
0x1d: {  	[tilespmem:s17], [sflag:$0x1] =	stream.indirect.gather [hbm4b:s4+s15], $0x80, s3, s15, $0xb8;
	[tilespmem:$0x12180] =	vst v63  }
0x1e: {  	v9 =	vmov s3  }
0x1f: {  	v9 =	vand.u32 $0x7F, v9;
	[tilespmem:s15], [sflag:$0x4] =	stream.linear.gather [hbm4b:s8+s3], $0x80, $0x38;
	[tilespmem:$0x12180] =	vst v63  }
0x20: {  	v9 =	vbroadcast v9, $0x0;
	_ =	swait.ge [sflag:s14], $0x80  }
0x21: {  	[sflag:s14] =	ssyncset.done $0x0  }
0x22: {  	v10 =	vor.u32 v0, v9;
	[sflag:s14] =	ssyncadd.s32 $0xFFFFFF80  }
0x23: {  	[tilespmem:s18], [sflag:$0x2] =	stream.indirect.gather [hbm4b:s6+s15], $0x80, s15, s15, $0xb8;
	[tilespmem:$0x12180] =	vst v63  }
0x24: {  	_ =	swait.ge [sflag:s19], $0x4000  }
0x25: {  	[sflag:s19] =	ssyncset.done $0x0  }
0x26: {  	[sflag:s19] =	ssyncadd.s32 $0xFFFFC000  }
0x27: {  	v10 =	vld.idx.msk [tilespmem:v10+s16+$0x0], $0xffff  }
0x28: {  	v11 =	vor.u32 v1, v9;
	_ =	sdelay $0x2  }
0x29: {  	s25 =	simm.s32 $0x8140  }
0x2a: {  	[tilespmem:s25+$0xFFFFFFC0] =	vst v10  }
0x2b: {  	v10 =	vld.idx.msk [tilespmem:v11+s16+$0x0], $0xffff  }
0x2c: {  	v11 =	vor.u32 v2, v9;
	_ =	sdelay $0x3  }
0x2d: {  	[tilespmem:s25+$0xFFFFFFD0] =	vst v10  }
0x2e: {  	v10 =	vld.idx.msk [tilespmem:v11+s16+$0x0], $0xffff  }
0x2f: {  	v11 =	vor.u32 v3, v9;
	_ =	sdelay $0x3  }
0x30: {  	[tilespmem:s25+$0xFFFFFFE0] =	vst v10  }
0x31: {  	v10 =	vld.idx.msk [tilespmem:v11+s16+$0x0], $0xffff  }
0x32: {  	v11 =	vor.u32 v4, v9;
	_ =	sdelay $0x3  }
0x33: {  	[tilespmem:s25+$0xFFFFFFF0] =	vst v10  }
0x34: {  	v10 =	vld.idx.msk [tilespmem:v11+s16+$0x0], $0xffff  }
0x35: {  	v11 =	vor.u32 v5, v9;
	_ =	sdelay $0x3  }
0x36: {  	[tilespmem:s25+$0x0] =	vst v10  }
0x37: {  	v10 =	vld.idx.msk [tilespmem:v11+s16+$0x0], $0xffff  }
0x38: {  	v11 =	vor.u32 v6, v9;
	_ =	sdelay $0x3  }
0x39: {  	[tilespmem:s25+$0x10] =	vst v10  }
0x3a: {  	v10 =	vld.idx.msk [tilespmem:v11+s16+$0x0], $0xffff  }
0x3b: {  	v9 =	vor.u32 v7, v9;
	_ =	sdelay $0x1  }
0x3c: {  	s28 =	simm.s32 $0x1  }
0x3d: {  	s26 =	simm.s32 $0x2;
	v11 =	vmov s28  }
.LBB2_2:
0x3e: {  	p0 =	sne.s32 s26, $0x1F;
	v11 =	vand.u32 $0x7F, v11;
	[tilespmem:s25+$0x20] =	vst v10  }
0x3f: {  	v11 =	vbroadcast v11, $0x0;
	v9 =	vld.idx.msk [tilespmem:v9+s16+$0x0], $0xffff;
	_ =	sdelay $0x1  }
0x40: {  	v10 =	vor.u32 v0, v11;
	_ =	sdelay $0x3  }
0x41: {  	[tilespmem:s25+$0x30] =	vst v9  }
0x42: {  	v9 =	vld.idx.msk [tilespmem:v10+s16+$0x0], $0xffff;
	_ =	sdelay $0x1  }
0x43: {  	v10 =	vor.u32 v1, v11;
	_ =	sdelay $0x2  }
0x44: {  	s25 =	sadd.s32 $0x80, s25  }
0x45: {  	[tilespmem:s25+$0xFFFFFFC0] =	vst v9  }
0x46: {  	v9 =	vld.idx.msk [tilespmem:v10+s16+$0x0], $0xffff;
	_ =	sdelay $0x1  }
0x47: {  	v10 =	vor.u32 v2, v11;
	_ =	sdelay $0x3  }
0x48: {  	[tilespmem:s25+$0xFFFFFFD0] =	vst v9  }
0x49: {  	v9 =	vld.idx.msk [tilespmem:v10+s16+$0x0], $0xffff;
	_ =	sdelay $0x1  }
0x4a: {  	v10 =	vor.u32 v3, v11;
	_ =	sdelay $0x3  }
0x4b: {  	[tilespmem:s25+$0xFFFFFFE0] =	vst v9  }
0x4c: {  	v9 =	vld.idx.msk [tilespmem:v10+s16+$0x0], $0xffff;
	_ =	sdelay $0x1  }
0x4d: {  	v10 =	vor.u32 v4, v11;
	_ =	sdelay $0x3  }
0x4e: {  	[tilespmem:s25+$0xFFFFFFF0] =	vst v9  }
0x4f: {  	v9 =	vld.idx.msk [tilespmem:v10+s16+$0x0], $0xffff;
	_ =	sdelay $0x1  }
0x50: {  	v10 =	vor.u32 v5, v11;
	_ =	sdelay $0x3  }
0x51: {  	[tilespmem:s25+$0x0] =	vst v9  }
0x52: {  	v9 =	vld.idx.msk [tilespmem:v10+s16+$0x0], $0xffff;
	_ =	sdelay $0x1  }
0x53: {  	v10 =	vor.u32 v6, v11;
	_ =	sdelay $0x3  }
0x54: {  	[tilespmem:s25+$0x10] =	vst v9  }
0x55: {  	v10 =	vld.idx.msk [tilespmem:v10+s16+$0x0], $0xffff  }
.Ltmp0:
0x56: {  	(pc) =	sbr.rel @p0 .LBB2_2-.Ltmp0, $2  }
0x57: {  	v9 =	vor.u32 v7, v11;
	_ =	sdelay $0x2  }
0x58: {  	v11 =	vmov s26;
	s26 =	sadd.s32 $0x1, s26  }
0x59: {  	_ =	sdelay $0x1  }
0x5a: {  	v11 =	vand.u32 $0x7F, v11  }
0x5b: {  	[tilespmem:s25+$0x20] =	vst v10;
	v10 =	vbroadcast v11, $0x0  }
0x5c: {  	v9 =	vld.idx.msk [tilespmem:v9+s16+$0x0], $0xffff  }
0x5d: {  	v11 =	vor.u32 v0, v10;
	_ =	sdelay $0x3  }
0x5e: {  	[tilespmem:s25+$0x30] =	vst v9  }
0x5f: {  	v9 =	vld.idx.msk [tilespmem:v11+s16+$0x0], $0xffff  }
0x60: {  	v11 =	vor.u32 v1, v10;
	_ =	sdelay $0x2  }
0x61: {  	s26 =	sadd.s32 $0x80, s25  }
0x62: {  	[tilespmem:s26+$0xFFFFFFC0] =	vst v9  }
0x63: {  	v9 =	vld.idx.msk [tilespmem:v11+s16+$0x0], $0xffff  }
0x64: {  	v11 =	vor.u32 v2, v10;
	_ =	sdelay $0x3  }
0x65: {  	[tilespmem:s26+$0xFFFFFFD0] =	vst v9  }
0x66: {  	v9 =	vld.idx.msk [tilespmem:v11+s16+$0x0], $0xffff  }
0x67: {  	v11 =	vor.u32 v3, v10;
	_ =	sdelay $0x3  }
0x68: {  	[tilespmem:s26+$0xFFFFFFE0] =	vst v9  }
0x69: {  	v9 =	vld.idx.msk [tilespmem:v11+s16+$0x0], $0xffff  }
0x6a: {  	v11 =	vor.u32 v4, v10;
	_ =	sdelay $0x3  }
0x6b: {  	[tilespmem:s26+$0xFFFFFFF0] =	vst v9  }
0x6c: {  	v9 =	vld.idx.msk [tilespmem:v11+s16+$0x0], $0xffff  }
0x6d: {  	v11 =	vor.u32 v5, v10;
	_ =	sdelay $0x3  }
0x6e: {  	[tilespmem:s26+$0x0] =	vst v9  }
0x6f: {  	v9 =	vld.idx.msk [tilespmem:v11+s16+$0x0], $0xffff  }
0x70: {  	v11 =	vor.u32 v6, v10;
	_ =	sdelay $0x3  }
0x71: {  	[tilespmem:s26+$0x10] =	vst v9  }
0x72: {  	v9 =	vld.idx.msk [tilespmem:v11+s16+$0x0], $0xffff  }
0x73: {  	v10 =	vor.u32 v7, v10;
	_ =	sdelay $0x3  }
0x74: {  	[tilespmem:s26+$0x20] =	vst v9  }
0x75: {  	v9 =	vld.idx.msk [tilespmem:v10+s16+$0x0], $0xffff;
	_ =	sdelay $0x4  }
0x76: {  	[tilespmem:s26+$0x30] =	vst v9  }
0x77: {  	_ =	swait.ge [sflag:s20], $0x4000  }
0x78: {  	[sflag:s20] =	ssyncset.done $0x0  }
0x79: {  	s25 =	simm.s32 $0x0;
	[sflag:s20] =	ssyncadd.s32 $0xFFFFC000  }
0x7a: {  	[hbm4b:s9+s25] =	stream.linear.scatter [tilespmem:s17], [sflag:$0x4], $0x4000, $0x38;
	[tilespmem:$0x12180] =	vst v63  }
0x7b: {  	_ =	swait.ge [sflag:s14], $0x4000  }
0x7c: {  	[sflag:s14] =	ssyncset.done $0x0  }
0x7d: {  	s26 =	simm.s32 $0x8100;
	[sflag:s14] =	ssyncadd.s32 $0xFFFFC000  }
0x7e: {  	[tilespmem:s22], [sflag:$0x1] =	stream.indirect.gather [hbm4b:s4+s15], $0x80, s26, s15, $0xb8;
	[tilespmem:$0x12180] =	vst v63  }
0x7f: {  	_ =	swait.ge [sflag:s20], $0x4000  }
0x80: {  	[sflag:s20] =	ssyncset.done $0x0  }
0x81: {  	s28 =	simm.s32 $0x8180;
	[sflag:s20] =	ssyncadd.s32 $0xFFFFC000  }
0x82: {  	[tilespmem:s22], [sflag:$0x1] =	stream.indirect.gather.add.f32 [hbm:s4], $0x80, s28, s15, $0xb8;
	[tilespmem:$0x12180] =	vst v63  }
0x83: {  	s28 =	simm.s32 $0x8200  }
0x84: {  	[tilespmem:s22], [sflag:$0x1] =	stream.indirect.gather.add.f32 [hbm:s4], $0x80, s28, s15, $0xb8;
	[tilespmem:$0x12180] =	vst v63  }
0x85: {  	s28 =	simm.s32 $0x8280  }
0x86: {  	[tilespmem:s22], [sflag:$0x1] =	stream.indirect.gather.add.f32 [hbm:s4], $0x80, s28, s15, $0xb8;
	[tilespmem:$0x12180] =	vst v63  }
0x87: {  	s28 =	simm.s32 $0x8300  }
0x88: {  	[tilespmem:s22], [sflag:$0x1] =	stream.indirect.gather.add.f32 [hbm:s4], $0x80, s28, s15, $0xb8;
	[tilespmem:$0x12180] =	vst v63  }
0x89: {  	s28 =	simm.s32 $0x8380  }
0x8a: {  	[tilespmem:s22], [sflag:$0x1] =	stream.indirect.gather.add.f32 [hbm:s4], $0x80, s28, s15, $0xb8;
	[tilespmem:$0x12180] =	vst v63  }
0x8b: {  	s28 =	simm.s32 $0x8400  }
0x8c: {  	[tilespmem:s22], [sflag:$0x1] =	stream.indirect.gather.add.f32 [hbm:s4], $0x80, s28, s15, $0xb8;
	[tilespmem:$0x12180] =	vst v63  }
0x8d: {  	s28 =	simm.s32 $0x8480  }
0x8e: {  	[tilespmem:s22], [sflag:$0x1] =	stream.indirect.gather.add.f32 [hbm:s4], $0x80, s28, s15, $0xb8;
	[tilespmem:$0x12180] =	vst v63  }
0x8f: {  	s28 =	simm.s32 $0x8500  }
0x90: {  	[tilespmem:s22], [sflag:$0x1] =	stream.indirect.gather.add.f32 [hbm:s4], $0x80, s28, s15, $0xb8;
	[tilespmem:$0x12180] =	vst v63  }
0x91: {  	s28 =	simm.s32 $0x8580  }
0x92: {  	[tilespmem:s22], [sflag:$0x1] =	stream.indirect.gather.add.f32 [hbm:s4], $0x80, s28, s15, $0xb8;
	[tilespmem:$0x12180] =	vst v63  }
0x93: {  	s28 =	simm.s32 $0x8600  }
0x94: {  	[tilespmem:s22], [sflag:$0x1] =	stream.indirect.gather.add.f32 [hbm:s4], $0x80, s28, s15, $0xb8;
	[tilespmem:$0x12180] =	vst v63  }
0x95: {  	s28 =	simm.s32 $0x8680  }
0x96: {  	[tilespmem:s22], [sflag:$0x1] =	stream.indirect.gather.add.f32 [hbm:s4], $0x80, s28, s15, $0xb8;
	[tilespmem:$0x12180] =	vst v63  }
0x97: {  	s28 =	simm.s32 $0x8700  }
0x98: {  	[tilespmem:s22], [sflag:$0x1] =	stream.indirect.gather.add.f32 [hbm:s4], $0x80, s28, s15, $0xb8;
	[tilespmem:$0x12180] =	vst v63  }
0x99: {  	s28 =	simm.s32 $0x8780  }
0x9a: {  	[tilespmem:s22], [sflag:$0x1] =	stream.indirect.gather.add.f32 [hbm:s4], $0x80, s28, s15, $0xb8;
	[tilespmem:$0x12180] =	vst v63  }
0x9b: {  	s28 =	simm.s32 $0x8800  }
0x9c: {  	[tilespmem:s22], [sflag:$0x1] =	stream.indirect.gather.add.f32 [hbm:s4], $0x80, s28, s15, $0xb8;
	[tilespmem:$0x12180] =	vst v63  }
0x9d: {  	s28 =	simm.s32 $0x8880  }
0x9e: {  	[tilespmem:s22], [sflag:$0x1] =	stream.indirect.gather.add.f32 [hbm:s4], $0x80, s28, s15, $0xb8;
	[tilespmem:$0x12180] =	vst v63  }
0x9f: {  	s28 =	simm.s32 $0x8900  }
0xa0: {  	[tilespmem:s22], [sflag:$0x1] =	stream.indirect.gather.add.f32 [hbm:s4], $0x80, s28, s15, $0xb8;
	[tilespmem:$0x12180] =	vst v63  }
0xa1: {  	s28 =	simm.s32 $0x8980  }
0xa2: {  	[tilespmem:s22], [sflag:$0x1] =	stream.indirect.gather.add.f32 [hbm:s4], $0x80, s28, s15, $0xb8;
	[tilespmem:$0x12180] =	vst v63  }
0xa3: {  	s28 =	simm.s32 $0x8A00  }
0xa4: {  	[tilespmem:s22], [sflag:$0x1] =	stream.indirect.gather.add.f32 [hbm:s4], $0x80, s28, s15, $0xb8;
	[tilespmem:$0x12180] =	vst v63  }
0xa5: {  	s28 =	simm.s32 $0x8A80  }
0xa6: {  	[tilespmem:s22], [sflag:$0x1] =	stream.indirect.gather.add.f32 [hbm:s4], $0x80, s28, s15, $0xb8;
	[tilespmem:$0x12180] =	vst v63  }
0xa7: {  	s28 =	simm.s32 $0x8B00  }
0xa8: {  	[tilespmem:s22], [sflag:$0x1] =	stream.indirect.gather.add.f32 [hbm:s4], $0x80, s28, s15, $0xb8;
	[tilespmem:$0x12180] =	vst v63  }
0xa9: {  	s28 =	simm.s32 $0x8B80  }
0xaa: {  	[tilespmem:s22], [sflag:$0x1] =	stream.indirect.gather.add.f32 [hbm:s4], $0x80, s28, s15, $0xb8;
	[tilespmem:$0x12180] =	vst v63  }
0xab: {  	s28 =	simm.s32 $0x8C00  }
0xac: {  	[tilespmem:s22], [sflag:$0x1] =	stream.indirect.gather.add.f32 [hbm:s4], $0x80, s28, s15, $0xb8;
	[tilespmem:$0x12180] =	vst v63  }
0xad: {  	s28 =	simm.s32 $0x8C80  }
0xae: {  	[tilespmem:s22], [sflag:$0x1] =	stream.indirect.gather.add.f32 [hbm:s4], $0x80, s28, s15, $0xb8;
	[tilespmem:$0x12180] =	vst v63  }
0xaf: {  	s28 =	simm.s32 $0x8D00  }
0xb0: {  	[tilespmem:s22], [sflag:$0x1] =	stream.indirect.gather.add.f32 [hbm:s4], $0x80, s28, s15, $0xb8;
	[tilespmem:$0x12180] =	vst v63  }
0xb1: {  	s28 =	simm.s32 $0x8D80  }
0xb2: {  	[tilespmem:s22], [sflag:$0x1] =	stream.indirect.gather.add.f32 [hbm:s4], $0x80, s28, s15, $0xb8;
	[tilespmem:$0x12180] =	vst v63  }
0xb3: {  	s28 =	simm.s32 $0x8E00  }
0xb4: {  	[tilespmem:s22], [sflag:$0x1] =	stream.indirect.gather.add.f32 [hbm:s4], $0x80, s28, s15, $0xb8;
	[tilespmem:$0x12180] =	vst v63  }
0xb5: {  	s28 =	simm.s32 $0x8E80  }
0xb6: {  	[tilespmem:s22], [sflag:$0x1] =	stream.indirect.gather.add.f32 [hbm:s4], $0x80, s28, s15, $0xb8;
	[tilespmem:$0x12180] =	vst v63  }
0xb7: {  	s28 =	simm.s32 $0x8F00  }
0xb8: {  	[tilespmem:s22], [sflag:$0x1] =	stream.indirect.gather.add.f32 [hbm:s4], $0x80, s28, s15, $0xb8;
	[tilespmem:$0x12180] =	vst v63  }
0xb9: {  	v9 =	vmov s25;
	s26 =	simm.s32 $0x8F80  }
0xba: {  	v9 =	vand.u32 $0x7F, v9;
	[tilespmem:s22], [sflag:$0x1] =	stream.indirect.gather.add.f32 [hbm:s4], $0x80, s26, s15, $0xb8;
	[tilespmem:$0x12180] =	vst v63  }
0xbb: {  	v9 =	vbroadcast v9, $0x0;
	s28 =	simm.s32 $0x9000  }
0xbc: {  	[tilespmem:s22], [sflag:$0x1] =	stream.indirect.gather.add.f32 [hbm:s4], $0x80, s28, s15, $0xb8;
	[tilespmem:$0x12180] =	vst v63  }
0xbd: {  	v10 =	vor.u32 v0, v9;
	s26 =	simm.s32 $0x9080  }
0xbe: {  	[tilespmem:s22], [sflag:$0x1] =	stream.indirect.gather.add.f32 [hbm:s4], $0x80, s26, s15, $0xb8;
	[tilespmem:$0x12180] =	vst v63  }
0xbf: {  	_ =	swait.ge [sflag:s19], $0x4000  }
0xc0: {  	[sflag:s19] =	ssyncset.done $0x0  }
0xc1: {  	[sflag:s19] =	ssyncadd.s32 $0xFFFFC000  }
0xc2: {  	v10 =	vld.idx.msk [tilespmem:v10+s18+$0x0], $0xffff  }
0xc3: {  	v11 =	vor.u32 v1, v9;
	_ =	sdelay $0x2  }
0xc4: {  	s25 =	simm.s32 $0x9140  }
0xc5: {  	[tilespmem:s25+$0xFFFFFFC0] =	vst v10  }
0xc6: {  	v10 =	vld.idx.msk [tilespmem:v11+s18+$0x0], $0xffff  }
0xc7: {  	v11 =	vor.u32 v2, v9;
	_ =	sdelay $0x3  }
0xc8: {  	[tilespmem:s25+$0xFFFFFFD0] =	vst v10  }
0xc9: {  	v10 =	vld.idx.msk [tilespmem:v11+s18+$0x0], $0xffff  }
0xca: {  	v11 =	vor.u32 v3, v9;
	_ =	sdelay $0x3  }
0xcb: {  	[tilespmem:s25+$0xFFFFFFE0] =	vst v10  }
0xcc: {  	v10 =	vld.idx.msk [tilespmem:v11+s18+$0x0], $0xffff  }
0xcd: {  	v11 =	vor.u32 v4, v9;
	_ =	sdelay $0x3  }
0xce: {  	[tilespmem:s25+$0xFFFFFFF0] =	vst v10  }
0xcf: {  	v10 =	vld.idx.msk [tilespmem:v11+s18+$0x0], $0xffff  }
0xd0: {  	v11 =	vor.u32 v5, v9;
	_ =	sdelay $0x3  }
0xd1: {  	[tilespmem:s25+$0x0] =	vst v10  }
0xd2: {  	v10 =	vld.idx.msk [tilespmem:v11+s18+$0x0], $0xffff  }
0xd3: {  	v11 =	vor.u32 v6, v9;
	_ =	sdelay $0x3  }
0xd4: {  	[tilespmem:s25+$0x10] =	vst v10  }
0xd5: {  	v10 =	vld.idx.msk [tilespmem:v11+s18+$0x0], $0xffff  }
0xd6: {  	v9 =	vor.u32 v7, v9;
	_ =	sdelay $0x1  }
0xd7: {  	s28 =	simm.s32 $0x1  }
0xd8: {  	s26 =	simm.s32 $0x2;
	v11 =	vmov s28  }
.LBB2_4:
0xd9: {  	p0 =	sne.s32 s26, $0x1F;
	v11 =	vand.u32 $0x7F, v11;
	[tilespmem:s25+$0x20] =	vst v10  }
0xda: {  	v11 =	vbroadcast v11, $0x0;
	v9 =	vld.idx.msk [tilespmem:v9+s18+$0x0], $0xffff;
	_ =	sdelay $0x1  }
0xdb: {  	v10 =	vor.u32 v0, v11;
	_ =	sdelay $0x3  }
0xdc: {  	[tilespmem:s25+$0x30] =	vst v9  }
0xdd: {  	v9 =	vld.idx.msk [tilespmem:v10+s18+$0x0], $0xffff;
	_ =	sdelay $0x1  }
0xde: {  	v10 =	vor.u32 v1, v11;
	_ =	sdelay $0x2  }
0xdf: {  	s25 =	sadd.s32 $0x80, s25  }
0xe0: {  	[tilespmem:s25+$0xFFFFFFC0] =	vst v9  }
0xe1: {  	v9 =	vld.idx.msk [tilespmem:v10+s18+$0x0], $0xffff;
	_ =	sdelay $0x1  }
0xe2: {  	v10 =	vor.u32 v2, v11;
	_ =	sdelay $0x3  }
0xe3: {  	[tilespmem:s25+$0xFFFFFFD0] =	vst v9  }
0xe4: {  	v9 =	vld.idx.msk [tilespmem:v10+s18+$0x0], $0xffff;
	_ =	sdelay $0x1  }
0xe5: {  	v10 =	vor.u32 v3, v11;
	_ =	sdelay $0x3  }
0xe6: {  	[tilespmem:s25+$0xFFFFFFE0] =	vst v9  }
0xe7: {  	v9 =	vld.idx.msk [tilespmem:v10+s18+$0x0], $0xffff;
	_ =	sdelay $0x1  }
0xe8: {  	v10 =	vor.u32 v4, v11;
	_ =	sdelay $0x3  }
0xe9: {  	[tilespmem:s25+$0xFFFFFFF0] =	vst v9  }
0xea: {  	v9 =	vld.idx.msk [tilespmem:v10+s18+$0x0], $0xffff;
	_ =	sdelay $0x1  }
0xeb: {  	v10 =	vor.u32 v5, v11;
	_ =	sdelay $0x3  }
0xec: {  	[tilespmem:s25+$0x0] =	vst v9  }
0xed: {  	v9 =	vld.idx.msk [tilespmem:v10+s18+$0x0], $0xffff;
	_ =	sdelay $0x1  }
0xee: {  	v10 =	vor.u32 v6, v11;
	_ =	sdelay $0x3  }
0xef: {  	[tilespmem:s25+$0x10] =	vst v9  }
0xf0: {  	v10 =	vld.idx.msk [tilespmem:v10+s18+$0x0], $0xffff  }
.Ltmp1:
0xf1: {  	(pc) =	sbr.rel @p0 .LBB2_4-.Ltmp1, $2  }
0xf2: {  	v9 =	vor.u32 v7, v11;
	_ =	sdelay $0x2  }
0xf3: {  	v11 =	vmov s26;
	s26 =	sadd.s32 $0x1, s26  }
0xf4: {  	_ =	sdelay $0x1  }
0xf5: {  	v11 =	vand.u32 $0x7F, v11  }
0xf6: {  	[tilespmem:s25+$0x20] =	vst v10;
	v10 =	vbroadcast v11, $0x0  }
0xf7: {  	v9 =	vld.idx.msk [tilespmem:v9+s18+$0x0], $0xffff  }
0xf8: {  	v11 =	vor.u32 v0, v10;
	_ =	sdelay $0x3  }
0xf9: {  	[tilespmem:s25+$0x30] =	vst v9  }
0xfa: {  	v9 =	vld.idx.msk [tilespmem:v11+s18+$0x0], $0xffff  }
0xfb: {  	v11 =	vor.u32 v1, v10;
	_ =	sdelay $0x2  }
0xfc: {  	s28 =	sadd.s32 $0x80, s25  }
0xfd: {  	[tilespmem:s28+$0xFFFFFFC0] =	vst v9  }
0xfe: {  	v9 =	vld.idx.msk [tilespmem:v11+s18+$0x0], $0xffff  }
0xff: {  	v11 =	vor.u32 v2, v10;
	_ =	sdelay $0x3  }
0x100: {  	[tilespmem:s28+$0xFFFFFFD0] =	vst v9  }
0x101: {  	v9 =	vld.idx.msk [tilespmem:v11+s18+$0x0], $0xffff  }
0x102: {  	v11 =	vor.u32 v3, v10;
	_ =	sdelay $0x3  }
0x103: {  	[tilespmem:s28+$0xFFFFFFE0] =	vst v9  }
0x104: {  	v9 =	vld.idx.msk [tilespmem:v11+s18+$0x0], $0xffff  }
0x105: {  	v11 =	vor.u32 v4, v10;
	_ =	sdelay $0x3  }
0x106: {  	[tilespmem:s28+$0xFFFFFFF0] =	vst v9  }
0x107: {  	v9 =	vld.idx.msk [tilespmem:v11+s18+$0x0], $0xffff  }
0x108: {  	v11 =	vor.u32 v5, v10;
	_ =	sdelay $0x3  }
0x109: {  	[tilespmem:s28+$0x0] =	vst v9  }
0x10a: {  	v9 =	vld.idx.msk [tilespmem:v11+s18+$0x0], $0xffff  }
0x10b: {  	v11 =	vor.u32 v6, v10;
	_ =	sdelay $0x3  }
0x10c: {  	[tilespmem:s28+$0x10] =	vst v9  }
0x10d: {  	v9 =	vld.idx.msk [tilespmem:v11+s18+$0x0], $0xffff  }
0x10e: {  	v10 =	vor.u32 v7, v10;
	_ =	sdelay $0x3  }
0x10f: {  	[tilespmem:s28+$0x20] =	vst v9  }
0x110: {  	v9 =	vld.idx.msk [tilespmem:v10+s18+$0x0], $0xffff;
	_ =	sdelay $0x4  }
0x111: {  	s26 =	simm.s32 $0x9100;
	[tilespmem:s28+$0x30] =	vst v9  }
0x112: {  	[tilespmem:s17], [sflag:$0x3] =	stream.indirect.gather [hbm4b:s4+s15], $0x80, s26, s15, $0xb8;
	[tilespmem:$0x12180] =	vst v63  }
0x113: {  	_ =	swait.ge [sflag:s30], $0x4000  }
0x114: {  	[sflag:s30] =	ssyncset.done $0x0  }
0x115: {  	s28 =	simm.s32 $0x9180;
	[sflag:s30] =	ssyncadd.s32 $0xFFFFC000  }
0x116: {  	[tilespmem:s17], [sflag:$0x3] =	stream.indirect.gather.add.f32 [hbm:s4], $0x80, s28, s15, $0xb8;
	[tilespmem:$0x12180] =	vst v63  }
0x117: {  	s26 =	simm.s32 $0x9200  }
0x118: {  	[tilespmem:s17], [sflag:$0x3] =	stream.indirect.gather.add.f32 [hbm:s4], $0x80, s26, s15, $0xb8;
	[tilespmem:$0x12180] =	vst v63  }
0x119: {  	s28 =	simm.s32 $0x9280  }
0x11a: {  	[tilespmem:s17], [sflag:$0x3] =	stream.indirect.gather.add.f32 [hbm:s4], $0x80, s28, s15, $0xb8;
	[tilespmem:$0x12180] =	vst v63  }
0x11b: {  	s26 =	simm.s32 $0x9300  }
0x11c: {  	[tilespmem:s17], [sflag:$0x3] =	stream.indirect.gather.add.f32 [hbm:s4], $0x80, s26, s15, $0xb8;
	[tilespmem:$0x12180] =	vst v63  }
0x11d: {  	s28 =	simm.s32 $0x9380  }
0x11e: {  	[tilespmem:s17], [sflag:$0x3] =	stream.indirect.gather.add.f32 [hbm:s4], $0x80, s28, s15, $0xb8;
	[tilespmem:$0x12180] =	vst v63  }
0x11f: {  	s26 =	simm.s32 $0x9400  }
0x120: {  	[tilespmem:s17], [sflag:$0x3] =	stream.indirect.gather.add.f32 [hbm:s4], $0x80, s26, s15, $0xb8;
	[tilespmem:$0x12180] =	vst v63  }
0x121: {  	s28 =	simm.s32 $0x9480  }
0x122: {  	[tilespmem:s17], [sflag:$0x3] =	stream.indirect.gather.add.f32 [hbm:s4], $0x80, s28, s15, $0xb8;
	[tilespmem:$0x12180] =	vst v63  }
0x123: {  	s26 =	simm.s32 $0x9500  }
0x124: {  	[tilespmem:s17], [sflag:$0x3] =	stream.indirect.gather.add.f32 [hbm:s4], $0x80, s26, s15, $0xb8;
	[tilespmem:$0x12180] =	vst v63  }
0x125: {  	s28 =	simm.s32 $0x9580  }
0x126: {  	[tilespmem:s17], [sflag:$0x3] =	stream.indirect.gather.add.f32 [hbm:s4], $0x80, s28, s15, $0xb8;
	[tilespmem:$0x12180] =	vst v63  }
0x127: {  	s26 =	simm.s32 $0x9600  }
0x128: {  	[tilespmem:s17], [sflag:$0x3] =	stream.indirect.gather.add.f32 [hbm:s4], $0x80, s26, s15, $0xb8;
	[tilespmem:$0x12180] =	vst v63  }
0x129: {  	s28 =	simm.s32 $0x9680  }
0x12a: {  	[tilespmem:s17], [sflag:$0x3] =	stream.indirect.gather.add.f32 [hbm:s4], $0x80, s28, s15, $0xb8;
	[tilespmem:$0x12180] =	vst v63  }
0x12b: {  	s26 =	simm.s32 $0x9700  }
0x12c: {  	[tilespmem:s17], [sflag:$0x3] =	stream.indirect.gather.add.f32 [hbm:s4], $0x80, s26, s15, $0xb8;
	[tilespmem:$0x12180] =	vst v63  }
0x12d: {  	s28 =	simm.s32 $0x9780  }
0x12e: {  	[tilespmem:s17], [sflag:$0x3] =	stream.indirect.gather.add.f32 [hbm:s4], $0x80, s28, s15, $0xb8;
	[tilespmem:$0x12180] =	vst v63  }
0x12f: {  	s26 =	simm.s32 $0x9800  }
0x130: {  	[tilespmem:s17], [sflag:$0x3] =	stream.indirect.gather.add.f32 [hbm:s4], $0x80, s26, s15, $0xb8;
	[tilespmem:$0x12180] =	vst v63  }
0x131: {  	s28 =	simm.s32 $0x9880  }
0x132: {  	[tilespmem:s17], [sflag:$0x3] =	stream.indirect.gather.add.f32 [hbm:s4], $0x80, s28, s15, $0xb8;
	[tilespmem:$0x12180] =	vst v63  }
0x133: {  	s26 =	simm.s32 $0x9900  }
0x134: {  	[tilespmem:s17], [sflag:$0x3] =	stream.indirect.gather.add.f32 [hbm:s4], $0x80, s26, s15, $0xb8;
	[tilespmem:$0x12180] =	vst v63  }
0x135: {  	s28 =	simm.s32 $0x9980  }
0x136: {  	[tilespmem:s17], [sflag:$0x3] =	stream.indirect.gather.add.f32 [hbm:s4], $0x80, s28, s15, $0xb8;
	[tilespmem:$0x12180] =	vst v63  }
0x137: {  	s26 =	simm.s32 $0x9A00  }
0x138: {  	[tilespmem:s17], [sflag:$0x3] =	stream.indirect.gather.add.f32 [hbm:s4], $0x80, s26, s15, $0xb8;
	[tilespmem:$0x12180] =	vst v63  }
0x139: {  	s28 =	simm.s32 $0x9A80  }
0x13a: {  	[tilespmem:s17], [sflag:$0x3] =	stream.indirect.gather.add.f32 [hbm:s4], $0x80, s28, s15, $0xb8;
	[tilespmem:$0x12180] =	vst v63  }
0x13b: {  	s26 =	simm.s32 $0x9B00  }
0x13c: {  	[tilespmem:s17], [sflag:$0x3] =	stream.indirect.gather.add.f32 [hbm:s4], $0x80, s26, s15, $0xb8;
	[tilespmem:$0x12180] =	vst v63  }
0x13d: {  	s28 =	simm.s32 $0x9B80  }
0x13e: {  	[tilespmem:s17], [sflag:$0x3] =	stream.indirect.gather.add.f32 [hbm:s4], $0x80, s28, s15, $0xb8;
	[tilespmem:$0x12180] =	vst v63  }
0x13f: {  	s26 =	simm.s32 $0x9C00  }
0x140: {  	[tilespmem:s17], [sflag:$0x3] =	stream.indirect.gather.add.f32 [hbm:s4], $0x80, s26, s15, $0xb8;
	[tilespmem:$0x12180] =	vst v63  }
0x141: {  	s28 =	simm.s32 $0x9C80  }
0x142: {  	[tilespmem:s17], [sflag:$0x3] =	stream.indirect.gather.add.f32 [hbm:s4], $0x80, s28, s15, $0xb8;
	[tilespmem:$0x12180] =	vst v63  }
0x143: {  	_ = 	snop  }
0x144: {  	[tilespmem:s17], [sflag:$0x3] =	stream.indirect.gather.add.f32 [hbm:s4], $0x80, s29, s15, $0xb8;
	[tilespmem:$0x12180] =	vst v63  }
0x145: {  	_ = 	snop  }
0x146: {  	[tilespmem:s17], [sflag:$0x3] =	stream.indirect.gather.add.f32 [hbm:s4], $0x80, s31, s15, $0xb8;
	[tilespmem:$0x12180] =	vst v63  }
0x147: {  	_ = 	snop  }
0x148: {  	[tilespmem:s17], [sflag:$0x3] =	stream.indirect.gather.add.f32 [hbm:s4], $0x80, s0, s15, $0xb8;
	[tilespmem:$0x12180] =	vst v63  }
0x149: {  	_ = 	snop  }
0x14a: {  	[tilespmem:s17], [sflag:$0x3] =	stream.indirect.gather.add.f32 [hbm:s4], $0x80, s2, s15, $0xb8;
	[tilespmem:$0x12180] =	vst v63  }
0x14b: {  	_ = 	snop  }
0x14c: {  	[tilespmem:s17], [sflag:$0x3] =	stream.indirect.gather.add.f32 [hbm:s4], $0x80, s1, s15, $0xb8;
	[tilespmem:$0x12180] =	vst v63  }
0x14d: {  	_ = 	snop  }
0x14e: {  	[tilespmem:s17], [sflag:$0x3] =	stream.indirect.gather.add.f32 [hbm:s4], $0x80, s13, s15, $0xb8;
	[tilespmem:$0x12180] =	vst v63  }
0x14f: {  	_ = 	snop  }
0x150: {  	[tilespmem:s17], [sflag:$0x3] =	stream.indirect.gather.add.f32 [hbm:s4], $0x80, s21, s15, $0xb8;
	[tilespmem:$0x12180] =	vst v63  }
0x151: {  	_ = 	snop  }
0x152: {  	[tilespmem:s17], [sflag:$0x3] =	stream.indirect.gather.add.f32 [hbm:s4], $0x80, s23, s15, $0xb8;
	[tilespmem:$0x12180] =	vst v63  }
0x153: {  	_ =	swait.ge [sflag:s20], $0x4000  }
0x154: {  	[sflag:s20] =	ssyncset.done $0x0  }
0x155: {  	[sflag:s20] =	ssyncadd.s32 $0xFFFFC000  }
0x156: {  	_ =	swait.ge [sflag:s20], $0x4000  }
0x157: {  	[sflag:s20] =	ssyncset.done $0x0  }
0x158: {  	[sflag:s20] =	ssyncadd.s32 $0xFFFFC000  }
0x159: {  	_ =	swait.ge [sflag:s20], $0x4000  }
0x15a: {  	[sflag:s20] =	ssyncset.done $0x0  }
0x15b: {  	[sflag:s20] =	ssyncadd.s32 $0xFFFFC000  }
0x15c: {  	_ =	swait.ge [sflag:s20], $0x4000  }
0x15d: {  	[sflag:s20] =	ssyncset.done $0x0  }
0x15e: {  	[sflag:s20] =	ssyncadd.s32 $0xFFFFC000  }
0x15f: {  	_ =	swait.ge [sflag:s20], $0x4000  }
0x160: {  	[sflag:s20] =	ssyncset.done $0x0  }
0x161: {  	[sflag:s20] =	ssyncadd.s32 $0xFFFFC000  }
0x162: {  	_ =	swait.ge [sflag:s20], $0x4000  }
0x163: {  	[sflag:s20] =	ssyncset.done $0x0  }
0x164: {  	[sflag:s20] =	ssyncadd.s32 $0xFFFFC000  }
0x165: {  	_ =	swait.ge [sflag:s20], $0x4000  }
0x166: {  	[sflag:s20] =	ssyncset.done $0x0  }
0x167: {  	[sflag:s20] =	ssyncadd.s32 $0xFFFFC000  }
0x168: {  	_ =	swait.ge [sflag:s20], $0x4000  }
0x169: {  	[sflag:s20] =	ssyncset.done $0x0  }
0x16a: {  	[sflag:s20] =	ssyncadd.s32 $0xFFFFC000  }
0x16b: {  	_ =	swait.ge [sflag:s20], $0x4000  }
0x16c: {  	[sflag:s20] =	ssyncset.done $0x0  }
0x16d: {  	[sflag:s20] =	ssyncadd.s32 $0xFFFFC000  }
0x16e: {  	_ =	swait.ge [sflag:s20], $0x4000  }
0x16f: {  	[sflag:s20] =	ssyncset.done $0x0  }
0x170: {  	[sflag:s20] =	ssyncadd.s32 $0xFFFFC000  }
0x171: {  	_ =	swait.ge [sflag:s20], $0x4000  }
0x172: {  	[sflag:s20] =	ssyncset.done $0x0  }
0x173: {  	[sflag:s20] =	ssyncadd.s32 $0xFFFFC000  }
0x174: {  	_ =	swait.ge [sflag:s20], $0x4000  }
0x175: {  	[sflag:s20] =	ssyncset.done $0x0  }
0x176: {  	[sflag:s20] =	ssyncadd.s32 $0xFFFFC000  }
0x177: {  	_ =	swait.ge [sflag:s20], $0x4000  }
0x178: {  	[sflag:s20] =	ssyncset.done $0x0  }
0x179: {  	[sflag:s20] =	ssyncadd.s32 $0xFFFFC000  }
0x17a: {  	_ =	swait.ge [sflag:s20], $0x4000  }
0x17b: {  	[sflag:s20] =	ssyncset.done $0x0  }
0x17c: {  	[sflag:s20] =	ssyncadd.s32 $0xFFFFC000  }
0x17d: {  	_ =	swait.ge [sflag:s20], $0x4000  }
0x17e: {  	[sflag:s20] =	ssyncset.done $0x0  }
0x17f: {  	[sflag:s20] =	ssyncadd.s32 $0xFFFFC000  }
0x180: {  	_ =	swait.ge [sflag:s20], $0x4000  }
0x181: {  	[sflag:s20] =	ssyncset.done $0x0  }
0x182: {  	[sflag:s20] =	ssyncadd.s32 $0xFFFFC000  }
0x183: {  	_ =	swait.ge [sflag:s20], $0x4000  }
0x184: {  	[sflag:s20] =	ssyncset.done $0x0  }
0x185: {  	[sflag:s20] =	ssyncadd.s32 $0xFFFFC000  }
0x186: {  	_ =	swait.ge [sflag:s20], $0x4000  }
0x187: {  	[sflag:s20] =	ssyncset.done $0x0  }
0x188: {  	[sflag:s20] =	ssyncadd.s32 $0xFFFFC000  }
0x189: {  	_ =	swait.ge [sflag:s20], $0x4000  }
0x18a: {  	[sflag:s20] =	ssyncset.done $0x0  }
0x18b: {  	[sflag:s20] =	ssyncadd.s32 $0xFFFFC000  }
0x18c: {  	_ =	swait.ge [sflag:s20], $0x4000  }
0x18d: {  	[sflag:s20] =	ssyncset.done $0x0  }
0x18e: {  	[sflag:s20] =	ssyncadd.s32 $0xFFFFC000  }
0x18f: {  	_ =	swait.ge [sflag:s20], $0x4000  }
0x190: {  	[sflag:s20] =	ssyncset.done $0x0  }
0x191: {  	[sflag:s20] =	ssyncadd.s32 $0xFFFFC000  }
0x192: {  	_ =	swait.ge [sflag:s20], $0x4000  }
0x193: {  	[sflag:s20] =	ssyncset.done $0x0  }
0x194: {  	[sflag:s20] =	ssyncadd.s32 $0xFFFFC000  }
0x195: {  	_ =	swait.ge [sflag:s20], $0x4000  }
0x196: {  	[sflag:s20] =	ssyncset.done $0x0  }
0x197: {  	[sflag:s20] =	ssyncadd.s32 $0xFFFFC000  }
0x198: {  	_ =	swait.ge [sflag:s20], $0x4000  }
0x199: {  	[sflag:s20] =	ssyncset.done $0x0  }
0x19a: {  	[sflag:s20] =	ssyncadd.s32 $0xFFFFC000  }
0x19b: {  	_ =	swait.ge [sflag:s20], $0x4000  }
0x19c: {  	[sflag:s20] =	ssyncset.done $0x0  }
0x19d: {  	[sflag:s20] =	ssyncadd.s32 $0xFFFFC000  }
0x19e: {  	_ =	swait.ge [sflag:s20], $0x4000  }
0x19f: {  	[sflag:s20] =	ssyncset.done $0x0  }
0x1a0: {  	[sflag:s20] =	ssyncadd.s32 $0xFFFFC000  }
0x1a1: {  	_ =	swait.ge [sflag:s20], $0x4000  }
0x1a2: {  	[sflag:s20] =	ssyncset.done $0x0  }
0x1a3: {  	[sflag:s20] =	ssyncadd.s32 $0xFFFFC000  }
0x1a4: {  	_ =	swait.ge [sflag:s20], $0x4000  }
0x1a5: {  	[sflag:s20] =	ssyncset.done $0x0  }
0x1a6: {  	[sflag:s20] =	ssyncadd.s32 $0xFFFFC000  }
0x1a7: {  	_ =	swait.ge [sflag:s20], $0x4000  }
0x1a8: {  	[sflag:s20] =	ssyncset.done $0x0  }
0x1a9: {  	[sflag:s20] =	ssyncadd.s32 $0xFFFFC000  }
0x1aa: {  	_ =	swait.ge [sflag:s20], $0x4000  }
0x1ab: {  	[sflag:s20] =	ssyncset.done $0x0  }
0x1ac: {  	[sflag:s20] =	ssyncadd.s32 $0xFFFFC000  }
0x1ad: {  	_ =	swait.ge [sflag:s20], $0x4000  }
0x1ae: {  	[sflag:s20] =	ssyncset.done $0x0  }
0x1af: {  	s25 =	simm.s32 $0x0;
	[sflag:s20] =	ssyncadd.s32 $0xFFFFC000  }
0x1b0: {  	v12 =	vld [tilespmem:s25+$0xA100]  }
0x1b1: {  	v14 =	vld [tilespmem:s25+$0xA110]  }
0x1b2: {  	v13 =	vld [tilespmem:s25+$0xA120]  }
0x1b3: {  	v11 =	vld [tilespmem:s25+$0xA130]  }
0x1b4: {  	v9 =	vld [tilespmem:s25+$0xA140]  }
0x1b5: {  	v10 =	vld [tilespmem:s25+$0xA150];
	v15 =	vmul.f32 v12, v8  }
0x1b6: {  	s26 =	simm.s32 $0x200;
	v14 =	vmul.f32 v14, v8;
	v12 =	vld [tilespmem:s25+$0xA160]  }
.LBB2_6:
0x1b7: {  	s28 =	sshra.s32 s26, $0x2;
	p0 =	sne.s32 s26, $0xFE00;
	[tilespmem:s25+$0xA100] =	vst v15;
	v13 =	vmul.f32 v13, v8;
	v15 =	vld [tilespmem:s25+$0xA170]  }
0x1b8: {  	v16 =	vld [tilespmem:s28+$0xA100];
	[tilespmem:s25+$0xA110] =	vst v14;
	v11 =	vmul.f32 v11, v8  }
0x1b9: {  	v14 =	vld [tilespmem:s28+$0xA110];
	[tilespmem:s25+$0xA120] =	vst v13;
	v9 =	vmul.f32 v9, v8  }
.Ltmp2:
0x1ba: {  	v13 =	vld [tilespmem:s28+$0xA120];
	[tilespmem:s25+$0xA130] =	vst v11;
	v10 =	vmul.f32 v10, v8;
	(pc) =	sbr.rel @p0 .LBB2_6-.Ltmp2, $4  }
0x1bb: {  	v11 =	vld [tilespmem:s28+$0xA130];
	[tilespmem:s25+$0xA140] =	vst v9;
	v12 =	vmul.f32 v12, v8  }
0x1bc: {  	v9 =	vld [tilespmem:s28+$0xA140];
	[tilespmem:s25+$0xA150] =	vst v10;
	v17 =	vmul.f32 v15, v8  }
0x1bd: {  	v15 =	vmul.f32 v16, v8;
	v10 =	vld [tilespmem:s28+$0xA150];
	[tilespmem:s25+$0xA160] =	vst v12  }
0x1be: {  	s26 =	sadd.s32 $0x200, s26;
	v14 =	vmul.f32 v14, v8;
	v12 =	vld [tilespmem:s28+$0xA160];
	[tilespmem:s25+$0xA170] =	vst v17;
	s25 =	smov.u32 s28  }
0x1bf: {  	[tilespmem:s25+$0xA100] =	vst v15;
	v13 =	vmul.f32 v13, v8;
	v15 =	vld [tilespmem:s25+$0xA170]  }
0x1c0: {  	[tilespmem:s25+$0xA110] =	vst v14;
	v11 =	vmul.f32 v11, v8  }
0x1c1: {  	[tilespmem:s25+$0xA120] =	vst v13;
	v9 =	vmul.f32 v9, v8  }
0x1c2: {  	[tilespmem:s25+$0xA130] =	vst v11;
	v10 =	vmul.f32 v10, v8  }
0x1c3: {  	[tilespmem:s25+$0xA140] =	vst v9;
	v9 =	vmul.f32 v12, v8  }
0x1c4: {  	[tilespmem:s25+$0xA150] =	vst v10;
	v10 =	vmul.f32 v15, v8  }
0x1c5: {  	[tilespmem:s25+$0xA160] =	vst v9  }
0x1c6: {  	s28 =	simm.s32 $0x0;
	[tilespmem:s25+$0xA170] =	vst v10  }
0x1c7: {  	[hbm4b:s10+s28] =	stream.linear.scatter [tilespmem:s22], [sflag:$0x4], $0x4000, $0x38;
	[tilespmem:$0x12180] =	vst v63  }
0x1c8: {  	_ =	swait.ge [sflag:s14], $0x4000  }
0x1c9: {  	[sflag:s14] =	ssyncset.done $0x0  }
0x1ca: {  	[sflag:s14] =	ssyncadd.s32 $0xFFFFC000  }
0x1cb: {  	_ =	swait.ge [sflag:s30], $0x4000  }
0x1cc: {  	[sflag:s30] =	ssyncset.done $0x0  }
0x1cd: {  	[sflag:s30] =	ssyncadd.s32 $0xFFFFC000  }
0x1ce: {  	_ =	swait.ge [sflag:s30], $0x4000  }
0x1cf: {  	[sflag:s30] =	ssyncset.done $0x0  }
0x1d0: {  	[sflag:s30] =	ssyncadd.s32 $0xFFFFC000  }
0x1d1: {  	_ =	swait.ge [sflag:s30], $0x4000  }
0x1d2: {  	[sflag:s30] =	ssyncset.done $0x0  }
0x1d3: {  	[sflag:s30] =	ssyncadd.s32 $0xFFFFC000  }
0x1d4: {  	_ =	swait.ge [sflag:s30], $0x4000  }
0x1d5: {  	[sflag:s30] =	ssyncset.done $0x0  }
0x1d6: {  	[sflag:s30] =	ssyncadd.s32 $0xFFFFC000  }
0x1d7: {  	_ =	swait.ge [sflag:s30], $0x4000  }
0x1d8: {  	[sflag:s30] =	ssyncset.done $0x0  }
0x1d9: {  	[sflag:s30] =	ssyncadd.s32 $0xFFFFC000  }
0x1da: {  	_ =	swait.ge [sflag:s30], $0x4000  }
0x1db: {  	[sflag:s30] =	ssyncset.done $0x0  }
0x1dc: {  	[sflag:s30] =	ssyncadd.s32 $0xFFFFC000  }
0x1dd: {  	_ =	swait.ge [sflag:s30], $0x4000  }
0x1de: {  	[sflag:s30] =	ssyncset.done $0x0  }
0x1df: {  	[sflag:s30] =	ssyncadd.s32 $0xFFFFC000  }
0x1e0: {  	_ =	swait.ge [sflag:s30], $0x4000  }
0x1e1: {  	[sflag:s30] =	ssyncset.done $0x0  }
0x1e2: {  	[sflag:s30] =	ssyncadd.s32 $0xFFFFC000  }
0x1e3: {  	_ =	swait.ge [sflag:s30], $0x4000  }
0x1e4: {  	[sflag:s30] =	ssyncset.done $0x0  }
0x1e5: {  	[sflag:s30] =	ssyncadd.s32 $0xFFFFC000  }
0x1e6: {  	_ =	swait.ge [sflag:s30], $0x4000  }
0x1e7: {  	[sflag:s30] =	ssyncset.done $0x0  }
0x1e8: {  	[sflag:s30] =	ssyncadd.s32 $0xFFFFC000  }
0x1e9: {  	_ =	swait.ge [sflag:s30], $0x4000  }
0x1ea: {  	[sflag:s30] =	ssyncset.done $0x0  }
0x1eb: {  	[sflag:s30] =	ssyncadd.s32 $0xFFFFC000  }
0x1ec: {  	_ =	swait.ge [sflag:s30], $0x4000  }
0x1ed: {  	[sflag:s30] =	ssyncset.done $0x0  }
0x1ee: {  	[sflag:s30] =	ssyncadd.s32 $0xFFFFC000  }
0x1ef: {  	_ =	swait.ge [sflag:s30], $0x4000  }
0x1f0: {  	[sflag:s30] =	ssyncset.done $0x0  }
0x1f1: {  	[sflag:s30] =	ssyncadd.s32 $0xFFFFC000  }
0x1f2: {  	_ =	swait.ge [sflag:s30], $0x4000  }
0x1f3: {  	[sflag:s30] =	ssyncset.done $0x0  }
0x1f4: {  	[sflag:s30] =	ssyncadd.s32 $0xFFFFC000  }
0x1f5: {  	_ =	swait.ge [sflag:s30], $0x4000  }
0x1f6: {  	[sflag:s30] =	ssyncset.done $0x0  }
0x1f7: {  	[sflag:s30] =	ssyncadd.s32 $0xFFFFC000  }
0x1f8: {  	_ =	swait.ge [sflag:s30], $0x4000  }
0x1f9: {  	[sflag:s30] =	ssyncset.done $0x0  }
0x1fa: {  	[sflag:s30] =	ssyncadd.s32 $0xFFFFC000  }
0x1fb: {  	_ =	swait.ge [sflag:s30], $0x4000  }
0x1fc: {  	[sflag:s30] =	ssyncset.done $0x0  }
0x1fd: {  	[sflag:s30] =	ssyncadd.s32 $0xFFFFC000  }
0x1fe: {  	_ =	swait.ge [sflag:s30], $0x4000  }
0x1ff: {  	[sflag:s30] =	ssyncset.done $0x0  }
0x200: {  	[sflag:s30] =	ssyncadd.s32 $0xFFFFC000  }
0x201: {  	_ =	swait.ge [sflag:s30], $0x4000  }
0x202: {  	[sflag:s30] =	ssyncset.done $0x0  }
0x203: {  	[sflag:s30] =	ssyncadd.s32 $0xFFFFC000  }
0x204: {  	_ =	swait.ge [sflag:s30], $0x4000  }
0x205: {  	[sflag:s30] =	ssyncset.done $0x0  }
0x206: {  	[sflag:s30] =	ssyncadd.s32 $0xFFFFC000  }
0x207: {  	_ =	swait.ge [sflag:s30], $0x4000  }
0x208: {  	[sflag:s30] =	ssyncset.done $0x0  }
0x209: {  	[sflag:s30] =	ssyncadd.s32 $0xFFFFC000  }
0x20a: {  	_ =	swait.ge [sflag:s30], $0x4000  }
0x20b: {  	[sflag:s30] =	ssyncset.done $0x0  }
0x20c: {  	[sflag:s30] =	ssyncadd.s32 $0xFFFFC000  }
0x20d: {  	_ =	swait.ge [sflag:s30], $0x4000  }
0x20e: {  	[sflag:s30] =	ssyncset.done $0x0  }
0x20f: {  	[sflag:s30] =	ssyncadd.s32 $0xFFFFC000  }
0x210: {  	_ =	swait.ge [sflag:s30], $0x4000  }
0x211: {  	[sflag:s30] =	ssyncset.done $0x0  }
0x212: {  	[sflag:s30] =	ssyncadd.s32 $0xFFFFC000  }
0x213: {  	_ =	swait.ge [sflag:s30], $0x4000  }
0x214: {  	[sflag:s30] =	ssyncset.done $0x0  }
0x215: {  	[sflag:s30] =	ssyncadd.s32 $0xFFFFC000  }
0x216: {  	_ =	swait.ge [sflag:s30], $0x4000  }
0x217: {  	[sflag:s30] =	ssyncset.done $0x0  }
0x218: {  	[sflag:s30] =	ssyncadd.s32 $0xFFFFC000  }
0x219: {  	_ =	swait.ge [sflag:s30], $0x4000  }
0x21a: {  	[sflag:s30] =	ssyncset.done $0x0  }
0x21b: {  	[sflag:s30] =	ssyncadd.s32 $0xFFFFC000  }
0x21c: {  	_ =	swait.ge [sflag:s30], $0x4000  }
0x21d: {  	[sflag:s30] =	ssyncset.done $0x0  }
0x21e: {  	[sflag:s30] =	ssyncadd.s32 $0xFFFFC000  }
0x21f: {  	_ =	swait.ge [sflag:s30], $0x4000  }
0x220: {  	[sflag:s30] =	ssyncset.done $0x0  }
0x221: {  	[sflag:s30] =	ssyncadd.s32 $0xFFFFC000  }
0x222: {  	_ =	swait.ge [sflag:s30], $0x4000  }
0x223: {  	[sflag:s30] =	ssyncset.done $0x0  }
0x224: {  	[sflag:s30] =	ssyncadd.s32 $0xFFFFC000  }
0x225: {  	_ =	swait.ge [sflag:s30], $0x4000  }
0x226: {  	[sflag:s30] =	ssyncset.done $0x0  }
0x227: {  	s25 =	simm.s32 $0x0;
	[sflag:s30] =	ssyncadd.s32 $0xFFFFC000  }
0x228: {  	v12 =	vld [tilespmem:s25+$0xE100]  }
0x229: {  	v14 =	vld [tilespmem:s25+$0xE110]  }
0x22a: {  	v13 =	vld [tilespmem:s25+$0xE120]  }
0x22b: {  	v11 =	vld [tilespmem:s25+$0xE130]  }
0x22c: {  	v9 =	vld [tilespmem:s25+$0xE140]  }
0x22d: {  	v10 =	vld [tilespmem:s25+$0xE150];
	v15 =	vmul.f32 v12, v8  }
0x22e: {  	s26 =	simm.s32 $0x200;
	v14 =	vmul.f32 v14, v8;
	v12 =	vld [tilespmem:s25+$0xE160]  }
.LBB2_8:
0x22f: {  	s28 =	sshra.s32 s26, $0x2;
	p0 =	sne.s32 s26, $0xFE00;
	[tilespmem:s25+$0xE100] =	vst v15;
	v13 =	vmul.f32 v13, v8;
	v15 =	vld [tilespmem:s25+$0xE170]  }
0x230: {  	v16 =	vld [tilespmem:s28+$0xE100];
	[tilespmem:s25+$0xE110] =	vst v14;
	v11 =	vmul.f32 v11, v8  }
0x231: {  	v14 =	vld [tilespmem:s28+$0xE110];
	[tilespmem:s25+$0xE120] =	vst v13;
	v9 =	vmul.f32 v9, v8  }
.Ltmp3:
0x232: {  	v13 =	vld [tilespmem:s28+$0xE120];
	[tilespmem:s25+$0xE130] =	vst v11;
	v10 =	vmul.f32 v10, v8;
	(pc) =	sbr.rel @p0 .LBB2_8-.Ltmp3, $4  }
0x233: {  	v11 =	vld [tilespmem:s28+$0xE130];
	[tilespmem:s25+$0xE140] =	vst v9;
	v12 =	vmul.f32 v12, v8  }
0x234: {  	v9 =	vld [tilespmem:s28+$0xE140];
	[tilespmem:s25+$0xE150] =	vst v10;
	v17 =	vmul.f32 v15, v8  }
0x235: {  	v15 =	vmul.f32 v16, v8;
	v10 =	vld [tilespmem:s28+$0xE150];
	[tilespmem:s25+$0xE160] =	vst v12  }
0x236: {  	s26 =	sadd.s32 $0x200, s26;
	v14 =	vmul.f32 v14, v8;
	v12 =	vld [tilespmem:s28+$0xE160];
	[tilespmem:s25+$0xE170] =	vst v17;
	s25 =	smov.u32 s28  }
0x237: {  	[tilespmem:s25+$0xE100] =	vst v15;
	v13 =	vmul.f32 v13, v8;
	v62 =	vld [tilespmem:s25+$0xE170]  }
0x238: {  	[tilespmem:s25+$0xE110] =	vst v14;
	v11 =	vmul.f32 v11, v8  }
0x239: {  	[tilespmem:s25+$0xE120] =	vst v13;
	v9 =	vmul.f32 v9, v8  }
0x23a: {  	[tilespmem:s25+$0xE130] =	vst v11;
	v10 =	vmul.f32 v10, v8  }
0x23b: {  	[tilespmem:s25+$0xE140] =	vst v9;
	v63 =	vmul.f32 v12, v8  }
0x23c: {  	s24 =	sadd.s32 $0x1, s24;
	[tilespmem:s25+$0xE150] =	vst v10;
	v8 =	vmul.f32 v62, v8  }
0x23d: {  	p0 =	sne.s32 s24, s12;
	[tilespmem:s25+$0xE160] =	vst v63  }
.Ltmp4:
0x23e: {  	[tilespmem:s25+$0xE170] =	vst v8;
	(pc) =	sbr.rel @p0 .LBB2_1-.Ltmp4, $4  }
0x23f: {  	[hbm4b:s11+s3] =	stream.linear.scatter [tilespmem:s17], [sflag:$0x4], $0x4000, $0x38;
	[tilespmem:$0x12180] =	vst v63  }
0x240: {  	_ =	swait.ge [sflag:s14], $0x4000  }
0x241: {  	[sflag:s14] =	ssyncset.done $0x0  }
0x242: {  	[sflag:s14] =	ssyncadd.s32 $0xFFFFC000  }
0x243: {  	_ =	sfence.sel $0x180000  }
0x244: {  	[bflag:$0x0] =	sbarrier.arrive $0xFFFF  }
0x245: {  	_ =	strace $0x9000004A  }
0x246: {  	s0 =	stileid.u32;
	[bflag:$0x2] =	sbarrier.arrive $0xFFFF  }
0x247: {  	p0 =	sne.s32 s0, $0x0;
	s0 =	rddreg [dreg:$0x4]  }
0x248: {  	s0 =	sadd.s32 @!p0 $0x100000, s0  }
0x249: {  	[sflag:s0] =	ssyncadd.tile.s32 @!p0 $0x1;
	_ =	shalt  }
.Lfunc_end2:
_tile_overlayer_lowered:
.L_overlay_start_2:
0x24a: {  	(tag) =	ssettag $0x2  }
0x24b: {  	s0 =	rddreg [dreg:$0x0];
	s2 =	stileid.u32  }
0x24c: {  	s1 =	rddreg [dreg:$0x1];
	p0 =	sne.s32 s2, $0x0  }
0x24d: {  	s3 =	rddreg [dreg:$0x2];
	[bflag:$0x3] =	sbarrier.arrive $0xFFFF;
	s2 =	simm.s32 @!p0 $0x1C04  }
0x24e: {  	[timem:s3], [sflag:s2] =	dma.local @!p0 [hbm:s0], s1  }
0x24f: {  	s0 =	simm.s32 @!p0 $0x4  }
0x250: {  	_ =	swait.ge @!p0 [sflag:s0], s1  }
0x251: {  	s1 =	ssub.s32 @!p0 $0x0, s1;
	[sflag:s0] =	ssyncset.done @!p0 $0x0  }
0x252: {  	[sflag:s0] =	ssyncadd.s32 @!p0 s1  }
0x253: {  	[bflag:$0x3] =	sbarrier.arrive $0xFFFF  }
0x254: {  	_ =	shalt  }

// kernel: kernel.8.cloned.1.call-start
scs
__scs_entry_jumppad:
0x0: {  	(pc) =	sbr.rel $0x88, $3  }
0x1: {  	(tag) =	ssettag $0x0;
	lr =	simm.s32 $0x1  }
0x2: {  	[smem:$0x3F7C] =	sst lr;
	_ =	strace $0xD0000000  }
0x3: {  	_ = 	snop  }
0x4: {  	_ = 	snop  }
0x5: {  	_ = 	snop  }
0x6: {  	_ = 	snop  }
0x7: {  	_ = 	snop  }
__scs_overlays_trampoline_lowered:
0x8: {  	[smem:$0x3F8B] =	sst s0  }
0x9: {  	[smem:$0x3F8C] =	sst s1  }
0xa: {  	[smem:$0x3F8D] =	sst s2  }
0xb: {  	[smem:$0x3F8E] =	sst s3  }
0xc: {  	[smem:$0x3F8F] =	sst s4  }
0xd: {  	[smem:$0x3F90] =	sst s5  }
0xe: {  	[smem:$0x3F91] =	sst s6  }
0xf: {  	[smem:$0x3F92] =	sst s7  }
0x10: {  	[smem:$0x3F93] =	sst s8  }
0x11: {  	[smem:$0x3F94] =	sst s9;
	s0 =	simm.s32 @!p0 $0x0  }
0x12: {  	s1 =	sld [smem:$0x3F7A];
	s0 =	simm.s32 @p0 $0x1  }
0x13: {  	[smem:$0x3F95] =	sst s0;
	s0 =	simm.s32 @!p1 $0x0  }
0x14: {  	s2 =	sld [smem:$0x3F79];
	s0 =	simm.s32 @p1 $0x1  }
0x15: {  	[smem:$0x3F96] =	sst s0;
	s0 =	simm.s32 @!p2 $0x0  }
0x16: {  	s3 =	sld [smem:$0x3FDB];
	s0 =	simm.s32 @p2 $0x1  }
0x17: {  	s4 =	simm.s32 $0x1BF5;
	[smem:$0x3F98] =	sst s0  }
0x18: {  	s0 =	sld [smem:$0x3F7B];
	_ =	swait.ge [sflag:s4], $0x0  }
0x19: {  	s7 =	sld [smem:$0x3F7C]  }
0x1a: {  	s8 =	sadd.s32 $0xFFFFE003, lr  }
0x1b: {  	s9 =	sadd.s32 $0xFFFFFEF7, lr;
	s5 =	simm.s32 $0xFFFFFFFF;
	p2 =	slt.u32 s8, $0xFFFFF086  }
0x1c: {  	p1 =	slt.u32 s9, $0xF7A;
	s5 =	simm.s32 @!p2 $0x0  }
0x1d: {  	s5 =	simm.s32 @p1 $0x1;
	p0 =	seq.s32 s7, s2  }
0x1e: {  	s7 =	smul.u32 @!p0 $0xF7A, s2;
	p2 =	seq.s32 @!p0 s5, $0x0  }
0x1f: {  	s9 =	smul.u32 $0xF7A, s1;
	s8 =	simm.s32 @!p0 $0x1BF5;
	p2 =	por !p2, p0  }
0x20: {  	[sflag:s8] =	ssyncset.s32 @!p0 $0xFFFFF086;
	s6 =	sadd.s32 @!p0 s3, s7;
	s7 =	simm.s32 @!p0 $0x108  }
0x21: {  	s3 =	sadd.s32 s3, s9;
	s6 =	sadd.s32 @!p0 $0x88, s6;
	s7 =	simm.s32 @p2 $0x1082  }
0x22: {  	[simem:s7], [sflag:s8] =	dma.local @!p0 [hbm:s6], $0xF7A  }
0x23: {  	s9 =	sor.u32 $0xD0000000, s2;
	s6 =	simm.s32 $0x108;
	_ =	swait.ge @!p0 [sflag:s8], $0x0  }
0x24: {  	s3 =	sadd.s32 $0x88, s3;
	s6 =	simm.s32 @!p1 $0x1082;
	[sflag:s4] =	ssyncset.s32 $0xFFFFF086  }
0x25: {  	[simem:s6], [sflag:s4] =	dma.local [hbm:s3], $0xF7A  }
0x26: {  	[smem:$0x3F7C] =	sst s1;
	(tag) =	ssettag s2;
	_ =	strace s9  }
0x27: {  	s1 =	sld [smem:$0x3F8C]  }
0x28: {  	s2 =	sld [smem:$0x3F8D]  }
0x29: {  	s4 =	sld [smem:$0x3F8F]  }
0x2a: {  	p0 =	seq.s32 s5, $0x0;
	s5 =	sld [smem:$0x3F90]  }
0x2b: {  	s6 =	sld [smem:$0x3F91]  }
0x2c: {  	s7 =	sld [smem:$0x3F92]  }
0x2d: {  	s3 =	simm.s32 $0x108;
	s8 =	sld [smem:$0x3F93]  }
0x2e: {  	s3 =	simm.s32 @!p0 $0x1082;
	s9 =	sld [smem:$0x3F94]  }
0x2f: {  	lr =	sadd.s32 s0, s3;
	s0 =	sld [smem:$0x3F8B]  }
0x30: {  	s3 =	sld [smem:$0x3F8E]  }
0x31: {  	[smem:$0x3F97] =	sst s10  }
0x32: {  	s10 =	sld [smem:$0x3F95];
	_ =	sdelay $0x3  }
0x33: {  	p0 =	seq.s32 s10, $0x1;
	s10 =	sld [smem:$0x3F97];
	_ =	sdelay $0x3  }
0x34: {  	[smem:$0x3F97] =	sst s10  }
0x35: {  	s10 =	sld [smem:$0x3F96];
	_ =	sdelay $0x3  }
0x36: {  	p1 =	seq.s32 s10, $0x1;
	s10 =	sld [smem:$0x3F97];
	_ =	sdelay $0x3  }
0x37: {  	[smem:$0x3F97] =	sst s10  }
0x38: {  	s10 =	sld [smem:$0x3F98]  }
0x39: {  	_ = 	snop;
	(pc) =	sbr.ind lr, $3  }
0x3a: {  	_ = 	snop  }
0x3b: {  	_ = 	snop  }
0x3c: {  	p2 =	seq.s32 s10, $0x1;
	s10 =	sld [smem:$0x3F97]  }
0x3d: {  	_ =	shalt  }
0x3e: {  	_ =	shalt  }
0x3f: {  	_ =	shalt  }
0x40: {  	_ =	shalt  }
0x41: {  	_ =	shalt  }
0x42: {  	_ =	shalt  }
0x43: {  	_ =	shalt  }
0x44: {  	_ =	shalt  }
0x45: {  	_ =	shalt  }
0x46: {  	_ =	shalt  }
0x47: {  	_ =	shalt  }
0x48: {  	_ =	shalt  }
0x49: {  	_ =	shalt  }
0x4a: {  	_ =	shalt  }
0x4b: {  	_ =	shalt  }
0x4c: {  	_ =	shalt  }
0x4d: {  	_ =	shalt  }
0x4e: {  	_ =	shalt  }
0x4f: {  	_ =	shalt  }
0x50: {  	_ =	shalt  }
0x51: {  	_ =	shalt  }
0x52: {  	_ =	shalt  }
0x53: {  	_ =	shalt  }
0x54: {  	_ =	shalt  }
0x55: {  	_ =	shalt  }
0x56: {  	_ =	shalt  }
0x57: {  	_ =	shalt  }
0x58: {  	_ =	shalt  }
0x59: {  	_ =	shalt  }
0x5a: {  	_ =	shalt  }
0x5b: {  	_ =	shalt  }
0x5c: {  	_ =	shalt  }
0x5d: {  	_ =	shalt  }
0x5e: {  	_ =	shalt  }
0x5f: {  	_ =	shalt  }
0x60: {  	_ =	shalt  }
0x61: {  	_ =	shalt  }
0x62: {  	_ =	shalt  }
0x63: {  	_ =	shalt  }
0x64: {  	_ =	shalt  }
0x65: {  	_ =	shalt  }
0x66: {  	_ =	shalt  }
0x67: {  	_ =	shalt  }
0x68: {  	_ =	shalt  }
0x69: {  	_ =	shalt  }
0x6a: {  	_ =	shalt  }
0x6b: {  	_ =	shalt  }
0x6c: {  	_ =	shalt  }
0x6d: {  	_ =	shalt  }
0x6e: {  	_ =	shalt  }
0x6f: {  	_ =	shalt  }
0x70: {  	_ =	shalt  }
0x71: {  	_ =	shalt  }
0x72: {  	_ =	shalt  }
0x73: {  	_ =	shalt  }
0x74: {  	_ =	shalt  }
0x75: {  	_ =	shalt  }
0x76: {  	_ =	shalt  }
0x77: {  	_ =	shalt  }
0x78: {  	_ =	shalt  }
0x79: {  	_ =	shalt  }
0x7a: {  	_ =	shalt  }
0x7b: {  	_ =	shalt  }
0x7c: {  	_ =	shalt  }
0x7d: {  	_ =	shalt  }
0x7e: {  	_ =	shalt  }
0x7f: {  	_ =	shalt  }
0x80: {  	_ =	shalt  }
0x81: {  	_ =	shalt  }
0x82: {  	_ =	shalt  }
0x83: {  	_ =	shalt  }
0x84: {  	_ =	shalt  }
0x85: {  	_ =	shalt  }
0x86: {  	_ =	shalt  }
0x87: {  	_ =	shalt  }
.Lfunc_end0:
.L_simem_size_0:
called_computation_lowered:
.L_overlay_start_0:
0x88: {  	s2 =	sld [smem:$0x3FD9]  }
0x89: {  	s3 =	sld [smem:$0x3FFE];
	_ =	sdelay $0x1  }
0x8a: {  	s1 =	srdreg.scid  }
0x8b: {  	s0 =	sand.u32 $0x1, s1  }
0x8c: {  	s17 =	sshll.u32 s0, $0xA;
	s2 =	sadd.s32 s3, s2  }
0x8d: {  	s2 =	sadd.s32 s2, s17  }
0x8e: {  	[smem:$0x3FA3] =	sst s2  }
0x8f: {  	_ = 	snop  }
0x90: {  	s2 =	sld [smem:$0x3FB1]  }
0x91: {  	s18 =	sld [smem:$0x3FA9]  }
0x92: {  	s4 =	sld [smem:$0x3FA8];
	(tm) =	ssettm $0x1  }
0x93: {  	s5 =	sld [smem:$0x3FFB];
	_ =	sdelay $0x3  }
0x94: {  	_ =	strace s5  }
0x95: {  	s5 =	sld [smem:$0x3FFC];
	_ =	sdelay $0x3  }
0x96: {  	_ =	strace s5  }
0x97: {  	s5 =	sld [smem:$0x3FFD];
	_ =	sdelay $0x3  }
0x98: {  	_ =	strace s5  }
0x99: {  	_ =	strace $0x8FFFFFFF  }
0x9a: {  	s19 =	sld [smem:$0x3FDB];
	_ =	sdelay $0x1  }
0x9b: {  	s6 =	simm.s32 $_scs_section_size  }
0x9c: {  	s7 =	simm.s32 $_size__tile_overlayer_lowered;
	s8 =	simm.s32 $_tile_overlayer_lowered  }
0x9d: {  	s22 =	simm.s32 $0x1BFF;
	s21 =	sshll.u32 s8, $0x1;
	s5 =	sadd.s32 s6, s19  }
0x9e: {  	s9 =	simm.s32 $0x0;
	s20 =	sshll.u32 s7, $0x1;
	s7 =	sadd.s32 s21, s5  }
0x9f: {  	[timem:s9], [sflag:s22] =	dma.local [hbm:s7], s20  }
0xa0: {  	_ =	swait.ge [sflag:s22], s20  }
0xa1: {  	s6 =	ssub.s32 $0x0, s20;
	[sflag:s22] =	ssyncset.done $0x0  }
0xa2: {  	[sflag:s22] =	ssyncadd.s32 s6;
	_ =	sdelay $0x1  }
0xa3: {  	s23 =	simm.s32 $0x1B8B  }
0xa4: {  	_ =	swait.ge [sflag:s23], $0x1  }
0xa5: {  	[sflag:s23] =	ssyncset.done $0x0  }
0xa6: {  	s25 =	simm.s32 $0x1B8E;
	s24 =	sld [smem:$0x3FFE];
	[sflag:s23] =	ssyncadd.s32 $0xFFFFFFFF  }
0xa7: {  	s26 =	simm.s32 $execute0_lowered;
	[smem:$0x3FD2] =	sst s25  }
0xa8: {  	s7 =	sshll.u32 s26, $0x1;
	_ =	strace $0x80000046;
	[dreg:$0x1] =	wrdreg $0xFFFFFFFF  }
0xa9: {  	s28 =	simm.s32 $_size_execute0_lowered;
	s5 =	sadd.s32 s5, s7;
	[dreg:$0x0] =	wrdreg $0x0  }
0xaa: {  	s7 =	sshll.u32 s28, $0x1;
	[dreg:$0x2] =	wrdreg s5  }
0xab: {  	[dreg:$0x3] =	wrdreg s7  }
0xac: {  	[dreg:$0x4] =	wrdreg $0xC0  }
0xad: {  	_ =	task [dreg:s9], $0x5FFFF  }
0xae: {  	[dreg:$0x1] =	wrdreg $0xFFFFFFFF  }
0xaf: {  	[dreg:$0x0] =	wrdreg $0x60  }
0xb0: {  	[dreg:$0x2] =	wrdreg s2  }
0xb1: {  	[dreg:$0x3] =	wrdreg s18  }
0xb2: {  	[dreg:$0x4] =	wrdreg s4  }
0xb3: {  	[dreg:$0x5] =	wrdreg s24  }
0xb4: {  	[dreg:$0x6] =	wrdreg $0x9  }
0xb5: {  	_ =	task.clear_ibuf [dreg:s9], $0x7FFFF;
	_ =	strace $0x90000046  }
0xb6: {  	s29 =	simm.s32 $0x9;
	_ =	strace $0x80000048  }
0xb7: {  	_ =	swait.ge [sflag:s29], $0x1  }
0xb8: {  	[sflag:s29] =	ssyncadd.s32 $0xFFFFFFFF  }
0xb9: {  	_ =	strace $0x90000048  }
0xba: {  	_ =	sfence  }
0xbb: {  	s30 =	sld [smem:$0x0];
	_ =	sdelay $0x2  }
0xbc: {  	s31 =	sshll.u32 s1, $0xD;
	s1 =	sshrl.u32 s1, $0x2  }
0xbd: {  	s3 =	sand.u32 $0x4000, s31;
	s1 =	sadd.s32 s1, s30  }
0xbe: {  	s0 =	sor.u32 s3, s0;
	s1 =	sshll.u32 s1, $0x11  }
0xbf: {  	s0 =	sor.u32 s1, s0  }
0xc0: {  	s0 =	sadd.s32 $0x8F2B, s0  }
0xc1: {  	[sflag:s0] =	ssyncadd.remote.s32 $0x1  }
0xc2: {  	_ =	sfence.sel $0xFFFF  }
0xc3: {  	[dreg:$0x0] =	wrdreg $0xFFFFFFFF;
	(pc) =	sbr.abs _section_cstart, $3  }
0xc4: {  	[dreg:$0x1] =	wrdreg $0xFFFFFFFF  }
0xc5: {  	_ =	task.clear_ibuf [dreg:s9], $0x2FFFF;
	_ =	strace $0x9FFFFFFF  }
0xc6: {  	(tm) =	ssettm $0x7FFFFFFF  }
0xc7: {  	_ =	shalt  }
tec
execute0_lowered:
.L_overlay_start_1:
0x0: {  	(tag) =	ssettag $0x1  }
0x1: {  	s1 =	rddreg [dreg:$0x0]  }
0x2: {  	s0 =	rddreg [dreg:$0x1]  }
0x3: {  	s2 =	rddreg [dreg:$0x2]  }
0x4: {  	s6 =	rddreg [dreg:$0x3];
	s3 =	simm.s32 $0x0;
	s4 =	srdreg.scid  }
0x5: {  	s5 =	stileid.u32;
	s12 =	simm.s32 $0x3;
	s13 =	simm.s32 $0x80  }
0x6: {  	s14 =	simm.s32 $0x100;
	s15 =	simm.s32 $0x9100;
	s16 =	simm.s32 $0x2  }
0x7: {  	s17 =	simm.s32 $0x1;
	s19 =	simm.s32 $0x5100;
	s25 =	simm.s32 $0x4B80  }
0x8: {  	s26 =	simm.s32 $0x4C00;
	s28 =	simm.s32 $0x4C80;
	s29 =	simm.s32 $0x4D00  }
0x9: {  	s30 =	simm.s32 $0x4D80;
	s31 =	simm.s32 $0x4E00;
	s11 =	simm.s32 $0x4F80  }
0xa: {  	s18 =	simm.s32 $0x5000;
	s20 =	simm.s32 $0x5080;
	s21 =	simm.s32 $0x0  }
0xb: {  	[smem:$0x7FF] =	sst s3;
	s7 =	sand.u32 $0x1, s4;
	s4 =	sadd.s32 $0x6800, s6  }
0xc: {  	v0 =	vlaneseq.u32;
	s8 =	sshll.u32 s5, $0x8;
	s5 =	sadd.s32 $0xC9E00, s6;
	s9 =	sshll.u32 s7, $0x7  }
0xd: {  	v0 =	vmul.u32 $0x80, v0;
	_ =	strace $0x80000047;
	s7 =	ssub.s32 $0x2, s7;
	s8 =	sor.u32 s9, s8  }
0xe: {  	s10 =	sshrl.u32 s7, $0x1;
	s9 =	sshll.u32 s8, $0x4;
	s8 =	sshrl.u32 s8, $0x3  }
0xf: {  	v1 =	vor.u32 $0x800, v0;
	s10 =	ssub.s32 s7, s10;
	s9 =	sadd.s32 s9, s6;
	s6 =	sadd.s32 s0, s8  }
0x10: {  	v2 =	vor.u32 $0x1000, v0;
	v3 =	vor.u32 $0x1800, v0;
	v4 =	vor.u32 $0x2000, v0;
	s7 =	sadd.s32 s2, s8;
	s10 =	smax.u32 s10, $0x1;
	s0 =	simm.s32 $0x4E80  }
0x11: {  	v5 =	vor.u32 $0x2800, v0;
	v6 =	vor.u32 $0x3000, v0;
	v7 =	vor.u32 $0x3800, v0;
	s2 =	simm.s32 $0x4F00;
	s8 =	sadd.s32 $0xDA000, s9;
	s9 =	sadd.s32 $0xCA000, s9  }
.LBB2_1:
0x12: {  	s22 =	simm.s32 $0xD100  }
0x13: {  	[tilespmem:s22], [sflag:$0x3] =	stream.linear.gather [hbm4b:s5+s3], $0x80, $0x38;
	[tilespmem:$0xD180] =	vst v63  }
0x14: {  	_ =	swait.ge [sflag:s12], $0x80  }
0x15: {  	[sflag:s12] =	ssyncset.done $0x0  }
0x16: {  	[sflag:s12] =	ssyncadd.s32 $0xFFFFFF80  }
0x17: {  	v8 =	vld [tilespmem:$0xD100];
	[tilespmem:s3], [sflag:$0x3] =	stream.linear.gather [hbm4b:s6+s3], $0x80, $0x38  }
0x18: {  	_ =	swait.ge [sflag:s12], $0x80  }
0x19: {  	[sflag:s12] =	ssyncset.done $0x0  }
0x1a: {  	[sflag:s12] =	ssyncadd.s32 $0xFFFFFF80  }
0x1b: {  	[tilespmem:s14], [sflag:$0x2] =	stream.indirect.gather [hbm4b:s4+s13], $0x80, s3, s13, $0xb8;
	[tilespmem:$0xD180] =	vst v63  }
0x1c: {  	v9 =	vmov s3  }
0x1d: {  	v9 =	vand.u32 $0x7F, v9;
	[tilespmem:s13], [sflag:$0x3] =	stream.linear.gather [hbm4b:s7+s3], $0x80, $0x38;
	[tilespmem:$0xD180] =	vst v63  }
0x1e: {  	v9 =	vbroadcast v9, $0x0;
	_ =	swait.ge [sflag:s12], $0x80  }
0x1f: {  	[sflag:s12] =	ssyncset.done $0x0  }
0x20: {  	v10 =	vor.u32 v0, v9;
	[sflag:s12] =	ssyncadd.s32 $0xFFFFFF80  }
0x21: {  	[tilespmem:s15], [sflag:$0x1] =	stream.indirect.gather [hbm4b:s1+s13], $0x80, s13, s13, $0xb8;
	[tilespmem:$0xD180] =	vst v63  }
0x22: {  	_ =	swait.ge [sflag:s16], $0x4000  }
0x23: {  	[sflag:s16] =	ssyncset.done $0x0  }
0x24: {  	[sflag:s16] =	ssyncadd.s32 $0xFFFFC000  }
0x25: {  	v10 =	vld.idx.msk [tilespmem:v10+s14+$0x0], $0xffff  }
0x26: {  	v11 =	vor.u32 v1, v9;
	_ =	sdelay $0x2  }
0x27: {  	s22 =	simm.s32 $0x4140  }
0x28: {  	[tilespmem:s22+$0xFFFFFFC0] =	vst v10  }
0x29: {  	v10 =	vld.idx.msk [tilespmem:v11+s14+$0x0], $0xffff  }
0x2a: {  	v11 =	vor.u32 v2, v9;
	_ =	sdelay $0x3  }
0x2b: {  	[tilespmem:s22+$0xFFFFFFD0] =	vst v10  }
0x2c: {  	v10 =	vld.idx.msk [tilespmem:v11+s14+$0x0], $0xffff  }
0x2d: {  	v11 =	vor.u32 v3, v9;
	_ =	sdelay $0x3  }
0x2e: {  	[tilespmem:s22+$0xFFFFFFE0] =	vst v10  }
0x2f: {  	v10 =	vld.idx.msk [tilespmem:v11+s14+$0x0], $0xffff  }
0x30: {  	v11 =	vor.u32 v4, v9;
	_ =	sdelay $0x3  }
0x31: {  	[tilespmem:s22+$0xFFFFFFF0] =	vst v10  }
0x32: {  	v10 =	vld.idx.msk [tilespmem:v11+s14+$0x0], $0xffff  }
0x33: {  	v11 =	vor.u32 v5, v9;
	_ =	sdelay $0x3  }
0x34: {  	[tilespmem:s22+$0x0] =	vst v10  }
0x35: {  	v10 =	vld.idx.msk [tilespmem:v11+s14+$0x0], $0xffff  }
0x36: {  	v11 =	vor.u32 v6, v9;
	_ =	sdelay $0x3  }
0x37: {  	[tilespmem:s22+$0x10] =	vst v10  }
0x38: {  	v10 =	vld.idx.msk [tilespmem:v11+s14+$0x0], $0xffff  }
0x39: {  	v9 =	vor.u32 v7, v9;
	_ =	sdelay $0x1  }
0x3a: {  	s23 =	simm.s32 $0x1  }
0x3b: {  	v11 =	vmov s23;
	s23 =	simm.s32 $0x2  }
.LBB2_2:
0x3c: {  	p0 =	sne.s32 s23, $0x1F;
	v11 =	vand.u32 $0x7F, v11;
	[tilespmem:s22+$0x20] =	vst v10  }
0x3d: {  	v11 =	vbroadcast v11, $0x0;
	v9 =	vld.idx.msk [tilespmem:v9+s14+$0x0], $0xffff;
	_ =	sdelay $0x1  }
0x3e: {  	v10 =	vor.u32 v0, v11;
	_ =	sdelay $0x3  }
0x3f: {  	[tilespmem:s22+$0x30] =	vst v9  }
0x40: {  	v9 =	vld.idx.msk [tilespmem:v10+s14+$0x0], $0xffff;
	_ =	sdelay $0x1  }
0x41: {  	v10 =	vor.u32 v1, v11;
	_ =	sdelay $0x2  }
0x42: {  	s22 =	sadd.s32 $0x80, s22  }
0x43: {  	[tilespmem:s22+$0xFFFFFFC0] =	vst v9  }
0x44: {  	v9 =	vld.idx.msk [tilespmem:v10+s14+$0x0], $0xffff;
	_ =	sdelay $0x1  }
0x45: {  	v10 =	vor.u32 v2, v11;
	_ =	sdelay $0x3  }
0x46: {  	[tilespmem:s22+$0xFFFFFFD0] =	vst v9  }
0x47: {  	v9 =	vld.idx.msk [tilespmem:v10+s14+$0x0], $0xffff;
	_ =	sdelay $0x1  }
0x48: {  	v10 =	vor.u32 v3, v11;
	_ =	sdelay $0x3  }
0x49: {  	[tilespmem:s22+$0xFFFFFFE0] =	vst v9  }
0x4a: {  	v9 =	vld.idx.msk [tilespmem:v10+s14+$0x0], $0xffff;
	_ =	sdelay $0x1  }
0x4b: {  	v10 =	vor.u32 v4, v11;
	_ =	sdelay $0x3  }
0x4c: {  	[tilespmem:s22+$0xFFFFFFF0] =	vst v9  }
0x4d: {  	v9 =	vld.idx.msk [tilespmem:v10+s14+$0x0], $0xffff;
	_ =	sdelay $0x1  }
0x4e: {  	v10 =	vor.u32 v5, v11;
	_ =	sdelay $0x3  }
0x4f: {  	[tilespmem:s22+$0x0] =	vst v9  }
0x50: {  	v9 =	vld.idx.msk [tilespmem:v10+s14+$0x0], $0xffff;
	_ =	sdelay $0x1  }
0x51: {  	v10 =	vor.u32 v6, v11;
	_ =	sdelay $0x3  }
0x52: {  	[tilespmem:s22+$0x10] =	vst v9  }
0x53: {  	v10 =	vld.idx.msk [tilespmem:v10+s14+$0x0], $0xffff  }
.Ltmp0:
0x54: {  	(pc) =	sbr.rel @p0 .LBB2_2-.Ltmp0, $2  }
0x55: {  	v9 =	vor.u32 v7, v11;
	_ =	sdelay $0x2  }
0x56: {  	v11 =	vmov s23;
	s23 =	sadd.s32 $0x1, s23  }
0x57: {  	_ =	sdelay $0x1  }
0x58: {  	v11 =	vand.u32 $0x7F, v11  }
0x59: {  	[tilespmem:s22+$0x20] =	vst v10;
	v10 =	vbroadcast v11, $0x0  }
0x5a: {  	v9 =	vld.idx.msk [tilespmem:v9+s14+$0x0], $0xffff  }
0x5b: {  	v11 =	vor.u32 v0, v10;
	_ =	sdelay $0x3  }
0x5c: {  	[tilespmem:s22+$0x30] =	vst v9  }
0x5d: {  	v9 =	vld.idx.msk [tilespmem:v11+s14+$0x0], $0xffff  }
0x5e: {  	v11 =	vor.u32 v1, v10;
	_ =	sdelay $0x2  }
0x5f: {  	s24 =	sadd.s32 $0x80, s22  }
0x60: {  	[tilespmem:s24+$0xFFFFFFC0] =	vst v9  }
0x61: {  	v9 =	vld.idx.msk [tilespmem:v11+s14+$0x0], $0xffff  }
0x62: {  	v11 =	vor.u32 v2, v10;
	_ =	sdelay $0x3  }
0x63: {  	[tilespmem:s24+$0xFFFFFFD0] =	vst v9  }
0x64: {  	v9 =	vld.idx.msk [tilespmem:v11+s14+$0x0], $0xffff  }
0x65: {  	v11 =	vor.u32 v3, v10;
	_ =	sdelay $0x3  }
0x66: {  	[tilespmem:s24+$0xFFFFFFE0] =	vst v9  }
0x67: {  	v9 =	vld.idx.msk [tilespmem:v11+s14+$0x0], $0xffff  }
0x68: {  	v11 =	vor.u32 v4, v10;
	_ =	sdelay $0x3  }
0x69: {  	[tilespmem:s24+$0xFFFFFFF0] =	vst v9  }
0x6a: {  	v9 =	vld.idx.msk [tilespmem:v11+s14+$0x0], $0xffff  }
0x6b: {  	v11 =	vor.u32 v5, v10;
	_ =	sdelay $0x3  }
0x6c: {  	[tilespmem:s24+$0x0] =	vst v9  }
0x6d: {  	v9 =	vld.idx.msk [tilespmem:v11+s14+$0x0], $0xffff  }
0x6e: {  	v11 =	vor.u32 v6, v10;
	_ =	sdelay $0x3  }
0x6f: {  	[tilespmem:s24+$0x10] =	vst v9  }
0x70: {  	v9 =	vld.idx.msk [tilespmem:v11+s14+$0x0], $0xffff  }
0x71: {  	v10 =	vor.u32 v7, v10;
	_ =	sdelay $0x3  }
0x72: {  	[tilespmem:s24+$0x20] =	vst v9  }
0x73: {  	v9 =	vld.idx.msk [tilespmem:v10+s14+$0x0], $0xffff;
	_ =	sdelay $0x4  }
0x74: {  	[tilespmem:s24+$0x30] =	vst v9  }
0x75: {  	_ =	swait.ge [sflag:s17], $0x4000  }
0x76: {  	[sflag:s17] =	ssyncset.done $0x0  }
0x77: {  	s23 =	simm.s32 $0x0;
	[sflag:s17] =	ssyncadd.s32 $0xFFFFC000  }
0x78: {  	[hbm4b:s8+s23] =	stream.linear.scatter [tilespmem:s15], [sflag:$0x3], $0x4000, $0x38;
	[tilespmem:$0xD180] =	vst v63  }
0x79: {  	_ =	swait.ge [sflag:s12], $0x4000  }
0x7a: {  	[sflag:s12] =	ssyncset.done $0x0  }
0x7b: {  	s24 =	simm.s32 $0x4100;
	[sflag:s12] =	ssyncadd.s32 $0xFFFFC000  }
0x7c: {  	[tilespmem:s19], [sflag:$0x1] =	stream.indirect.gather [hbm4b:s1+s13], $0x80, s24, s13, $0xb8;
	[tilespmem:$0xD180] =	vst v63  }
0x7d: {  	_ =	swait.ge [sflag:s17], $0x4000  }
0x7e: {  	[sflag:s17] =	ssyncset.done $0x0  }
0x7f: {  	s23 =	simm.s32 $0x4180;
	[sflag:s17] =	ssyncadd.s32 $0xFFFFC000  }
0x80: {  	[tilespmem:s19], [sflag:$0x1] =	stream.indirect.gather.add.f32 [hbm:s1], $0x80, s23, s13, $0xb8;
	[tilespmem:$0xD180] =	vst v63  }
0x81: {  	s24 =	simm.s32 $0x4200  }
0x82: {  	[tilespmem:s19], [sflag:$0x1] =	stream.indirect.gather.add.f32 [hbm:s1], $0x80, s24, s13, $0xb8;
	[tilespmem:$0xD180] =	vst v63  }
0x83: {  	s23 =	simm.s32 $0x4280  }
0x84: {  	[tilespmem:s19], [sflag:$0x1] =	stream.indirect.gather.add.f32 [hbm:s1], $0x80, s23, s13, $0xb8;
	[tilespmem:$0xD180] =	vst v63  }
0x85: {  	s24 =	simm.s32 $0x4300  }
0x86: {  	[tilespmem:s19], [sflag:$0x1] =	stream.indirect.gather.add.f32 [hbm:s1], $0x80, s24, s13, $0xb8;
	[tilespmem:$0xD180] =	vst v63  }
0x87: {  	s23 =	simm.s32 $0x4380  }
0x88: {  	[tilespmem:s19], [sflag:$0x1] =	stream.indirect.gather.add.f32 [hbm:s1], $0x80, s23, s13, $0xb8;
	[tilespmem:$0xD180] =	vst v63  }
0x89: {  	s24 =	simm.s32 $0x4400  }
0x8a: {  	[tilespmem:s19], [sflag:$0x1] =	stream.indirect.gather.add.f32 [hbm:s1], $0x80, s24, s13, $0xb8;
	[tilespmem:$0xD180] =	vst v63  }
0x8b: {  	s23 =	simm.s32 $0x4480  }
0x8c: {  	[tilespmem:s19], [sflag:$0x1] =	stream.indirect.gather.add.f32 [hbm:s1], $0x80, s23, s13, $0xb8;
	[tilespmem:$0xD180] =	vst v63  }
0x8d: {  	s24 =	simm.s32 $0x4500  }
0x8e: {  	[tilespmem:s19], [sflag:$0x1] =	stream.indirect.gather.add.f32 [hbm:s1], $0x80, s24, s13, $0xb8;
	[tilespmem:$0xD180] =	vst v63  }
0x8f: {  	s23 =	simm.s32 $0x4580  }
0x90: {  	[tilespmem:s19], [sflag:$0x1] =	stream.indirect.gather.add.f32 [hbm:s1], $0x80, s23, s13, $0xb8;
	[tilespmem:$0xD180] =	vst v63  }
0x91: {  	s24 =	simm.s32 $0x4600  }
0x92: {  	[tilespmem:s19], [sflag:$0x1] =	stream.indirect.gather.add.f32 [hbm:s1], $0x80, s24, s13, $0xb8;
	[tilespmem:$0xD180] =	vst v63  }
0x93: {  	s23 =	simm.s32 $0x4680  }
0x94: {  	[tilespmem:s19], [sflag:$0x1] =	stream.indirect.gather.add.f32 [hbm:s1], $0x80, s23, s13, $0xb8;
	[tilespmem:$0xD180] =	vst v63  }
0x95: {  	s24 =	simm.s32 $0x4700  }
0x96: {  	[tilespmem:s19], [sflag:$0x1] =	stream.indirect.gather.add.f32 [hbm:s1], $0x80, s24, s13, $0xb8;
	[tilespmem:$0xD180] =	vst v63  }
0x97: {  	s23 =	simm.s32 $0x4780  }
0x98: {  	[tilespmem:s19], [sflag:$0x1] =	stream.indirect.gather.add.f32 [hbm:s1], $0x80, s23, s13, $0xb8;
	[tilespmem:$0xD180] =	vst v63  }
0x99: {  	s24 =	simm.s32 $0x4800  }
0x9a: {  	[tilespmem:s19], [sflag:$0x1] =	stream.indirect.gather.add.f32 [hbm:s1], $0x80, s24, s13, $0xb8;
	[tilespmem:$0xD180] =	vst v63  }
0x9b: {  	s23 =	simm.s32 $0x4880  }
0x9c: {  	[tilespmem:s19], [sflag:$0x1] =	stream.indirect.gather.add.f32 [hbm:s1], $0x80, s23, s13, $0xb8;
	[tilespmem:$0xD180] =	vst v63  }
0x9d: {  	s24 =	simm.s32 $0x4900  }
0x9e: {  	[tilespmem:s19], [sflag:$0x1] =	stream.indirect.gather.add.f32 [hbm:s1], $0x80, s24, s13, $0xb8;
	[tilespmem:$0xD180] =	vst v63  }
0x9f: {  	s23 =	simm.s32 $0x4980  }
0xa0: {  	[tilespmem:s19], [sflag:$0x1] =	stream.indirect.gather.add.f32 [hbm:s1], $0x80, s23, s13, $0xb8;
	[tilespmem:$0xD180] =	vst v63  }
0xa1: {  	s24 =	simm.s32 $0x4A00  }
0xa2: {  	[tilespmem:s19], [sflag:$0x1] =	stream.indirect.gather.add.f32 [hbm:s1], $0x80, s24, s13, $0xb8;
	[tilespmem:$0xD180] =	vst v63  }
0xa3: {  	s23 =	simm.s32 $0x4A80  }
0xa4: {  	[tilespmem:s19], [sflag:$0x1] =	stream.indirect.gather.add.f32 [hbm:s1], $0x80, s23, s13, $0xb8;
	[tilespmem:$0xD180] =	vst v63  }
0xa5: {  	s24 =	simm.s32 $0x4B00  }
0xa6: {  	[tilespmem:s19], [sflag:$0x1] =	stream.indirect.gather.add.f32 [hbm:s1], $0x80, s24, s13, $0xb8;
	[tilespmem:$0xD180] =	vst v63  }
0xa7: {  	_ = 	snop  }
0xa8: {  	[tilespmem:s19], [sflag:$0x1] =	stream.indirect.gather.add.f32 [hbm:s1], $0x80, s25, s13, $0xb8;
	[tilespmem:$0xD180] =	vst v63  }
0xa9: {  	_ = 	snop  }
0xaa: {  	[tilespmem:s19], [sflag:$0x1] =	stream.indirect.gather.add.f32 [hbm:s1], $0x80, s26, s13, $0xb8;
	[tilespmem:$0xD180] =	vst v63  }
0xab: {  	_ = 	snop  }
0xac: {  	[tilespmem:s19], [sflag:$0x1] =	stream.indirect.gather.add.f32 [hbm:s1], $0x80, s28, s13, $0xb8;
	[tilespmem:$0xD180] =	vst v63  }
0xad: {  	_ = 	snop  }
0xae: {  	[tilespmem:s19], [sflag:$0x1] =	stream.indirect.gather.add.f32 [hbm:s1], $0x80, s29, s13, $0xb8;
	[tilespmem:$0xD180] =	vst v63  }
0xaf: {  	_ = 	snop  }
0xb0: {  	[tilespmem:s19], [sflag:$0x1] =	stream.indirect.gather.add.f32 [hbm:s1], $0x80, s30, s13, $0xb8;
	[tilespmem:$0xD180] =	vst v63  }
0xb1: {  	_ = 	snop  }
0xb2: {  	[tilespmem:s19], [sflag:$0x1] =	stream.indirect.gather.add.f32 [hbm:s1], $0x80, s31, s13, $0xb8;
	[tilespmem:$0xD180] =	vst v63  }
0xb3: {  	_ = 	snop  }
0xb4: {  	[tilespmem:s19], [sflag:$0x1] =	stream.indirect.gather.add.f32 [hbm:s1], $0x80, s0, s13, $0xb8;
	[tilespmem:$0xD180] =	vst v63  }
0xb5: {  	_ = 	snop  }
0xb6: {  	[tilespmem:s19], [sflag:$0x1] =	stream.indirect.gather.add.f32 [hbm:s1], $0x80, s2, s13, $0xb8;
	[tilespmem:$0xD180] =	vst v63  }
0xb7: {  	_ = 	snop  }
0xb8: {  	[tilespmem:s19], [sflag:$0x1] =	stream.indirect.gather.add.f32 [hbm:s1], $0x80, s11, s13, $0xb8;
	[tilespmem:$0xD180] =	vst v63  }
0xb9: {  	_ = 	snop  }
0xba: {  	[tilespmem:s19], [sflag:$0x1] =	stream.indirect.gather.add.f32 [hbm:s1], $0x80, s18, s13, $0xb8;
	[tilespmem:$0xD180] =	vst v63  }
0xbb: {  	_ = 	snop  }
0xbc: {  	[tilespmem:s19], [sflag:$0x1] =	stream.indirect.gather.add.f32 [hbm:s1], $0x80, s20, s13, $0xb8;
	[tilespmem:$0xD180] =	vst v63  }
0xbd: {  	_ =	swait.ge [sflag:s17], $0x4000  }
0xbe: {  	[sflag:s17] =	ssyncset.done $0x0  }
0xbf: {  	[sflag:s17] =	ssyncadd.s32 $0xFFFFC000  }
0xc0: {  	_ =	swait.ge [sflag:s17], $0x4000  }
0xc1: {  	[sflag:s17] =	ssyncset.done $0x0  }
0xc2: {  	[sflag:s17] =	ssyncadd.s32 $0xFFFFC000  }
0xc3: {  	_ =	swait.ge [sflag:s17], $0x4000  }
0xc4: {  	[sflag:s17] =	ssyncset.done $0x0  }
0xc5: {  	[sflag:s17] =	ssyncadd.s32 $0xFFFFC000  }
0xc6: {  	_ =	swait.ge [sflag:s17], $0x4000  }
0xc7: {  	[sflag:s17] =	ssyncset.done $0x0  }
0xc8: {  	[sflag:s17] =	ssyncadd.s32 $0xFFFFC000  }
0xc9: {  	_ =	swait.ge [sflag:s17], $0x4000  }
0xca: {  	[sflag:s17] =	ssyncset.done $0x0  }
0xcb: {  	[sflag:s17] =	ssyncadd.s32 $0xFFFFC000  }
0xcc: {  	_ =	swait.ge [sflag:s17], $0x4000  }
0xcd: {  	[sflag:s17] =	ssyncset.done $0x0  }
0xce: {  	[sflag:s17] =	ssyncadd.s32 $0xFFFFC000  }
0xcf: {  	_ =	swait.ge [sflag:s17], $0x4000  }
0xd0: {  	[sflag:s17] =	ssyncset.done $0x0  }
0xd1: {  	[sflag:s17] =	ssyncadd.s32 $0xFFFFC000  }
0xd2: {  	_ =	swait.ge [sflag:s17], $0x4000  }
0xd3: {  	[sflag:s17] =	ssyncset.done $0x0  }
0xd4: {  	[sflag:s17] =	ssyncadd.s32 $0xFFFFC000  }
0xd5: {  	_ =	swait.ge [sflag:s17], $0x4000  }
0xd6: {  	[sflag:s17] =	ssyncset.done $0x0  }
0xd7: {  	[sflag:s17] =	ssyncadd.s32 $0xFFFFC000  }
0xd8: {  	_ =	swait.ge [sflag:s17], $0x4000  }
0xd9: {  	[sflag:s17] =	ssyncset.done $0x0  }
0xda: {  	[sflag:s17] =	ssyncadd.s32 $0xFFFFC000  }
0xdb: {  	_ =	swait.ge [sflag:s17], $0x4000  }
0xdc: {  	[sflag:s17] =	ssyncset.done $0x0  }
0xdd: {  	[sflag:s17] =	ssyncadd.s32 $0xFFFFC000  }
0xde: {  	_ =	swait.ge [sflag:s17], $0x4000  }
0xdf: {  	[sflag:s17] =	ssyncset.done $0x0  }
0xe0: {  	[sflag:s17] =	ssyncadd.s32 $0xFFFFC000  }
0xe1: {  	_ =	swait.ge [sflag:s17], $0x4000  }
0xe2: {  	[sflag:s17] =	ssyncset.done $0x0  }
0xe3: {  	[sflag:s17] =	ssyncadd.s32 $0xFFFFC000  }
0xe4: {  	_ =	swait.ge [sflag:s17], $0x4000  }
0xe5: {  	[sflag:s17] =	ssyncset.done $0x0  }
0xe6: {  	[sflag:s17] =	ssyncadd.s32 $0xFFFFC000  }
0xe7: {  	_ =	swait.ge [sflag:s17], $0x4000  }
0xe8: {  	[sflag:s17] =	ssyncset.done $0x0  }
0xe9: {  	[sflag:s17] =	ssyncadd.s32 $0xFFFFC000  }
0xea: {  	_ =	swait.ge [sflag:s17], $0x4000  }
0xeb: {  	[sflag:s17] =	ssyncset.done $0x0  }
0xec: {  	[sflag:s17] =	ssyncadd.s32 $0xFFFFC000  }
0xed: {  	_ =	swait.ge [sflag:s17], $0x4000  }
0xee: {  	[sflag:s17] =	ssyncset.done $0x0  }
0xef: {  	[sflag:s17] =	ssyncadd.s32 $0xFFFFC000  }
0xf0: {  	_ =	swait.ge [sflag:s17], $0x4000  }
0xf1: {  	[sflag:s17] =	ssyncset.done $0x0  }
0xf2: {  	[sflag:s17] =	ssyncadd.s32 $0xFFFFC000  }
0xf3: {  	_ =	swait.ge [sflag:s17], $0x4000  }
0xf4: {  	[sflag:s17] =	ssyncset.done $0x0  }
0xf5: {  	[sflag:s17] =	ssyncadd.s32 $0xFFFFC000  }
0xf6: {  	_ =	swait.ge [sflag:s17], $0x4000  }
0xf7: {  	[sflag:s17] =	ssyncset.done $0x0  }
0xf8: {  	[sflag:s17] =	ssyncadd.s32 $0xFFFFC000  }
0xf9: {  	_ =	swait.ge [sflag:s17], $0x4000  }
0xfa: {  	[sflag:s17] =	ssyncset.done $0x0  }
0xfb: {  	[sflag:s17] =	ssyncadd.s32 $0xFFFFC000  }
0xfc: {  	_ =	swait.ge [sflag:s17], $0x4000  }
0xfd: {  	[sflag:s17] =	ssyncset.done $0x0  }
0xfe: {  	[sflag:s17] =	ssyncadd.s32 $0xFFFFC000  }
0xff: {  	_ =	swait.ge [sflag:s17], $0x4000  }
0x100: {  	[sflag:s17] =	ssyncset.done $0x0  }
0x101: {  	[sflag:s17] =	ssyncadd.s32 $0xFFFFC000  }
0x102: {  	_ =	swait.ge [sflag:s17], $0x4000  }
0x103: {  	[sflag:s17] =	ssyncset.done $0x0  }
0x104: {  	[sflag:s17] =	ssyncadd.s32 $0xFFFFC000  }
0x105: {  	_ =	swait.ge [sflag:s17], $0x4000  }
0x106: {  	[sflag:s17] =	ssyncset.done $0x0  }
0x107: {  	[sflag:s17] =	ssyncadd.s32 $0xFFFFC000  }
0x108: {  	_ =	swait.ge [sflag:s17], $0x4000  }
0x109: {  	[sflag:s17] =	ssyncset.done $0x0  }
0x10a: {  	[sflag:s17] =	ssyncadd.s32 $0xFFFFC000  }
0x10b: {  	_ =	swait.ge [sflag:s17], $0x4000  }
0x10c: {  	[sflag:s17] =	ssyncset.done $0x0  }
0x10d: {  	[sflag:s17] =	ssyncadd.s32 $0xFFFFC000  }
0x10e: {  	_ =	swait.ge [sflag:s17], $0x4000  }
0x10f: {  	[sflag:s17] =	ssyncset.done $0x0  }
0x110: {  	[sflag:s17] =	ssyncadd.s32 $0xFFFFC000  }
0x111: {  	_ =	swait.ge [sflag:s17], $0x4000  }
0x112: {  	[sflag:s17] =	ssyncset.done $0x0  }
0x113: {  	[sflag:s17] =	ssyncadd.s32 $0xFFFFC000  }
0x114: {  	_ =	swait.ge [sflag:s17], $0x4000  }
0x115: {  	[sflag:s17] =	ssyncset.done $0x0  }
0x116: {  	[sflag:s17] =	ssyncadd.s32 $0xFFFFC000  }
0x117: {  	_ =	swait.ge [sflag:s17], $0x4000  }
0x118: {  	[sflag:s17] =	ssyncset.done $0x0  }
0x119: {  	s22 =	simm.s32 $0x0;
	[sflag:s17] =	ssyncadd.s32 $0xFFFFC000  }
0x11a: {  	v12 =	vld [tilespmem:s22+$0x5100]  }
0x11b: {  	v14 =	vld [tilespmem:s22+$0x5110]  }
0x11c: {  	v13 =	vld [tilespmem:s22+$0x5120]  }
0x11d: {  	v11 =	vld [tilespmem:s22+$0x5130]  }
0x11e: {  	v9 =	vld [tilespmem:s22+$0x5140]  }
0x11f: {  	v10 =	vld [tilespmem:s22+$0x5150];
	v15 =	vmul.f32 v12, v8  }
0x120: {  	s23 =	simm.s32 $0x200;
	v14 =	vmul.f32 v14, v8;
	v12 =	vld [tilespmem:s22+$0x5160]  }
.LBB2_4:
0x121: {  	s24 =	sshra.s32 s23, $0x2;
	p0 =	sne.s32 s23, $0xFE00;
	[tilespmem:s22+$0x5100] =	vst v15;
	v13 =	vmul.f32 v13, v8;
	v15 =	vld [tilespmem:s22+$0x5170]  }
0x122: {  	v16 =	vld [tilespmem:s24+$0x5100];
	[tilespmem:s22+$0x5110] =	vst v14;
	v11 =	vmul.f32 v11, v8  }
0x123: {  	v14 =	vld [tilespmem:s24+$0x5110];
	[tilespmem:s22+$0x5120] =	vst v13;
	v9 =	vmul.f32 v9, v8  }
.Ltmp1:
0x124: {  	v13 =	vld [tilespmem:s24+$0x5120];
	[tilespmem:s22+$0x5130] =	vst v11;
	v10 =	vmul.f32 v10, v8;
	(pc) =	sbr.rel @p0 .LBB2_4-.Ltmp1, $4  }
0x125: {  	v11 =	vld [tilespmem:s24+$0x5130];
	[tilespmem:s22+$0x5140] =	vst v9;
	v12 =	vmul.f32 v12, v8  }
0x126: {  	v9 =	vld [tilespmem:s24+$0x5140];
	[tilespmem:s22+$0x5150] =	vst v10;
	v17 =	vmul.f32 v15, v8  }
0x127: {  	v15 =	vmul.f32 v16, v8;
	v10 =	vld [tilespmem:s24+$0x5150];
	[tilespmem:s22+$0x5160] =	vst v12  }
0x128: {  	s23 =	sadd.s32 $0x200, s23;
	v14 =	vmul.f32 v14, v8;
	v12 =	vld [tilespmem:s24+$0x5160];
	[tilespmem:s22+$0x5170] =	vst v17;
	s22 =	smov.u32 s24  }
0x129: {  	[tilespmem:s22+$0x5100] =	vst v15;
	v13 =	vmul.f32 v13, v8;
	v62 =	vld [tilespmem:s22+$0x5170]  }
0x12a: {  	[tilespmem:s22+$0x5110] =	vst v14;
	v11 =	vmul.f32 v11, v8  }
0x12b: {  	[tilespmem:s22+$0x5120] =	vst v13;
	v9 =	vmul.f32 v9, v8  }
0x12c: {  	[tilespmem:s22+$0x5130] =	vst v11;
	v10 =	vmul.f32 v10, v8  }
0x12d: {  	[tilespmem:s22+$0x5140] =	vst v9;
	v63 =	vmul.f32 v12, v8  }
0x12e: {  	s21 =	sadd.s32 $0x1, s21;
	[tilespmem:s22+$0x5150] =	vst v10;
	v8 =	vmul.f32 v62, v8  }
0x12f: {  	p0 =	sne.s32 s21, s10;
	[tilespmem:s22+$0x5160] =	vst v63  }
.Ltmp2:
0x130: {  	[tilespmem:s22+$0x5170] =	vst v8;
	(pc) =	sbr.rel @p0 .LBB2_1-.Ltmp2, $4  }
0x131: {  	[hbm4b:s9+s3] =	stream.linear.scatter [tilespmem:s19], [sflag:$0x3], $0x4000, $0x38;
	[tilespmem:$0xD180] =	vst v63  }
0x132: {  	_ =	swait.ge [sflag:s12], $0x4000  }
0x133: {  	[sflag:s12] =	ssyncset.done $0x0  }
0x134: {  	[sflag:s12] =	ssyncadd.s32 $0xFFFFC000  }
0x135: {  	_ =	sfence.sel $0x180000  }
0x136: {  	[bflag:$0x0] =	sbarrier.arrive $0xFFFF  }
0x137: {  	_ =	strace $0x90000047  }
0x138: {  	s0 =	stileid.u32;
	[bflag:$0x2] =	sbarrier.arrive $0xFFFF  }
0x139: {  	p0 =	sne.s32 s0, $0x0;
	s0 =	rddreg [dreg:$0x4]  }
0x13a: {  	s0 =	sadd.s32 @!p0 $0x100000, s0  }
0x13b: {  	[sflag:s0] =	ssyncadd.tile.s32 @!p0 $0x1;
	_ =	shalt  }
.Lfunc_end2:
_tile_overlayer_lowered:
.L_overlay_start_2:
0x13c: {  	(tag) =	ssettag $0x2  }
0x13d: {  	s0 =	rddreg [dreg:$0x0];
	s2 =	stileid.u32  }
0x13e: {  	s1 =	rddreg [dreg:$0x1];
	p0 =	sne.s32 s2, $0x0  }
0x13f: {  	s3 =	rddreg [dreg:$0x2];
	[bflag:$0x3] =	sbarrier.arrive $0xFFFF;
	s2 =	simm.s32 @!p0 $0x1C03  }
0x140: {  	[timem:s3], [sflag:s2] =	dma.local @!p0 [hbm:s0], s1  }
0x141: {  	s0 =	simm.s32 @!p0 $0x3  }
0x142: {  	_ =	swait.ge @!p0 [sflag:s0], s1  }
0x143: {  	s1 =	ssub.s32 @!p0 $0x0, s1;
	[sflag:s0] =	ssyncset.done @!p0 $0x0  }
0x144: {  	[sflag:s0] =	ssyncadd.s32 @!p0 s1  }
0x145: {  	[bflag:$0x3] =	sbarrier.arrive $0xFFFF  }
0x146: {  	_ =	shalt  }

</sc_bundles>
